<compile_context>
chip_gen: v7x
topology: tpu7x:2x2x1
jax: 0.10.2.dev20260603
libtpu: 0.0.44.dev20260713+nightly
codegen_flags: <defaults>
</compile_context>

<pallas_src>
import functools

import jax
import jax.numpy as jnp
from jax import lax
from jax.experimental import pallas as pl
from jax.experimental.pallas import tpu as pltpu
from jax.experimental.pallas import tpu_sc as plsc

N = 10000
NP = 10240
E = 320000
D = 128
DH = D // 2
DE = 16
H = 4 * D

NC = 2
NS = 16
L = 16
EPW = E // NS
B = 80
CH = EPW // B
RPT = NP // NS
ACR = N // NS
ZR = 125

_f32 = jnp.float32


def _fold_body(w1_ref, w2_ref, b1_ref, b2_ref, w12_ref, bb_ref):
    w2 = w2_ref[...]
    w12_ref[...] = jnp.dot(w1_ref[...], w2, preferred_element_type=_f32)
    bb_ref[...] = jnp.dot(b1_ref[...], w2, preferred_element_type=_f32) + b2_ref[...]


def _fold(W1, W2, b1, b2):
    return pl.pallas_call(
        _fold_body,
        out_shape=(
            jax.ShapeDtypeStruct((2 * D + DE, D), _f32),
            jax.ShapeDtypeStruct((1, D), _f32),
        ),
    )(W1, W2, b1.reshape(1, D), b2.reshape(1, D))


_PQ_BN = 1024


def _pq_body(x_ref, w12_ref, pa_ref, pb_ref, qa_ref, qb_ref):
    xb = x_ref[...]
    p = jnp.dot(xb, w12_ref[:D, :], preferred_element_type=_f32)
    q = jnp.dot(xb, w12_ref[D:2 * D, :], preferred_element_type=_f32)
    pa_ref[...] = p[:, :DH]
    pb_ref[...] = p[:, DH:]
    qa_ref[...] = q[:, :DH]
    qb_ref[...] = q[:, DH:]


def _pq(x, W12):
    half = jax.ShapeDtypeStruct((NP, DH), _f32)
    return pl.pallas_call(
        _pq_body,
        grid=(NP // _PQ_BN,),
        in_specs=[
            pl.BlockSpec((_PQ_BN, D), lambda i: (i, 0)),
            pl.BlockSpec((2 * D + DE, D), lambda i: (0, 0)),
        ],
        out_specs=tuple(
            pl.BlockSpec((_PQ_BN, DH), lambda i: (i, 0)) for _ in range(4)),
        out_shape=(half, half, half, half),
    )(x, W12)


_R_BN = 4000


def _r_body(ea_ref, w12_ref, bb_ref, r_ref):
    r_ref[...] = (
        jnp.dot(ea_ref[...], w12_ref[2 * D:, :], preferred_element_type=_f32)
        + bb_ref[...])


def _r(edge_attr, W12, bb):
    return pl.pallas_call(
        _r_body,
        grid=(E // _R_BN,),
        in_specs=[
            pl.BlockSpec((_R_BN, DE), lambda i: (i, 0)),
            pl.BlockSpec((2 * D + DE, D), lambda i: (0, 0)),
            pl.BlockSpec((1, D), lambda i: (0, 0)),
        ],
        out_specs=pl.BlockSpec((_R_BN, D), lambda i: (i, 0)),
        out_shape=jax.ShapeDtypeStruct((E, D), _f32),
    )(edge_attr, W12, bb)


def _sc_edge_body(pa_hbm, pb_hbm, qa_hbm, qb_hbm, r_hbm,
                  dst_hbm, src_hbm,
                  s0_out, s1_out, c0_out, c1_out,
                  di0, si0, di1, si1, sdi0, sdi1,
                  p0, q0, r0, o0, p1, q1, r1, o1, ones_v, zc_v,
                  s_sh, c_sh, g0, g1, gi0, gi1, ss0, ss1, cs):
    c = lax.axis_index("c")
    s = lax.axis_index("s")
    base_row = s * ACR

    zeros16 = jnp.zeros((L,), _f32)
    ones16 = jnp.ones((L,), _f32)

    def _zrow(i, carry):
        for j in range(DH // L):
            o0[i, pl.ds(j * L, L)] = zeros16
        zc_v[i, :] = zeros16
        ones_v[i, :] = ones16
        return carry

    lax.fori_loop(0, B, _zrow, 0)

    nb = ACR // B
    rem = ACR - nb * B
    for k in range(nb):
        pltpu.sync_copy(o0, s_sh.at[pl.ds(base_row + k * B, B)])
        pltpu.sync_copy(zc_v, c_sh.at[pl.ds(base_row + k * B, B)])
    pltpu.sync_copy(o0.at[pl.ds(0, rem)],
                    s_sh.at[pl.ds(base_row + nb * B, rem)])
    pltpu.sync_copy(zc_v.at[pl.ds(0, rem)],
                    c_sh.at[pl.ds(base_row + nb * B, rem)])

    plsc.subcore_barrier()

    roff = c * DH

    def _run(p_hbm, q_hbm, cpar):
        bufs = ((di0, si0, sdi0, p0, q0, r0, o0, g0, gi0, ss0),
                (di1, si1, sdi1, p1, q1, r1, o1, g1, gi1, ss1))

        def _idx_loads(ci, par):
            di, si, _, _, _, _, _, _, gi, _ = bufs[par]
            return (
                pltpu.make_async_copy(dst_hbm.at[s, ci], di, gi),
                pltpu.make_async_copy(src_hbm.at[s, ci], si, gi),
            )

        def _gathers(ci, par):
            di, si, _, p_v, q_v, r_v, _, g, _, _ = bufs[par]
            eb = s * EPW + ci * B
            return (
                pltpu.make_async_copy(p_hbm.at[di], p_v, g),
                pltpu.make_async_copy(q_hbm.at[si], q_v, g),
                pltpu.make_async_copy(
                    r_hbm.at[pl.ds(eb, B), pl.ds(roff, DH)], r_v, g),
            )

        for d in _idx_loads(0, 0) + _idx_loads(1, 1):
            d.start()
        for d in _idx_loads(0, 0):
            d.wait()
        for d in _gathers(0, 0):
            d.start()

        def _outer(k, carry):
            for par in (0, 1):
                ci = 2 * k + par
                di, si, sdi, p_v, q_v, r_v, o_v, g, gi, ss = bufs[par]

                @pl.when(ci >= 2)
                def _():
                    pltpu.make_async_copy(o_v, s_sh.at[sdi], ss).wait()
                    if par == cpar:
                        pltpu.make_async_copy(
                            ones_v, c_sh.at[sdi], cs).wait()

                for d in _gathers(ci, par):
                    d.wait()

                @pl.when(ci + 1 < CH)
                def _():
                    for d in _idx_loads(ci + 1, 1 - par):
                        d.wait()
                    for d in _gathers(ci + 1, 1 - par):
                        d.start()

                def _edge(i, icarry):
                    for j in range(DH // L):
                        slc = pl.ds(j * L, L)
                        m = p_v[i, slc] + q_v[i, slc] + r_v[i, slc]
                        o_v[i, slc] = 1.0 / (1.0 + jnp.exp(-m))
                    return icarry

                lax.fori_loop(0, B, _edge, 0)

                def _icp(gi2, icarry):
                    slc = pl.ds(gi2 * L, L)
                    sdi[slc] = di[slc]
                    return icarry

                lax.fori_loop(0, B // L, _icp, 0)

                pltpu.async_copy(o_v, s_sh.at[sdi], ss, add=True)
                if par == cpar:
                    pltpu.async_copy(ones_v, c_sh.at[sdi], cs, add=True)

                @pl.when(ci + 2 < CH)
                def _():
                    for d in _idx_loads(ci + 2, par):
                        d.start()
            return carry

        lax.fori_loop(0, CH // 2, _outer, 0)

        pltpu.make_async_copy(o0, s_sh.at[sdi0], ss0).wait()
        pltpu.make_async_copy(o1, s_sh.at[sdi1], ss1).wait()
        sdic = sdi0 if cpar == 0 else sdi1
        pltpu.make_async_copy(ones_v, c_sh.at[sdic], cs).wait()

    @pl.when(c == 0)
    def _():
        _run(pa_hbm, qa_hbm, 0)

    @pl.when(c == 1)
    def _():
        _run(pb_hbm, qb_hbm, 1)

    plsc.subcore_barrier()

    sl = pl.ds(base_row, ACR)

    @pl.when(c == 0)
    def _():
        pltpu.sync_copy(s_sh.at[sl], s0_out.at[sl])
        pltpu.sync_copy(c_sh.at[sl], c0_out.at[sl])

    @pl.when(c == 1)
    def _():
        pltpu.sync_copy(s_sh.at[sl], s1_out.at[sl])
        pltpu.sync_copy(c_sh.at[sl], c1_out.at[sl])


def _sc_edge(Pa, Pb, Qa, Qb, R, dst3d, src3d):
    mesh = plsc.VectorSubcoreMesh(core_axis_name="c", subcore_axis_name="s")
    buf = pltpu.VMEM((B, DH), _f32)
    ibuf = pltpu.VMEM((B,), jnp.int32)
    fn = functools.partial(
        pl.kernel,
        out_type=(
            jax.ShapeDtypeStruct((NP, DH), _f32),
            jax.ShapeDtypeStruct((NP, DH), _f32),
            jax.ShapeDtypeStruct((NP, L), _f32),
            jax.ShapeDtypeStruct((NP, L), _f32),
        ),
        mesh=mesh,
        compiler_params=pltpu.CompilerParams(use_tc_tiling_on_sc=False),
        scratch_types=[
            ibuf, ibuf, ibuf, ibuf, ibuf, ibuf,
            buf, buf, buf, buf, buf, buf, buf, buf,
            pltpu.VMEM((B, L), _f32),
            pltpu.VMEM((B, L), _f32),
            pltpu.VMEM_SHARED((N, DH), _f32),
            pltpu.VMEM_SHARED((N, L), _f32),
        ] + [pltpu.SemaphoreType.DMA] * 7,
    )(_sc_edge_body)
    return fn(Pa, Pb, Qa, Qb, R, dst3d, src3d)


_PO_BN = 1024


def _ln(h, g, b):
    mu = jnp.mean(h, axis=-1, keepdims=True)
    zc = h - mu
    var = jnp.mean(zc * zc, axis=-1, keepdims=True)
    return zc * lax.rsqrt(var + 1e-5) * g + b


def _post_body(x_ref, s0_ref, s1_ref, c0_ref, c1_ref,
               w3_ref, b3_ref, w4_ref, b4_ref, w5_ref, b5_ref,
               g1_ref, bb1_ref, g2_ref, bb2_ref, out_ref):
    S = jnp.concatenate([s0_ref[...], s1_ref[...]], axis=-1)
    cnt = c0_ref[...][:, :1] + c1_ref[...][:, :1]
    A = jnp.dot(S, w3_ref[...], preferred_element_type=_f32)
    dh = (A + cnt * b3_ref[...]) / jnp.maximum(cnt, 1.0)
    h = _ln(x_ref[...] + dh, g1_ref[...], bb1_ref[...])
    t = jnp.dot(h, w4_ref[...], preferred_element_type=_f32) + b4_ref[...]
    hid = 1.0 / (1.0 + jnp.exp(-t))
    ff = jnp.dot(hid, w5_ref[...], preferred_element_type=_f32) + b5_ref[...]
    out_ref[...] = _ln(h + ff, g2_ref[...], bb2_ref[...])


def _post(x, S0, S1, C0, C1, W3, b3, W4, b4, W5, b5, g1, bb1, g2, bb2):
    row = lambda i: (i, 0)
    const2 = lambda shape: pl.BlockSpec(shape, lambda i: (0, 0))
    return pl.pallas_call(
        _post_body,
        grid=(NP // _PO_BN,),
        in_specs=[
            pl.BlockSpec((_PO_BN, D), row),
            pl.BlockSpec((_PO_BN, DH), row),
            pl.BlockSpec((_PO_BN, DH), row),
            pl.BlockSpec((_PO_BN, L), row),
            pl.BlockSpec((_PO_BN, L), row),
            const2((D, D)),
            const2((1, D)),
            const2((D, H)),
            const2((1, H)),
            const2((H, D)),
            const2((1, D)),
            const2((1, D)),
            const2((1, D)),
            const2((1, D)),
            const2((1, D)),
        ],
        out_specs=pl.BlockSpec((_PO_BN, D), row),
        out_shape=jax.ShapeDtypeStruct((NP, D), _f32),
    )(x, S0, S1, C0, C1, W3, b3.reshape(1, D), W4, b4.reshape(1, H),
      W5, b5.reshape(1, D), g1.reshape(1, D), bb1.reshape(1, D),
      g2.reshape(1, D), bb2.reshape(1, D))


def kernel(x, edge_index, edge_attr, W1, b1, W2, b2, W3, b3, W4, b4, W5, b5,
           ln1_g, ln1_b, ln2_g, ln2_b):
    W12, bb = _fold(W1, W2, b1, b2)
    xp = jnp.pad(x, ((0, NP - N), (0, 0)))
    Pa, Pb, Qa, Qb = _pq(xp, W12)
    R = _r(edge_attr, W12, bb)
    src = edge_index[0].astype(jnp.int32).reshape(NS, CH, B)
    dst = edge_index[1].astype(jnp.int32).reshape(NS, CH, B)
    S0, S1, C0, C1 = _sc_edge(Pa, Pb, Qa, Qb, R, dst, src)
    out = _post(xp, S0, S1, C0, C1, W3, b3, W4, b4, W5, b5,
                ln1_g, ln1_b, ln2_g, ln2_b)
    return out[:N]

# --- scband reference (transcript-rebuilt; emitter-appended) ---
"""Pipeline reference for scband-gnnconv-layer-55929064129202 (READ-ONLY COPY).

The authoritative reference and input builder live on the scoring server;
editing this copy changes nothing except your own understanding.
"""

import jax, jax.numpy as jnp
import numpy as np

N = 10000
E = 320000
D = 128      # node_dims
DE = 16      # edge_dims
H = 4 * D    # feedforward hidden


def _layer_norm(h, g, b, eps=1e-5):
    mu = jnp.mean(h, axis=-1, keepdims=True)
    var = jnp.var(h, axis=-1, keepdims=True)
    return (h - mu) / jnp.sqrt(var + eps) * g + b


def setup_inputs(seed: int = 0) -> dict:
    key = jax.random.key(seed)
    ks = jax.random.split(key, 20)
    x = jax.random.normal(ks[0], (N, D), dtype=jnp.float32)
    edge_index = jax.random.randint(ks[1], (2, E), 0, N)
    edge_attr = jax.random.normal(ks[2], (E, DE), dtype=jnp.float32)

    def lin(k, fan_in, fan_out):
        bound = 1.0 / np.sqrt(fan_in)
        k1, k2 = jax.random.split(k)
        W = jax.random.uniform(k1, (fan_in, fan_out), jnp.float32, -bound, bound)
        b = jax.random.uniform(k2, (fan_out,), jnp.float32, -bound, bound)
        return W, b

    # message function: Linear(2D+DE, D), Linear(D, D), Sigmoid, Linear(D, D)
    W1, b1 = lin(ks[3], 2 * D + DE, D)
    W2, b2 = lin(ks[4], D, D)
    W3, b3 = lin(ks[5], D, D)
    # feedforward: Linear(D, 4D), Sigmoid, Linear(4D, D)
    W4, b4 = lin(ks[6], D, H)
    W5, b5 = lin(ks[7], H, D)
    # two layer norms
    ln1_g = jnp.ones((D,), jnp.float32)
    ln1_b = jnp.zeros((D,), jnp.float32)
    ln2_g = jnp.ones((D,), jnp.float32)
    ln2_b = jnp.zeros((D,), jnp.float32)
    return {
        "x": x, "edge_index": edge_index, "edge_attr": edge_attr,
        "W1": W1, "b1": b1, "W2": W2, "b2": b2, "W3": W3, "b3": b3,
        "W4": W4, "b4": b4, "W5": W5, "b5": b5,
        "ln1_g": ln1_g, "ln1_b": ln1_b, "ln2_g": ln2_g, "ln2_b": ln2_b,
    }


def reference(x, edge_index, edge_attr, W1, b1, W2, b2, W3, b3,
              W4, b4, W5, b5, ln1_g, ln1_b, ln2_g, ln2_b):
    src = edge_index[0]  # j
    dst = edge_index[1]  # i (aggregation target)
    # message: cat([x_i, x_j, edge_attr]) -> message_func
    m = jnp.concatenate([jnp.take(x, dst, axis=0),
                         jnp.take(x, src, axis=0),
                         edge_attr], axis=-1)
    m = m @ W1 + b1
    m = m @ W2 + b2
    m = jax.nn.sigmoid(m)
    m = m @ W3 + b3
    # aggr='mean'
    agg = jax.ops.segment_sum(m, dst, num_segments=N)
    cnt = jax.ops.segment_sum(jnp.ones((E,), jnp.float32), dst, num_segments=N)
    dh = agg / jnp.clip(cnt, 1.0, None)[:, None]
    # dropout is identity in eval mode
    h = _layer_norm(x + dh, ln1_g, ln1_b)
    ff = jax.nn.sigmoid(h @ W4 + b4) @ W5 + b5
    out = _layer_norm(h + ff, ln2_g, ln2_b)
    return out

if __name__ == "__main__":
    import jax
    _d = setup_inputs()
    print(jax.jit(kernel)(*tuple(_d.values())))

</pallas_src>

<mosaic_0001>
#map = affine_map<(d0, d1) -> (0, 0)>
#map1 = affine_map<(d0, d1) -> (0, 0, 0)>
module attributes {stable_mosaic.version = 14 : i64} {
  func.func @_sc_edge_body(%arg0: i32, %arg1: i32, %arg2: memref<10240x64xf32, #tpu.memory_space<hbm>>, %arg3: memref<10240x64xf32, #tpu.memory_space<hbm>>, %arg4: memref<10240x64xf32, #tpu.memory_space<hbm>>, %arg5: memref<10240x64xf32, #tpu.memory_space<hbm>>, %arg6: memref<320000x128xf32, #tpu.memory_space<hbm>>, %arg7: memref<16x250x80xi32, #tpu.memory_space<hbm>>, %arg8: memref<16x250x80xi32, #tpu.memory_space<hbm>>, %arg9: memref<10240x64xf32, #tpu.memory_space<hbm>>, %arg10: memref<10240x64xf32, #tpu.memory_space<hbm>>, %arg11: memref<10240x16xf32, #tpu.memory_space<hbm>>, %arg12: memref<10240x16xf32, #tpu.memory_space<hbm>>, %arg13: memref<80xi32, #tpu.memory_space<vmem>>, %arg14: memref<80xi32, #tpu.memory_space<vmem>>, %arg15: memref<80xi32, #tpu.memory_space<vmem>>, %arg16: memref<80xi32, #tpu.memory_space<vmem>>, %arg17: memref<80xi32, #tpu.memory_space<vmem>>, %arg18: memref<80xi32, #tpu.memory_space<vmem>>, %arg19: memref<80x64xf32, #tpu.memory_space<vmem>>, %arg20: memref<80x64xf32, #tpu.memory_space<vmem>>, %arg21: memref<80x64xf32, #tpu.memory_space<vmem>>, %arg22: memref<80x64xf32, #tpu.memory_space<vmem>>, %arg23: memref<80x64xf32, #tpu.memory_space<vmem>>, %arg24: memref<80x64xf32, #tpu.memory_space<vmem>>, %arg25: memref<80x64xf32, #tpu.memory_space<vmem>>, %arg26: memref<80x64xf32, #tpu.memory_space<vmem>>, %arg27: memref<80x16xf32, #tpu.memory_space<vmem>>, %arg28: memref<80x16xf32, #tpu.memory_space<vmem>>, %arg29: memref<10000x64xf32, #tpu.memory_space<vmem_shared>>, %arg30: memref<10000x16xf32, #tpu.memory_space<vmem_shared>>, %arg31: memref<!tpu.dma_semaphore, #tpu.memory_space<semaphore_mem>>, %arg32: memref<!tpu.dma_semaphore, #tpu.memory_space<semaphore_mem>>, %arg33: memref<!tpu.dma_semaphore, #tpu.memory_space<semaphore_mem>>, %arg34: memref<!tpu.dma_semaphore, #tpu.memory_space<semaphore_mem>>, %arg35: memref<!tpu.dma_semaphore, #tpu.memory_space<semaphore_mem>>, %arg36: memref<!tpu.dma_semaphore, #tpu.memory_space<semaphore_mem>>, %arg37: memref<!tpu.dma_semaphore, #tpu.memory_space<semaphore_mem>>) attributes {dimension_semantics = [#tpu.dimension_semantics<core_parallel>, #tpu.dimension_semantics<subcore_parallel>], iteration_bounds = array<i64: 2, 16>, scalar_prefetch = 0 : i64, scratch_operands = 25 : i64, tpu.core_type = #tpu.core_type<sc_vector_subcore>, window_params = [{transform_indices = #map}, {transform_indices = #map}, {transform_indices = #map}, {transform_indices = #map}, {transform_indices = #map}, {transform_indices = #map1}, {transform_indices = #map1}, {transform_indices = #map}, {transform_indices = #map}, {transform_indices = #map}, {transform_indices = #map}]} {
    %mul3A = arith.constant 625 : i32
    %mul3A_0 = arith.muli %arg1, %mul3A : i32
    %broadcast_in_dim3A = arith.constant 0.000000e+00 : f32
    %broadcast_in_dim3A_1 = vector.broadcast %broadcast_in_dim3A : f32 to vector<16xf32>
    %broadcast_in_dim3A_2 = arith.constant 1.000000e+00 : f32
    %broadcast_in_dim3A_3 = vector.broadcast %broadcast_in_dim3A_2 : f32 to vector<16xf32>
    %scan3A = arith.constant 0 : i32
    %scan3A_4 = arith.constant 0 : i32
    %scan3A_5 = arith.constant 80 : i32
    %scan3A_6 = arith.addi %scan3A_4, %scan3A_5 : i32
    %scan3A_7 = arith.constant 1 : i32
    scf.for %scan3A_60 = %scan3A_4 to %scan3A_6 step %scan3A_7  : i32 {
      %swap3A = arith.index_cast %scan3A_60 : i32 to index
      %swap3A_61 = arith.constant 0 : index
      %swap3A_62 = tpu.vector_load %arg22[%swap3A, %swap3A_61] {strides = array<i32>} : memref<80x64xf32, #tpu.memory_space<vmem>>, vector<1x16xf32>,
      %swap3A_63 = vector.shape_cast %swap3A_62 : vector<1x16xf32> to vector<16xf32>
      %swap3A_64 = vector.shape_cast %broadcast_in_dim3A_1 : vector<16xf32> to vector<1x16xf32>
      tpu.vector_store %arg22[%swap3A, %swap3A_61], %swap3A_64 {strides = array<i32>} : memref<80x64xf32, #tpu.memory_space<vmem>>, vector<1x16xf32>,
      %swap3A_65 = arith.index_cast %scan3A_60 : i32 to index
      %swap3A_66 = arith.constant 16 : index
      %swap3A_67 = tpu.vector_load %arg22[%swap3A_65, %swap3A_66] {strides = array<i32>} : memref<80x64xf32, #tpu.memory_space<vmem>>, vector<1x16xf32>,
      %swap3A_68 = vector.shape_cast %swap3A_67 : vector<1x16xf32> to vector<16xf32>
      %swap3A_69 = vector.shape_cast %broadcast_in_dim3A_1 : vector<16xf32> to vector<1x16xf32>
      tpu.vector_store %arg22[%swap3A_65, %swap3A_66], %swap3A_69 {strides = array<i32>} : memref<80x64xf32, #tpu.memory_space<vmem>>, vector<1x16xf32>,
      %swap3A_70 = arith.index_cast %scan3A_60 : i32 to index
      %swap3A_71 = arith.constant 32 : index
      %swap3A_72 = tpu.vector_load %arg22[%swap3A_70, %swap3A_71] {strides = array<i32>} : memref<80x64xf32, #tpu.memory_space<vmem>>, vector<1x16xf32>,
      %swap3A_73 = vector.shape_cast %swap3A_72 : vector<1x16xf32> to vector<16xf32>
      %swap3A_74 = vector.shape_cast %broadcast_in_dim3A_1 : vector<16xf32> to vector<1x16xf32>
      tpu.vector_store %arg22[%swap3A_70, %swap3A_71], %swap3A_74 {strides = array<i32>} : memref<80x64xf32, #tpu.memory_space<vmem>>, vector<1x16xf32>,
      %swap3A_75 = arith.index_cast %scan3A_60 : i32 to index
      %swap3A_76 = arith.constant 48 : index
      %swap3A_77 = tpu.vector_load %arg22[%swap3A_75, %swap3A_76] {strides = array<i32>} : memref<80x64xf32, #tpu.memory_space<vmem>>, vector<1x16xf32>,
      %swap3A_78 = vector.shape_cast %swap3A_77 : vector<1x16xf32> to vector<16xf32>
      %swap3A_79 = vector.shape_cast %broadcast_in_dim3A_1 : vector<16xf32> to vector<1x16xf32>
      tpu.vector_store %arg22[%swap3A_75, %swap3A_76], %swap3A_79 {strides = array<i32>} : memref<80x64xf32, #tpu.memory_space<vmem>>, vector<1x16xf32>,
      %swap3A_80 = arith.index_cast %scan3A_60 : i32 to index
      %swap3A_81 = arith.constant 0 : index
      %swap3A_82 = tpu.vector_load %arg28[%swap3A_80, %swap3A_81] {strides = array<i32>} : memref<80x16xf32, #tpu.memory_space<vmem>>, vector<1x16xf32>,
      %swap3A_83 = vector.shape_cast %swap3A_82 : vector<1x16xf32> to vector<16xf32>
      %swap3A_84 = vector.shape_cast %broadcast_in_dim3A_1 : vector<16xf32> to vector<1x16xf32>
      tpu.vector_store %arg28[%swap3A_80, %swap3A_81], %swap3A_84 {strides = array<i32>} : memref<80x16xf32, #tpu.memory_space<vmem>>, vector<1x16xf32>,
      %swap3A_85 = arith.index_cast %scan3A_60 : i32 to index
      %swap3A_86 = arith.constant 0 : index
      %swap3A_87 = tpu.vector_load %arg27[%swap3A_85, %swap3A_86] {strides = array<i32>} : memref<80x16xf32, #tpu.memory_space<vmem>>, vector<1x16xf32>,
      %swap3A_88 = vector.shape_cast %swap3A_87 : vector<1x16xf32> to vector<16xf32>
      %swap3A_89 = vector.shape_cast %broadcast_in_dim3A_3 : vector<16xf32> to vector<1x16xf32>
      tpu.vector_store %arg27[%swap3A_85, %swap3A_86], %swap3A_89 {strides = array<i32>} : memref<80x16xf32, #tpu.memory_space<vmem>>, vector<1x16xf32>,
    }
    %scan3A_8 = arith.constant 80 : i32
    %add3A = arith.constant 0 : i32
    %add3A_9 = arith.addi %mul3A_0, %add3A : i32
    "tpu.region"() ({
      %run_scoped3A = tpu.sem_alloc : memref<!tpu.dma_semaphore, #tpu.memory_space<semaphore_mem>>
      %dma_start3A = arith.constant 0 : i32
      %dma_start3A_60 = tpu.memref_slice %arg29[%add3A_9, %dma_start3A] : memref<10000x64xf32, #tpu.memory_space<vmem_shared>> -> memref<80x64xf32, #tpu.memory_space<vmem_shared>>
      %dma_start3A_61 = arith.constant 0 : i32
      %dma_start3A_62 = tpu.memref_slice %arg29[%add3A_9, %dma_start3A_61] : memref<10000x64xf32, #tpu.memory_space<vmem_shared>> -> memref<80x64xf32, #tpu.memory_space<vmem_shared>>
      tpu.enqueue_dma source(%arg22 : memref<80x64xf32, #tpu.memory_space<vmem>>) target(%dma_start3A_62 : memref<80x64xf32, #tpu.memory_space<vmem_shared>>) target_semaphore(%run_scoped3A : memref<!tpu.dma_semaphore, #tpu.memory_space<semaphore_mem>>)
      %dma_wait3A = arith.constant 0 : i32
      %dma_wait3A_63 = tpu.memref_slice %arg29[%add3A_9, %dma_wait3A] : memref<10000x64xf32, #tpu.memory_space<vmem_shared>> -> memref<80x64xf32, #tpu.memory_space<vmem_shared>>
      %dma_wait3A_64 = arith.constant 0 : i32
      %dma_wait3A_65 = tpu.memref_slice %arg29[%add3A_9, %dma_wait3A_64] : memref<10000x64xf32, #tpu.memory_space<vmem_shared>> -> memref<80x64xf32, #tpu.memory_space<vmem_shared>>
      tpu.wait_dma2 semaphore(%run_scoped3A : memref<!tpu.dma_semaphore, #tpu.memory_space<semaphore_mem>>) src(%arg22 : memref<80x64xf32, #tpu.memory_space<vmem>>) dst(%dma_wait3A_65 : memref<80x64xf32, #tpu.memory_space<vmem_shared>>)
      tpu.yield
    }) : () -> ()
    %add3A_10 = arith.constant 0 : i32
    %add3A_11 = arith.addi %mul3A_0, %add3A_10 : i32
    "tpu.region"() ({
      %run_scoped3A = tpu.sem_alloc : memref<!tpu.dma_semaphore, #tpu.memory_space<semaphore_mem>>
      %dma_start3A = arith.constant 0 : i32
      %dma_start3A_60 = tpu.memref_slice %arg30[%add3A_11, %dma_start3A] : memref<10000x16xf32, #tpu.memory_space<vmem_shared>> -> memref<80x16xf32, #tpu.memory_space<vmem_shared>>
      %dma_start3A_61 = arith.constant 0 : i32
      %dma_start3A_62 = tpu.memref_slice %arg30[%add3A_11, %dma_start3A_61] : memref<10000x16xf32, #tpu.memory_space<vmem_shared>> -> memref<80x16xf32, #tpu.memory_space<vmem_shared>>
      tpu.enqueue_dma source(%arg28 : memref<80x16xf32, #tpu.memory_space<vmem>>) target(%dma_start3A_62 : memref<80x16xf32, #tpu.memory_space<vmem_shared>>) target_semaphore(%run_scoped3A : memref<!tpu.dma_semaphore, #tpu.memory_space<semaphore_mem>>)
      %dma_wait3A = arith.constant 0 : i32
      %dma_wait3A_63 = tpu.memref_slice %arg30[%add3A_11, %dma_wait3A] : memref<10000x16xf32, #tpu.memory_space<vmem_shared>> -> memref<80x16xf32, #tpu.memory_space<vmem_shared>>
      %dma_wait3A_64 = arith.constant 0 : i32
      %dma_wait3A_65 = tpu.memref_slice %arg30[%add3A_11, %dma_wait3A_64] : memref<10000x16xf32, #tpu.memory_space<vmem_shared>> -> memref<80x16xf32, #tpu.memory_space<vmem_shared>>
      tpu.wait_dma2 semaphore(%run_scoped3A : memref<!tpu.dma_semaphore, #tpu.memory_space<semaphore_mem>>) src(%arg28 : memref<80x16xf32, #tpu.memory_space<vmem>>) dst(%dma_wait3A_65 : memref<80x16xf32, #tpu.memory_space<vmem_shared>>)
      tpu.yield
    }) : () -> ()
    %add3A_12 = arith.constant 80 : i32
    %add3A_13 = arith.addi %mul3A_0, %add3A_12 : i32
    "tpu.region"() ({
      %run_scoped3A = tpu.sem_alloc : memref<!tpu.dma_semaphore, #tpu.memory_space<semaphore_mem>>
      %dma_start3A = arith.constant 0 : i32
      %dma_start3A_60 = tpu.memref_slice %arg29[%add3A_13, %dma_start3A] : memref<10000x64xf32, #tpu.memory_space<vmem_shared>> -> memref<80x64xf32, #tpu.memory_space<vmem_shared>>
      %dma_start3A_61 = arith.constant 0 : i32
      %dma_start3A_62 = tpu.memref_slice %arg29[%add3A_13, %dma_start3A_61] : memref<10000x64xf32, #tpu.memory_space<vmem_shared>> -> memref<80x64xf32, #tpu.memory_space<vmem_shared>>
      tpu.enqueue_dma source(%arg22 : memref<80x64xf32, #tpu.memory_space<vmem>>) target(%dma_start3A_62 : memref<80x64xf32, #tpu.memory_space<vmem_shared>>) target_semaphore(%run_scoped3A : memref<!tpu.dma_semaphore, #tpu.memory_space<semaphore_mem>>)
      %dma_wait3A = arith.constant 0 : i32
      %dma_wait3A_63 = tpu.memref_slice %arg29[%add3A_13, %dma_wait3A] : memref<10000x64xf32, #tpu.memory_space<vmem_shared>> -> memref<80x64xf32, #tpu.memory_space<vmem_shared>>
      %dma_wait3A_64 = arith.constant 0 : i32
      %dma_wait3A_65 = tpu.memref_slice %arg29[%add3A_13, %dma_wait3A_64] : memref<10000x64xf32, #tpu.memory_space<vmem_shared>> -> memref<80x64xf32, #tpu.memory_space<vmem_shared>>
      tpu.wait_dma2 semaphore(%run_scoped3A : memref<!tpu.dma_semaphore, #tpu.memory_space<semaphore_mem>>) src(%arg22 : memref<80x64xf32, #tpu.memory_space<vmem>>) dst(%dma_wait3A_65 : memref<80x64xf32, #tpu.memory_space<vmem_shared>>)
      tpu.yield
    }) : () -> ()
    %add3A_14 = arith.constant 80 : i32
    %add3A_15 = arith.addi %mul3A_0, %add3A_14 : i32
    "tpu.region"() ({
      %run_scoped3A = tpu.sem_alloc : memref<!tpu.dma_semaphore, #tpu.memory_space<semaphore_mem>>
      %dma_start3A = arith.constant 0 : i32
      %dma_start3A_60 = tpu.memref_slice %arg30[%add3A_15, %dma_start3A] : memref<10000x16xf32, #tpu.memory_space<vmem_shared>> -> memref<80x16xf32, #tpu.memory_space<vmem_shared>>
      %dma_start3A_61 = arith.constant 0 : i32
      %dma_start3A_62 = tpu.memref_slice %arg30[%add3A_15, %dma_start3A_61] : memref<10000x16xf32, #tpu.memory_space<vmem_shared>> -> memref<80x16xf32, #tpu.memory_space<vmem_shared>>
      tpu.enqueue_dma source(%arg28 : memref<80x16xf32, #tpu.memory_space<vmem>>) target(%dma_start3A_62 : memref<80x16xf32, #tpu.memory_space<vmem_shared>>) target_semaphore(%run_scoped3A : memref<!tpu.dma_semaphore, #tpu.memory_space<semaphore_mem>>)
      %dma_wait3A = arith.constant 0 : i32
      %dma_wait3A_63 = tpu.memref_slice %arg30[%add3A_15, %dma_wait3A] : memref<10000x16xf32, #tpu.memory_space<vmem_shared>> -> memref<80x16xf32, #tpu.memory_space<vmem_shared>>
      %dma_wait3A_64 = arith.constant 0 : i32
      %dma_wait3A_65 = tpu.memref_slice %arg30[%add3A_15, %dma_wait3A_64] : memref<10000x16xf32, #tpu.memory_space<vmem_shared>> -> memref<80x16xf32, #tpu.memory_space<vmem_shared>>
      tpu.wait_dma2 semaphore(%run_scoped3A : memref<!tpu.dma_semaphore, #tpu.memory_space<semaphore_mem>>) src(%arg28 : memref<80x16xf32, #tpu.memory_space<vmem>>) dst(%dma_wait3A_65 : memref<80x16xf32, #tpu.memory_space<vmem_shared>>)
      tpu.yield
    }) : () -> ()
    %add3A_16 = arith.constant 160 : i32
    %add3A_17 = arith.addi %mul3A_0, %add3A_16 : i32
    "tpu.region"() ({
      %run_scoped3A = tpu.sem_alloc : memref<!tpu.dma_semaphore, #tpu.memory_space<semaphore_mem>>
      %dma_start3A = arith.constant 0 : i32
      %dma_start3A_60 = tpu.memref_slice %arg29[%add3A_17, %dma_start3A] : memref<10000x64xf32, #tpu.memory_space<vmem_shared>> -> memref<80x64xf32, #tpu.memory_space<vmem_shared>>
      %dma_start3A_61 = arith.constant 0 : i32
      %dma_start3A_62 = tpu.memref_slice %arg29[%add3A_17, %dma_start3A_61] : memref<10000x64xf32, #tpu.memory_space<vmem_shared>> -> memref<80x64xf32, #tpu.memory_space<vmem_shared>>
      tpu.enqueue_dma source(%arg22 : memref<80x64xf32, #tpu.memory_space<vmem>>) target(%dma_start3A_62 : memref<80x64xf32, #tpu.memory_space<vmem_shared>>) target_semaphore(%run_scoped3A : memref<!tpu.dma_semaphore, #tpu.memory_space<semaphore_mem>>)
      %dma_wait3A = arith.constant 0 : i32
      %dma_wait3A_63 = tpu.memref_slice %arg29[%add3A_17, %dma_wait3A] : memref<10000x64xf32, #tpu.memory_space<vmem_shared>> -> memref<80x64xf32, #tpu.memory_space<vmem_shared>>
      %dma_wait3A_64 = arith.constant 0 : i32
      %dma_wait3A_65 = tpu.memref_slice %arg29[%add3A_17, %dma_wait3A_64] : memref<10000x64xf32, #tpu.memory_space<vmem_shared>> -> memref<80x64xf32, #tpu.memory_space<vmem_shared>>
      tpu.wait_dma2 semaphore(%run_scoped3A : memref<!tpu.dma_semaphore, #tpu.memory_space<semaphore_mem>>) src(%arg22 : memref<80x64xf32, #tpu.memory_space<vmem>>) dst(%dma_wait3A_65 : memref<80x64xf32, #tpu.memory_space<vmem_shared>>)
      tpu.yield
    }) : () -> ()
    %add3A_18 = arith.constant 160 : i32
    %add3A_19 = arith.addi %mul3A_0, %add3A_18 : i32
    "tpu.region"() ({
      %run_scoped3A = tpu.sem_alloc : memref<!tpu.dma_semaphore, #tpu.memory_space<semaphore_mem>>
      %dma_start3A = arith.constant 0 : i32
      %dma_start3A_60 = tpu.memref_slice %arg30[%add3A_19, %dma_start3A] : memref<10000x16xf32, #tpu.memory_space<vmem_shared>> -> memref<80x16xf32, #tpu.memory_space<vmem_shared>>
      %dma_start3A_61 = arith.constant 0 : i32
      %dma_start3A_62 = tpu.memref_slice %arg30[%add3A_19, %dma_start3A_61] : memref<10000x16xf32, #tpu.memory_space<vmem_shared>> -> memref<80x16xf32, #tpu.memory_space<vmem_shared>>
      tpu.enqueue_dma source(%arg28 : memref<80x16xf32, #tpu.memory_space<vmem>>) target(%dma_start3A_62 : memref<80x16xf32, #tpu.memory_space<vmem_shared>>) target_semaphore(%run_scoped3A : memref<!tpu.dma_semaphore, #tpu.memory_space<semaphore_mem>>)
      %dma_wait3A = arith.constant 0 : i32
      %dma_wait3A_63 = tpu.memref_slice %arg30[%add3A_19, %dma_wait3A] : memref<10000x16xf32, #tpu.memory_space<vmem_shared>> -> memref<80x16xf32, #tpu.memory_space<vmem_shared>>
      %dma_wait3A_64 = arith.constant 0 : i32
      %dma_wait3A_65 = tpu.memref_slice %arg30[%add3A_19, %dma_wait3A_64] : memref<10000x16xf32, #tpu.memory_space<vmem_shared>> -> memref<80x16xf32, #tpu.memory_space<vmem_shared>>
      tpu.wait_dma2 semaphore(%run_scoped3A : memref<!tpu.dma_semaphore, #tpu.memory_space<semaphore_mem>>) src(%arg28 : memref<80x16xf32, #tpu.memory_space<vmem>>) dst(%dma_wait3A_65 : memref<80x16xf32, #tpu.memory_space<vmem_shared>>)
      tpu.yield
    }) : () -> ()
    %add3A_20 = arith.constant 240 : i32
    %add3A_21 = arith.addi %mul3A_0, %add3A_20 : i32
    "tpu.region"() ({
      %run_scoped3A = tpu.sem_alloc : memref<!tpu.dma_semaphore, #tpu.memory_space<semaphore_mem>>
      %dma_start3A = arith.constant 0 : i32
      %dma_start3A_60 = tpu.memref_slice %arg29[%add3A_21, %dma_start3A] : memref<10000x64xf32, #tpu.memory_space<vmem_shared>> -> memref<80x64xf32, #tpu.memory_space<vmem_shared>>
      %dma_start3A_61 = arith.constant 0 : i32
      %dma_start3A_62 = tpu.memref_slice %arg29[%add3A_21, %dma_start3A_61] : memref<10000x64xf32, #tpu.memory_space<vmem_shared>> -> memref<80x64xf32, #tpu.memory_space<vmem_shared>>
      tpu.enqueue_dma source(%arg22 : memref<80x64xf32, #tpu.memory_space<vmem>>) target(%dma_start3A_62 : memref<80x64xf32, #tpu.memory_space<vmem_shared>>) target_semaphore(%run_scoped3A : memref<!tpu.dma_semaphore, #tpu.memory_space<semaphore_mem>>)
      %dma_wait3A = arith.constant 0 : i32
      %dma_wait3A_63 = tpu.memref_slice %arg29[%add3A_21, %dma_wait3A] : memref<10000x64xf32, #tpu.memory_space<vmem_shared>> -> memref<80x64xf32, #tpu.memory_space<vmem_shared>>
      %dma_wait3A_64 = arith.constant 0 : i32
      %dma_wait3A_65 = tpu.memref_slice %arg29[%add3A_21, %dma_wait3A_64] : memref<10000x64xf32, #tpu.memory_space<vmem_shared>> -> memref<80x64xf32, #tpu.memory_space<vmem_shared>>
      tpu.wait_dma2 semaphore(%run_scoped3A : memref<!tpu.dma_semaphore, #tpu.memory_space<semaphore_mem>>) src(%arg22 : memref<80x64xf32, #tpu.memory_space<vmem>>) dst(%dma_wait3A_65 : memref<80x64xf32, #tpu.memory_space<vmem_shared>>)
      tpu.yield
    }) : () -> ()
    %add3A_22 = arith.constant 240 : i32
    %add3A_23 = arith.addi %mul3A_0, %add3A_22 : i32
    "tpu.region"() ({
      %run_scoped3A = tpu.sem_alloc : memref<!tpu.dma_semaphore, #tpu.memory_space<semaphore_mem>>
      %dma_start3A = arith.constant 0 : i32
      %dma_start3A_60 = tpu.memref_slice %arg30[%add3A_23, %dma_start3A] : memref<10000x16xf32, #tpu.memory_space<vmem_shared>> -> memref<80x16xf32, #tpu.memory_space<vmem_shared>>
      %dma_start3A_61 = arith.constant 0 : i32
      %dma_start3A_62 = tpu.memref_slice %arg30[%add3A_23, %dma_start3A_61] : memref<10000x16xf32, #tpu.memory_space<vmem_shared>> -> memref<80x16xf32, #tpu.memory_space<vmem_shared>>
      tpu.enqueue_dma source(%arg28 : memref<80x16xf32, #tpu.memory_space<vmem>>) target(%dma_start3A_62 : memref<80x16xf32, #tpu.memory_space<vmem_shared>>) target_semaphore(%run_scoped3A : memref<!tpu.dma_semaphore, #tpu.memory_space<semaphore_mem>>)
      %dma_wait3A = arith.constant 0 : i32
      %dma_wait3A_63 = tpu.memref_slice %arg30[%add3A_23, %dma_wait3A] : memref<10000x16xf32, #tpu.memory_space<vmem_shared>> -> memref<80x16xf32, #tpu.memory_space<vmem_shared>>
      %dma_wait3A_64 = arith.constant 0 : i32
      %dma_wait3A_65 = tpu.memref_slice %arg30[%add3A_23, %dma_wait3A_64] : memref<10000x16xf32, #tpu.memory_space<vmem_shared>> -> memref<80x16xf32, #tpu.memory_space<vmem_shared>>
      tpu.wait_dma2 semaphore(%run_scoped3A : memref<!tpu.dma_semaphore, #tpu.memory_space<semaphore_mem>>) src(%arg28 : memref<80x16xf32, #tpu.memory_space<vmem>>) dst(%dma_wait3A_65 : memref<80x16xf32, #tpu.memory_space<vmem_shared>>)
      tpu.yield
    }) : () -> ()
    %add3A_24 = arith.constant 320 : i32
    %add3A_25 = arith.addi %mul3A_0, %add3A_24 : i32
    "tpu.region"() ({
      %run_scoped3A = tpu.sem_alloc : memref<!tpu.dma_semaphore, #tpu.memory_space<semaphore_mem>>
      %dma_start3A = arith.constant 0 : i32
      %dma_start3A_60 = tpu.memref_slice %arg29[%add3A_25, %dma_start3A] : memref<10000x64xf32, #tpu.memory_space<vmem_shared>> -> memref<80x64xf32, #tpu.memory_space<vmem_shared>>
      %dma_start3A_61 = arith.constant 0 : i32
      %dma_start3A_62 = tpu.memref_slice %arg29[%add3A_25, %dma_start3A_61] : memref<10000x64xf32, #tpu.memory_space<vmem_shared>> -> memref<80x64xf32, #tpu.memory_space<vmem_shared>>
      tpu.enqueue_dma source(%arg22 : memref<80x64xf32, #tpu.memory_space<vmem>>) target(%dma_start3A_62 : memref<80x64xf32, #tpu.memory_space<vmem_shared>>) target_semaphore(%run_scoped3A : memref<!tpu.dma_semaphore, #tpu.memory_space<semaphore_mem>>)
      %dma_wait3A = arith.constant 0 : i32
      %dma_wait3A_63 = tpu.memref_slice %arg29[%add3A_25, %dma_wait3A] : memref<10000x64xf32, #tpu.memory_space<vmem_shared>> -> memref<80x64xf32, #tpu.memory_space<vmem_shared>>
      %dma_wait3A_64 = arith.constant 0 : i32
      %dma_wait3A_65 = tpu.memref_slice %arg29[%add3A_25, %dma_wait3A_64] : memref<10000x64xf32, #tpu.memory_space<vmem_shared>> -> memref<80x64xf32, #tpu.memory_space<vmem_shared>>
      tpu.wait_dma2 semaphore(%run_scoped3A : memref<!tpu.dma_semaphore, #tpu.memory_space<semaphore_mem>>) src(%arg22 : memref<80x64xf32, #tpu.memory_space<vmem>>) dst(%dma_wait3A_65 : memref<80x64xf32, #tpu.memory_space<vmem_shared>>)
      tpu.yield
    }) : () -> ()
    %add3A_26 = arith.constant 320 : i32
    %add3A_27 = arith.addi %mul3A_0, %add3A_26 : i32
    "tpu.region"() ({
      %run_scoped3A = tpu.sem_alloc : memref<!tpu.dma_semaphore, #tpu.memory_space<semaphore_mem>>
      %dma_start3A = arith.constant 0 : i32
      %dma_start3A_60 = tpu.memref_slice %arg30[%add3A_27, %dma_start3A] : memref<10000x16xf32, #tpu.memory_space<vmem_shared>> -> memref<80x16xf32, #tpu.memory_space<vmem_shared>>
      %dma_start3A_61 = arith.constant 0 : i32
      %dma_start3A_62 = tpu.memref_slice %arg30[%add3A_27, %dma_start3A_61] : memref<10000x16xf32, #tpu.memory_space<vmem_shared>> -> memref<80x16xf32, #tpu.memory_space<vmem_shared>>
      tpu.enqueue_dma source(%arg28 : memref<80x16xf32, #tpu.memory_space<vmem>>) target(%dma_start3A_62 : memref<80x16xf32, #tpu.memory_space<vmem_shared>>) target_semaphore(%run_scoped3A : memref<!tpu.dma_semaphore, #tpu.memory_space<semaphore_mem>>)
      %dma_wait3A = arith.constant 0 : i32
      %dma_wait3A_63 = tpu.memref_slice %arg30[%add3A_27, %dma_wait3A] : memref<10000x16xf32, #tpu.memory_space<vmem_shared>> -> memref<80x16xf32, #tpu.memory_space<vmem_shared>>
      %dma_wait3A_64 = arith.constant 0 : i32
      %dma_wait3A_65 = tpu.memref_slice %arg30[%add3A_27, %dma_wait3A_64] : memref<10000x16xf32, #tpu.memory_space<vmem_shared>> -> memref<80x16xf32, #tpu.memory_space<vmem_shared>>
      tpu.wait_dma2 semaphore(%run_scoped3A : memref<!tpu.dma_semaphore, #tpu.memory_space<semaphore_mem>>) src(%arg28 : memref<80x16xf32, #tpu.memory_space<vmem>>) dst(%dma_wait3A_65 : memref<80x16xf32, #tpu.memory_space<vmem_shared>>)
      tpu.yield
    }) : () -> ()
    %add3A_28 = arith.constant 400 : i32
    %add3A_29 = arith.addi %mul3A_0, %add3A_28 : i32
    "tpu.region"() ({
      %run_scoped3A = tpu.sem_alloc : memref<!tpu.dma_semaphore, #tpu.memory_space<semaphore_mem>>
      %dma_start3A = arith.constant 0 : i32
      %dma_start3A_60 = tpu.memref_slice %arg29[%add3A_29, %dma_start3A] : memref<10000x64xf32, #tpu.memory_space<vmem_shared>> -> memref<80x64xf32, #tpu.memory_space<vmem_shared>>
      %dma_start3A_61 = arith.constant 0 : i32
      %dma_start3A_62 = tpu.memref_slice %arg29[%add3A_29, %dma_start3A_61] : memref<10000x64xf32, #tpu.memory_space<vmem_shared>> -> memref<80x64xf32, #tpu.memory_space<vmem_shared>>
      tpu.enqueue_dma source(%arg22 : memref<80x64xf32, #tpu.memory_space<vmem>>) target(%dma_start3A_62 : memref<80x64xf32, #tpu.memory_space<vmem_shared>>) target_semaphore(%run_scoped3A : memref<!tpu.dma_semaphore, #tpu.memory_space<semaphore_mem>>)
      %dma_wait3A = arith.constant 0 : i32
      %dma_wait3A_63 = tpu.memref_slice %arg29[%add3A_29, %dma_wait3A] : memref<10000x64xf32, #tpu.memory_space<vmem_shared>> -> memref<80x64xf32, #tpu.memory_space<vmem_shared>>
      %dma_wait3A_64 = arith.constant 0 : i32
      %dma_wait3A_65 = tpu.memref_slice %arg29[%add3A_29, %dma_wait3A_64] : memref<10000x64xf32, #tpu.memory_space<vmem_shared>> -> memref<80x64xf32, #tpu.memory_space<vmem_shared>>
      tpu.wait_dma2 semaphore(%run_scoped3A : memref<!tpu.dma_semaphore, #tpu.memory_space<semaphore_mem>>) src(%arg22 : memref<80x64xf32, #tpu.memory_space<vmem>>) dst(%dma_wait3A_65 : memref<80x64xf32, #tpu.memory_space<vmem_shared>>)
      tpu.yield
    }) : () -> ()
    %add3A_30 = arith.constant 400 : i32
    %add3A_31 = arith.addi %mul3A_0, %add3A_30 : i32
    "tpu.region"() ({
      %run_scoped3A = tpu.sem_alloc : memref<!tpu.dma_semaphore, #tpu.memory_space<semaphore_mem>>
      %dma_start3A = arith.constant 0 : i32
      %dma_start3A_60 = tpu.memref_slice %arg30[%add3A_31, %dma_start3A] : memref<10000x16xf32, #tpu.memory_space<vmem_shared>> -> memref<80x16xf32, #tpu.memory_space<vmem_shared>>
      %dma_start3A_61 = arith.constant 0 : i32
      %dma_start3A_62 = tpu.memref_slice %arg30[%add3A_31, %dma_start3A_61] : memref<10000x16xf32, #tpu.memory_space<vmem_shared>> -> memref<80x16xf32, #tpu.memory_space<vmem_shared>>
      tpu.enqueue_dma source(%arg28 : memref<80x16xf32, #tpu.memory_space<vmem>>) target(%dma_start3A_62 : memref<80x16xf32, #tpu.memory_space<vmem_shared>>) target_semaphore(%run_scoped3A : memref<!tpu.dma_semaphore, #tpu.memory_space<semaphore_mem>>)
      %dma_wait3A = arith.constant 0 : i32
      %dma_wait3A_63 = tpu.memref_slice %arg30[%add3A_31, %dma_wait3A] : memref<10000x16xf32, #tpu.memory_space<vmem_shared>> -> memref<80x16xf32, #tpu.memory_space<vmem_shared>>
      %dma_wait3A_64 = arith.constant 0 : i32
      %dma_wait3A_65 = tpu.memref_slice %arg30[%add3A_31, %dma_wait3A_64] : memref<10000x16xf32, #tpu.memory_space<vmem_shared>> -> memref<80x16xf32, #tpu.memory_space<vmem_shared>>
      tpu.wait_dma2 semaphore(%run_scoped3A : memref<!tpu.dma_semaphore, #tpu.memory_space<semaphore_mem>>) src(%arg28 : memref<80x16xf32, #tpu.memory_space<vmem>>) dst(%dma_wait3A_65 : memref<80x16xf32, #tpu.memory_space<vmem_shared>>)
      tpu.yield
    }) : () -> ()
    %add3A_32 = arith.constant 480 : i32
    %add3A_33 = arith.addi %mul3A_0, %add3A_32 : i32
    "tpu.region"() ({
      %run_scoped3A = tpu.sem_alloc : memref<!tpu.dma_semaphore, #tpu.memory_space<semaphore_mem>>
      %dma_start3A = arith.constant 0 : i32
      %dma_start3A_60 = tpu.memref_slice %arg29[%add3A_33, %dma_start3A] : memref<10000x64xf32, #tpu.memory_space<vmem_shared>> -> memref<80x64xf32, #tpu.memory_space<vmem_shared>>
      %dma_start3A_61 = arith.constant 0 : i32
      %dma_start3A_62 = tpu.memref_slice %arg29[%add3A_33, %dma_start3A_61] : memref<10000x64xf32, #tpu.memory_space<vmem_shared>> -> memref<80x64xf32, #tpu.memory_space<vmem_shared>>
      tpu.enqueue_dma source(%arg22 : memref<80x64xf32, #tpu.memory_space<vmem>>) target(%dma_start3A_62 : memref<80x64xf32, #tpu.memory_space<vmem_shared>>) target_semaphore(%run_scoped3A : memref<!tpu.dma_semaphore, #tpu.memory_space<semaphore_mem>>)
      %dma_wait3A = arith.constant 0 : i32
      %dma_wait3A_63 = tpu.memref_slice %arg29[%add3A_33, %dma_wait3A] : memref<10000x64xf32, #tpu.memory_space<vmem_shared>> -> memref<80x64xf32, #tpu.memory_space<vmem_shared>>
      %dma_wait3A_64 = arith.constant 0 : i32
      %dma_wait3A_65 = tpu.memref_slice %arg29[%add3A_33, %dma_wait3A_64] : memref<10000x64xf32, #tpu.memory_space<vmem_shared>> -> memref<80x64xf32, #tpu.memory_space<vmem_shared>>
      tpu.wait_dma2 semaphore(%run_scoped3A : memref<!tpu.dma_semaphore, #tpu.memory_space<semaphore_mem>>) src(%arg22 : memref<80x64xf32, #tpu.memory_space<vmem>>) dst(%dma_wait3A_65 : memref<80x64xf32, #tpu.memory_space<vmem_shared>>)
      tpu.yield
    }) : () -> ()
    %add3A_34 = arith.constant 480 : i32
    %add3A_35 = arith.addi %mul3A_0, %add3A_34 : i32
    "tpu.region"() ({
      %run_scoped3A = tpu.sem_alloc : memref<!tpu.dma_semaphore, #tpu.memory_space<semaphore_mem>>
      %dma_start3A = arith.constant 0 : i32
      %dma_start3A_60 = tpu.memref_slice %arg30[%add3A_35, %dma_start3A] : memref<10000x16xf32, #tpu.memory_space<vmem_shared>> -> memref<80x16xf32, #tpu.memory_space<vmem_shared>>
      %dma_start3A_61 = arith.constant 0 : i32
      %dma_start3A_62 = tpu.memref_slice %arg30[%add3A_35, %dma_start3A_61] : memref<10000x16xf32, #tpu.memory_space<vmem_shared>> -> memref<80x16xf32, #tpu.memory_space<vmem_shared>>
      tpu.enqueue_dma source(%arg28 : memref<80x16xf32, #tpu.memory_space<vmem>>) target(%dma_start3A_62 : memref<80x16xf32, #tpu.memory_space<vmem_shared>>) target_semaphore(%run_scoped3A : memref<!tpu.dma_semaphore, #tpu.memory_space<semaphore_mem>>)
      %dma_wait3A = arith.constant 0 : i32
      %dma_wait3A_63 = tpu.memref_slice %arg30[%add3A_35, %dma_wait3A] : memref<10000x16xf32, #tpu.memory_space<vmem_shared>> -> memref<80x16xf32, #tpu.memory_space<vmem_shared>>
      %dma_wait3A_64 = arith.constant 0 : i32
      %dma_wait3A_65 = tpu.memref_slice %arg30[%add3A_35, %dma_wait3A_64] : memref<10000x16xf32, #tpu.memory_space<vmem_shared>> -> memref<80x16xf32, #tpu.memory_space<vmem_shared>>
      tpu.wait_dma2 semaphore(%run_scoped3A : memref<!tpu.dma_semaphore, #tpu.memory_space<semaphore_mem>>) src(%arg28 : memref<80x16xf32, #tpu.memory_space<vmem>>) dst(%dma_wait3A_65 : memref<80x16xf32, #tpu.memory_space<vmem_shared>>)
      tpu.yield
    }) : () -> ()
    %add3A_36 = arith.constant 560 : i32
    %add3A_37 = arith.addi %mul3A_0, %add3A_36 : i32
    "tpu.region"() ({
      %run_scoped3A = tpu.sem_alloc : memref<!tpu.dma_semaphore, #tpu.memory_space<semaphore_mem>>
      %dma_start3A = arith.constant 0 : i32
      %dma_start3A_60 = arith.constant 0 : i32
      %dma_start3A_61 = tpu.memref_slice %arg22[%dma_start3A, %dma_start3A_60] : memref<80x64xf32, #tpu.memory_space<vmem>> -> memref<65x64xf32, #tpu.memory_space<vmem>>
      %dma_start3A_62 = arith.constant 0 : i32
      %dma_start3A_63 = tpu.memref_slice %arg29[%add3A_37, %dma_start3A_62] : memref<10000x64xf32, #tpu.memory_space<vmem_shared>> -> memref<65x64xf32, #tpu.memory_space<vmem_shared>>
      %dma_start3A_64 = arith.constant 0 : i32
      %dma_start3A_65 = tpu.memref_slice %arg29[%add3A_37, %dma_start3A_64] : memref<10000x64xf32, #tpu.memory_space<vmem_shared>> -> memref<65x64xf32, #tpu.memory_space<vmem_shared>>
      %dma_start3A_66 = arith.constant 0 : i32
      %dma_start3A_67 = arith.constant 0 : i32
      %dma_start3A_68 = tpu.memref_slice %arg22[%dma_start3A_66, %dma_start3A_67] : memref<80x64xf32, #tpu.memory_space<vmem>> -> memref<65x64xf32, #tpu.memory_space<vmem>>
      tpu.enqueue_dma source(%dma_start3A_68 : memref<65x64xf32, #tpu.memory_space<vmem>>) target(%dma_start3A_65 : memref<65x64xf32, #tpu.memory_space<vmem_shared>>) target_semaphore(%run_scoped3A : memref<!tpu.dma_semaphore, #tpu.memory_space<semaphore_mem>>)
      %dma_wait3A = arith.constant 0 : i32
      %dma_wait3A_69 = arith.constant 0 : i32
      %dma_wait3A_70 = tpu.memref_slice %arg22[%dma_wait3A, %dma_wait3A_69] : memref<80x64xf32, #tpu.memory_space<vmem>> -> memref<65x64xf32, #tpu.memory_space<vmem>>
      %dma_wait3A_71 = arith.constant 0 : i32
      %dma_wait3A_72 = tpu.memref_slice %arg29[%add3A_37, %dma_wait3A_71] : memref<10000x64xf32, #tpu.memory_space<vmem_shared>> -> memref<65x64xf32, #tpu.memory_space<vmem_shared>>
      %dma_wait3A_73 = arith.constant 0 : i32
      %dma_wait3A_74 = tpu.memref_slice %arg29[%add3A_37, %dma_wait3A_73] : memref<10000x64xf32, #tpu.memory_space<vmem_shared>> -> memref<65x64xf32, #tpu.memory_space<vmem_shared>>
      %dma_wait3A_75 = arith.constant 0 : i32
      %dma_wait3A_76 = arith.constant 0 : i32
      %dma_wait3A_77 = tpu.memref_slice %arg22[%dma_wait3A_75, %dma_wait3A_76] : memref<80x64xf32, #tpu.memory_space<vmem>> -> memref<65x64xf32, #tpu.memory_space<vmem>>
      tpu.wait_dma2 semaphore(%run_scoped3A : memref<!tpu.dma_semaphore, #tpu.memory_space<semaphore_mem>>) src(%dma_wait3A_77 : memref<65x64xf32, #tpu.memory_space<vmem>>) dst(%dma_wait3A_74 : memref<65x64xf32, #tpu.memory_space<vmem_shared>>)
      tpu.yield
    }) : () -> ()
    %add3A_38 = arith.constant 560 : i32
    %add3A_39 = arith.addi %mul3A_0, %add3A_38 : i32
    "tpu.region"() ({
      %run_scoped3A = tpu.sem_alloc : memref<!tpu.dma_semaphore, #tpu.memory_space<semaphore_mem>>
      %dma_start3A = arith.constant 0 : i32
      %dma_start3A_60 = arith.constant 0 : i32
      %dma_start3A_61 = tpu.memref_slice %arg28[%dma_start3A, %dma_start3A_60] : memref<80x16xf32, #tpu.memory_space<vmem>> -> memref<65x16xf32, #tpu.memory_space<vmem>>
      %dma_start3A_62 = arith.constant 0 : i32
      %dma_start3A_63 = tpu.memref_slice %arg30[%add3A_39, %dma_start3A_62] : memref<10000x16xf32, #tpu.memory_space<vmem_shared>> -> memref<65x16xf32, #tpu.memory_space<vmem_shared>>
      %dma_start3A_64 = arith.constant 0 : i32
      %dma_start3A_65 = tpu.memref_slice %arg30[%add3A_39, %dma_start3A_64] : memref<10000x16xf32, #tpu.memory_space<vmem_shared>> -> memref<65x16xf32, #tpu.memory_space<vmem_shared>>
      %dma_start3A_66 = arith.constant 0 : i32
      %dma_start3A_67 = arith.constant 0 : i32
      %dma_start3A_68 = tpu.memref_slice %arg28[%dma_start3A_66, %dma_start3A_67] : memref<80x16xf32, #tpu.memory_space<vmem>> -> memref<65x16xf32, #tpu.memory_space<vmem>>
      tpu.enqueue_dma source(%dma_start3A_68 : memref<65x16xf32, #tpu.memory_space<vmem>>) target(%dma_start3A_65 : memref<65x16xf32, #tpu.memory_space<vmem_shared>>) target_semaphore(%run_scoped3A : memref<!tpu.dma_semaphore, #tpu.memory_space<semaphore_mem>>)
      %dma_wait3A = arith.constant 0 : i32
      %dma_wait3A_69 = arith.constant 0 : i32
      %dma_wait3A_70 = tpu.memref_slice %arg28[%dma_wait3A, %dma_wait3A_69] : memref<80x16xf32, #tpu.memory_space<vmem>> -> memref<65x16xf32, #tpu.memory_space<vmem>>
      %dma_wait3A_71 = arith.constant 0 : i32
      %dma_wait3A_72 = tpu.memref_slice %arg30[%add3A_39, %dma_wait3A_71] : memref<10000x16xf32, #tpu.memory_space<vmem_shared>> -> memref<65x16xf32, #tpu.memory_space<vmem_shared>>
      %dma_wait3A_73 = arith.constant 0 : i32
      %dma_wait3A_74 = tpu.memref_slice %arg30[%add3A_39, %dma_wait3A_73] : memref<10000x16xf32, #tpu.memory_space<vmem_shared>> -> memref<65x16xf32, #tpu.memory_space<vmem_shared>>
      %dma_wait3A_75 = arith.constant 0 : i32
      %dma_wait3A_76 = arith.constant 0 : i32
      %dma_wait3A_77 = tpu.memref_slice %arg28[%dma_wait3A_75, %dma_wait3A_76] : memref<80x16xf32, #tpu.memory_space<vmem>> -> memref<65x16xf32, #tpu.memory_space<vmem>>
      tpu.wait_dma2 semaphore(%run_scoped3A : memref<!tpu.dma_semaphore, #tpu.memory_space<semaphore_mem>>) src(%dma_wait3A_77 : memref<65x16xf32, #tpu.memory_space<vmem>>) dst(%dma_wait3A_74 : memref<65x16xf32, #tpu.memory_space<vmem_shared>>)
      tpu.yield
    }) : () -> ()
    %barrier3A = arith.constant 0 : index
    tpu.barrier barrier_id(%barrier3A)
    %mul3A_40 = arith.constant 64 : i32
    %mul3A_41 = arith.muli %arg0, %mul3A_40 : i32
    %eq3A = arith.constant 0 : i32
    %eq3A_42 = arith.cmpi eq, %arg0, %eq3A : i32
    %convert_element_type3A = arith.extui %eq3A_42 : i1 to i32
    %cond3A = arith.constant 0 : i32
    %cond3A_43 = arith.cmpi ne, %convert_element_type3A, %cond3A : i32
    scf.if %cond3A_43 {
      %dma_start3A = arith.constant 0 : i32
      %dma_start3A_60 = arith.constant 0 : i32
      %dma_start3A_61 = tpu.memref_slice %arg7[%arg1, %dma_start3A, %dma_start3A_60] : memref<16x250x80xi32, #tpu.memory_space<hbm>> -> memref<1x1x80xi32, #tpu.memory_space<hbm>>
      %dma_start3A_62 = tpu.memref_squeeze %dma_start3A_61 : memref<1x1x80xi32, #tpu.memory_space<hbm>> -> memref<80xi32, #tpu.memory_space<hbm>>
      %dma_start3A_63 = arith.constant 0 : i32
      %dma_start3A_64 = tpu.memref_slice %arg7[%arg1, %dma_start3A, %dma_start3A_63] : memref<16x250x80xi32, #tpu.memory_space<hbm>> -> memref<1x1x80xi32, #tpu.memory_space<hbm>>
      %dma_start3A_65 = tpu.memref_squeeze %dma_start3A_64 : memref<1x1x80xi32, #tpu.memory_space<hbm>> -> memref<80xi32, #tpu.memory_space<hbm>>
      tpu.enqueue_dma source(%dma_start3A_65 : memref<80xi32, #tpu.memory_space<hbm>>) target(%arg13 : memref<80xi32, #tpu.memory_space<vmem>>) target_semaphore(%arg33 : memref<!tpu.dma_semaphore, #tpu.memory_space<semaphore_mem>>)
      %dma_start3A_66 = arith.constant 0 : i32
      %dma_start3A_67 = arith.constant 0 : i32
      %dma_start3A_68 = tpu.memref_slice %arg8[%arg1, %dma_start3A_66, %dma_start3A_67] : memref<16x250x80xi32, #tpu.memory_space<hbm>> -> memref<1x1x80xi32, #tpu.memory_space<hbm>>
      %dma_start3A_69 = tpu.memref_squeeze %dma_start3A_68 : memref<1x1x80xi32, #tpu.memory_space<hbm>> -> memref<80xi32, #tpu.memory_space<hbm>>
      %dma_start3A_70 = arith.constant 0 : i32
      %dma_start3A_71 = tpu.memref_slice %arg8[%arg1, %dma_start3A_66, %dma_start3A_70] : memref<16x250x80xi32, #tpu.memory_space<hbm>> -> memref<1x1x80xi32, #tpu.memory_space<hbm>>
      %dma_start3A_72 = tpu.memref_squeeze %dma_start3A_71 : memref<1x1x80xi32, #tpu.memory_space<hbm>> -> memref<80xi32, #tpu.memory_space<hbm>>
      tpu.enqueue_dma source(%dma_start3A_72 : memref<80xi32, #tpu.memory_space<hbm>>) target(%arg14 : memref<80xi32, #tpu.memory_space<vmem>>) target_semaphore(%arg33 : memref<!tpu.dma_semaphore, #tpu.memory_space<semaphore_mem>>)
      %dma_start3A_73 = arith.constant 1 : i32
      %dma_start3A_74 = arith.constant 0 : i32
      %dma_start3A_75 = tpu.memref_slice %arg7[%arg1, %dma_start3A_73, %dma_start3A_74] : memref<16x250x80xi32, #tpu.memory_space<hbm>> -> memref<1x1x80xi32, #tpu.memory_space<hbm>>
      %dma_start3A_76 = tpu.memref_squeeze %dma_start3A_75 : memref<1x1x80xi32, #tpu.memory_space<hbm>> -> memref<80xi32, #tpu.memory_space<hbm>>
      %dma_start3A_77 = arith.constant 0 : i32
      %dma_start3A_78 = tpu.memref_slice %arg7[%arg1, %dma_start3A_73, %dma_start3A_77] : memref<16x250x80xi32, #tpu.memory_space<hbm>> -> memref<1x1x80xi32, #tpu.memory_space<hbm>>
      %dma_start3A_79 = tpu.memref_squeeze %dma_start3A_78 : memref<1x1x80xi32, #tpu.memory_space<hbm>> -> memref<80xi32, #tpu.memory_space<hbm>>
      tpu.enqueue_dma source(%dma_start3A_79 : memref<80xi32, #tpu.memory_space<hbm>>) target(%arg15 : memref<80xi32, #tpu.memory_space<vmem>>) target_semaphore(%arg34 : memref<!tpu.dma_semaphore, #tpu.memory_space<semaphore_mem>>)
      %dma_start3A_80 = arith.constant 1 : i32
      %dma_start3A_81 = arith.constant 0 : i32
      %dma_start3A_82 = tpu.memref_slice %arg8[%arg1, %dma_start3A_80, %dma_start3A_81] : memref<16x250x80xi32, #tpu.memory_space<hbm>> -> memref<1x1x80xi32, #tpu.memory_space<hbm>>
      %dma_start3A_83 = tpu.memref_squeeze %dma_start3A_82 : memref<1x1x80xi32, #tpu.memory_space<hbm>> -> memref<80xi32, #tpu.memory_space<hbm>>
      %dma_start3A_84 = arith.constant 0 : i32
      %dma_start3A_85 = tpu.memref_slice %arg8[%arg1, %dma_start3A_80, %dma_start3A_84] : memref<16x250x80xi32, #tpu.memory_space<hbm>> -> memref<1x1x80xi32, #tpu.memory_space<hbm>>
      %dma_start3A_86 = tpu.memref_squeeze %dma_start3A_85 : memref<1x1x80xi32, #tpu.memory_space<hbm>> -> memref<80xi32, #tpu.memory_space<hbm>>
      tpu.enqueue_dma source(%dma_start3A_86 : memref<80xi32, #tpu.memory_space<hbm>>) target(%arg16 : memref<80xi32, #tpu.memory_space<vmem>>) target_semaphore(%arg34 : memref<!tpu.dma_semaphore, #tpu.memory_space<semaphore_mem>>)
      %dma_wait3A = arith.constant 0 : i32
      %dma_wait3A_87 = arith.constant 0 : i32
      %dma_wait3A_88 = tpu.memref_slice %arg7[%arg1, %dma_wait3A, %dma_wait3A_87] : memref<16x250x80xi32, #tpu.memory_space<hbm>> -> memref<1x1x80xi32, #tpu.memory_space<hbm>>
      %dma_wait3A_89 = tpu.memref_squeeze %dma_wait3A_88 : memref<1x1x80xi32, #tpu.memory_space<hbm>> -> memref<80xi32, #tpu.memory_space<hbm>>
      %dma_wait3A_90 = arith.constant 0 : i32
      %dma_wait3A_91 = tpu.memref_slice %arg7[%arg1, %dma_wait3A, %dma_wait3A_90] : memref<16x250x80xi32, #tpu.memory_space<hbm>> -> memref<1x1x80xi32, #tpu.memory_space<hbm>>
      %dma_wait3A_92 = tpu.memref_squeeze %dma_wait3A_91 : memref<1x1x80xi32, #tpu.memory_space<hbm>> -> memref<80xi32, #tpu.memory_space<hbm>>
      tpu.wait_dma2 semaphore(%arg33 : memref<!tpu.dma_semaphore, #tpu.memory_space<semaphore_mem>>) src(%dma_wait3A_92 : memref<80xi32, #tpu.memory_space<hbm>>) dst(%arg13 : memref<80xi32, #tpu.memory_space<vmem>>)
      %dma_wait3A_93 = arith.constant 0 : i32
      %dma_wait3A_94 = arith.constant 0 : i32
      %dma_wait3A_95 = tpu.memref_slice %arg8[%arg1, %dma_wait3A_93, %dma_wait3A_94] : memref<16x250x80xi32, #tpu.memory_space<hbm>> -> memref<1x1x80xi32, #tpu.memory_space<hbm>>
      %dma_wait3A_96 = tpu.memref_squeeze %dma_wait3A_95 : memref<1x1x80xi32, #tpu.memory_space<hbm>> -> memref<80xi32, #tpu.memory_space<hbm>>
      %dma_wait3A_97 = arith.constant 0 : i32
      %dma_wait3A_98 = tpu.memref_slice %arg8[%arg1, %dma_wait3A_93, %dma_wait3A_97] : memref<16x250x80xi32, #tpu.memory_space<hbm>> -> memref<1x1x80xi32, #tpu.memory_space<hbm>>
      %dma_wait3A_99 = tpu.memref_squeeze %dma_wait3A_98 : memref<1x1x80xi32, #tpu.memory_space<hbm>> -> memref<80xi32, #tpu.memory_space<hbm>>
      tpu.wait_dma2 semaphore(%arg33 : memref<!tpu.dma_semaphore, #tpu.memory_space<semaphore_mem>>) src(%dma_wait3A_99 : memref<80xi32, #tpu.memory_space<hbm>>) dst(%arg14 : memref<80xi32, #tpu.memory_space<vmem>>)
      %mul3A_100 = arith.constant 20000 : i32
      %mul3A_101 = arith.muli %arg1, %mul3A_100 : i32
      %add3A_102 = arith.constant 0 : i32
      %add3A_103 = arith.addi %mul3A_101, %add3A_102 : i32
      %dma_start3A_104 = arith.constant 0 : i32
      %dma_start3A_105 = arith.constant 0 : i32
      %dma_start3A_106 = tpu.memref_slice %arg2[%dma_start3A_104, %dma_start3A_105] : memref<10240x64xf32, #tpu.memory_space<hbm>> -> memref<10240x64xf32, #tpu.memory_space<hbm>>
      tpu.enqueue_indirect_dma source(%dma_start3A_106 : memref<10240x64xf32, #tpu.memory_space<hbm>>) target(%arg19 : memref<80x64xf32, #tpu.memory_space<vmem>>) offsets(%arg13 : memref<80xi32, #tpu.memory_space<vmem>>) semaphore(%arg31 : memref<!tpu.dma_semaphore, #tpu.memory_space<semaphore_mem>>)
      %dma_start3A_107 = arith.constant 0 : i32
      %dma_start3A_108 = arith.constant 0 : i32
      %dma_start3A_109 = tpu.memref_slice %arg4[%dma_start3A_107, %dma_start3A_108] : memref<10240x64xf32, #tpu.memory_space<hbm>> -> memref<10240x64xf32, #tpu.memory_space<hbm>>
      tpu.enqueue_indirect_dma source(%dma_start3A_109 : memref<10240x64xf32, #tpu.memory_space<hbm>>) target(%arg20 : memref<80x64xf32, #tpu.memory_space<vmem>>) offsets(%arg14 : memref<80xi32, #tpu.memory_space<vmem>>) semaphore(%arg31 : memref<!tpu.dma_semaphore, #tpu.memory_space<semaphore_mem>>)
      %dma_start3A_110 = tpu.memref_slice %arg6[%add3A_103, %mul3A_41] : memref<320000x128xf32, #tpu.memory_space<hbm>> -> memref<80x64xf32, #tpu.memory_space<hbm>>
      %dma_start3A_111 = tpu.memref_slice %arg6[%add3A_103, %mul3A_41] : memref<320000x128xf32, #tpu.memory_space<hbm>> -> memref<80x64xf32, #tpu.memory_space<hbm>>
      tpu.enqueue_dma source(%dma_start3A_111 : memref<80x64xf32, #tpu.memory_space<hbm>>) target(%arg21 : memref<80x64xf32, #tpu.memory_space<vmem>>) target_semaphore(%arg31 : memref<!tpu.dma_semaphore, #tpu.memory_space<semaphore_mem>>)
      %scan3A_112 = arith.constant 0 : i32
      %scan3A_113 = arith.constant 0 : i32
      %scan3A_114 = arith.constant 125 : i32
      %scan3A_115 = arith.addi %scan3A_113, %scan3A_114 : i32
      %scan3A_116 = arith.constant 1 : i32
      scf.for %scan3A_127 = %scan3A_113 to %scan3A_115 step %scan3A_116  : i32 {
        %mul3A_128 = arith.constant 2 : i32
        %mul3A_129 = arith.muli %mul3A_128, %scan3A_127 : i32
        %add3A_130 = arith.constant 0 : i32
        %add3A_131 = arith.addi %mul3A_129, %add3A_130 : i32
        %ge3A = arith.constant 2 : i32
        %ge3A_132 = arith.cmpi sge, %add3A_131, %ge3A : i32
        %convert_element_type3A_133 = arith.extui %ge3A_132 : i1 to i32
        %cond3A_134 = arith.constant 0 : i32
        %cond3A_135 = arith.cmpi ne, %convert_element_type3A_133, %cond3A_134 : i32
        scf.if %cond3A_135 {
          %dma_wait3A_231 = arith.constant 0 : i32
          %dma_wait3A_232 = arith.constant 0 : i32
          %dma_wait3A_233 = tpu.memref_slice %arg29[%dma_wait3A_231, %dma_wait3A_232] : memref<10000x64xf32, #tpu.memory_space<vmem_shared>> -> memref<10000x64xf32, #tpu.memory_space<vmem_shared>>
          tpu.wait_indirect_dma semaphore(%arg35 : memref<!tpu.dma_semaphore, #tpu.memory_space<semaphore_mem>>) src(%arg22 : memref<80x64xf32, #tpu.memory_space<vmem>>) dst(%dma_wait3A_233 : memref<10000x64xf32, #tpu.memory_space<vmem_shared>>)
          %dma_wait3A_234 = arith.constant 0 : i32
          %dma_wait3A_235 = arith.constant 0 : i32
          %dma_wait3A_236 = tpu.memref_slice %arg30[%dma_wait3A_234, %dma_wait3A_235] : memref<10000x16xf32, #tpu.memory_space<vmem_shared>> -> memref<10000x16xf32, #tpu.memory_space<vmem_shared>>
          tpu.wait_indirect_dma semaphore(%arg37 : memref<!tpu.dma_semaphore, #tpu.memory_space<semaphore_mem>>) src(%arg27 : memref<80x16xf32, #tpu.memory_space<vmem>>) dst(%dma_wait3A_236 : memref<10000x16xf32, #tpu.memory_space<vmem_shared>>)
        } else {
        }
        %mul3A_136 = arith.constant 20000 : i32
        %mul3A_137 = arith.muli %arg1, %mul3A_136 : i32
        %mul3A_138 = arith.constant 80 : i32
        %mul3A_139 = arith.muli %add3A_131, %mul3A_138 : i32
        %add3A_140 = arith.addi %mul3A_137, %mul3A_139 : i32
        %dma_wait3A_141 = arith.constant 0 : i32
        %dma_wait3A_142 = arith.constant 0 : i32
        %dma_wait3A_143 = tpu.memref_slice %arg2[%dma_wait3A_141, %dma_wait3A_142] : memref<10240x64xf32, #tpu.memory_space<hbm>> -> memref<10240x64xf32, #tpu.memory_space<hbm>>
        tpu.wait_indirect_dma semaphore(%arg31 : memref<!tpu.dma_semaphore, #tpu.memory_space<semaphore_mem>>) src(%dma_wait3A_143 : memref<10240x64xf32, #tpu.memory_space<hbm>>) dst(%arg19 : memref<80x64xf32, #tpu.memory_space<vmem>>)
        %dma_wait3A_144 = arith.constant 0 : i32
        %dma_wait3A_145 = arith.constant 0 : i32
        %dma_wait3A_146 = tpu.memref_slice %arg4[%dma_wait3A_144, %dma_wait3A_145] : memref<10240x64xf32, #tpu.memory_space<hbm>> -> memref<10240x64xf32, #tpu.memory_space<hbm>>
        tpu.wait_indirect_dma semaphore(%arg31 : memref<!tpu.dma_semaphore, #tpu.memory_space<semaphore_mem>>) src(%dma_wait3A_146 : memref<10240x64xf32, #tpu.memory_space<hbm>>) dst(%arg20 : memref<80x64xf32, #tpu.memory_space<vmem>>)
        %dma_wait3A_147 = tpu.memref_slice %arg6[%add3A_140, %mul3A_41] : memref<320000x128xf32, #tpu.memory_space<hbm>> -> memref<80x64xf32, #tpu.memory_space<hbm>>
        %dma_wait3A_148 = tpu.memref_slice %arg6[%add3A_140, %mul3A_41] : memref<320000x128xf32, #tpu.memory_space<hbm>> -> memref<80x64xf32, #tpu.memory_space<hbm>>
        tpu.wait_dma2 semaphore(%arg31 : memref<!tpu.dma_semaphore, #tpu.memory_space<semaphore_mem>>) src(%dma_wait3A_148 : memref<80x64xf32, #tpu.memory_space<hbm>>) dst(%arg21 : memref<80x64xf32, #tpu.memory_space<vmem>>)
        %add3A_149 = arith.constant 1 : i32
        %add3A_150 = arith.addi %add3A_131, %add3A_149 : i32
        %lt3A = arith.constant 250 : i32
        %lt3A_151 = arith.cmpi slt, %add3A_150, %lt3A : i32
        %convert_element_type3A_152 = arith.extui %lt3A_151 : i1 to i32
        %cond3A_153 = arith.constant 0 : i32
        %cond3A_154 = arith.cmpi ne, %convert_element_type3A_152, %cond3A_153 : i32
        scf.if %cond3A_154 {
          %add3A_231 = arith.constant 1 : i32
          %add3A_232 = arith.addi %add3A_131, %add3A_231 : i32
          %dma_wait3A_233 = arith.constant 0 : i32
          %dma_wait3A_234 = tpu.memref_slice %arg7[%arg1, %add3A_232, %dma_wait3A_233] : memref<16x250x80xi32, #tpu.memory_space<hbm>> -> memref<1x1x80xi32, #tpu.memory_space<hbm>>
          %dma_wait3A_235 = tpu.memref_squeeze %dma_wait3A_234 : memref<1x1x80xi32, #tpu.memory_space<hbm>> -> memref<80xi32, #tpu.memory_space<hbm>>
          %dma_wait3A_236 = arith.constant 0 : i32
          %dma_wait3A_237 = tpu.memref_slice %arg7[%arg1, %add3A_232, %dma_wait3A_236] : memref<16x250x80xi32, #tpu.memory_space<hbm>> -> memref<1x1x80xi32, #tpu.memory_space<hbm>>
          %dma_wait3A_238 = tpu.memref_squeeze %dma_wait3A_237 : memref<1x1x80xi32, #tpu.memory_space<hbm>> -> memref<80xi32, #tpu.memory_space<hbm>>
          tpu.wait_dma2 semaphore(%arg34 : memref<!tpu.dma_semaphore, #tpu.memory_space<semaphore_mem>>) src(%dma_wait3A_238 : memref<80xi32, #tpu.memory_space<hbm>>) dst(%arg15 : memref<80xi32, #tpu.memory_space<vmem>>)
          %dma_wait3A_239 = arith.constant 0 : i32
          %dma_wait3A_240 = tpu.memref_slice %arg8[%arg1, %add3A_232, %dma_wait3A_239] : memref<16x250x80xi32, #tpu.memory_space<hbm>> -> memref<1x1x80xi32, #tpu.memory_space<hbm>>
          %dma_wait3A_241 = tpu.memref_squeeze %dma_wait3A_240 : memref<1x1x80xi32, #tpu.memory_space<hbm>> -> memref<80xi32, #tpu.memory_space<hbm>>
          %dma_wait3A_242 = arith.constant 0 : i32
          %dma_wait3A_243 = tpu.memref_slice %arg8[%arg1, %add3A_232, %dma_wait3A_242] : memref<16x250x80xi32, #tpu.memory_space<hbm>> -> memref<1x1x80xi32, #tpu.memory_space<hbm>>
          %dma_wait3A_244 = tpu.memref_squeeze %dma_wait3A_243 : memref<1x1x80xi32, #tpu.memory_space<hbm>> -> memref<80xi32, #tpu.memory_space<hbm>>
          tpu.wait_dma2 semaphore(%arg34 : memref<!tpu.dma_semaphore, #tpu.memory_space<semaphore_mem>>) src(%dma_wait3A_244 : memref<80xi32, #tpu.memory_space<hbm>>) dst(%arg16 : memref<80xi32, #tpu.memory_space<vmem>>)
          %add3A_245 = arith.constant 1 : i32
          %add3A_246 = arith.addi %add3A_131, %add3A_245 : i32
          %mul3A_247 = arith.constant 20000 : i32
          %mul3A_248 = arith.muli %arg1, %mul3A_247 : i32
          %mul3A_249 = arith.constant 80 : i32
          %mul3A_250 = arith.muli %add3A_246, %mul3A_249 : i32
          %add3A_251 = arith.addi %mul3A_248, %mul3A_250 : i32
          %dma_start3A_252 = arith.constant 0 : i32
          %dma_start3A_253 = arith.constant 0 : i32
          %dma_start3A_254 = tpu.memref_slice %arg2[%dma_start3A_252, %dma_start3A_253] : memref<10240x64xf32, #tpu.memory_space<hbm>> -> memref<10240x64xf32, #tpu.memory_space<hbm>>
          tpu.enqueue_indirect_dma source(%dma_start3A_254 : memref<10240x64xf32, #tpu.memory_space<hbm>>) target(%arg23 : memref<80x64xf32, #tpu.memory_space<vmem>>) offsets(%arg15 : memref<80xi32, #tpu.memory_space<vmem>>) semaphore(%arg32 : memref<!tpu.dma_semaphore, #tpu.memory_space<semaphore_mem>>)
          %dma_start3A_255 = arith.constant 0 : i32
          %dma_start3A_256 = arith.constant 0 : i32
          %dma_start3A_257 = tpu.memref_slice %arg4[%dma_start3A_255, %dma_start3A_256] : memref<10240x64xf32, #tpu.memory_space<hbm>> -> memref<10240x64xf32, #tpu.memory_space<hbm>>
          tpu.enqueue_indirect_dma source(%dma_start3A_257 : memref<10240x64xf32, #tpu.memory_space<hbm>>) target(%arg24 : memref<80x64xf32, #tpu.memory_space<vmem>>) offsets(%arg16 : memref<80xi32, #tpu.memory_space<vmem>>) semaphore(%arg32 : memref<!tpu.dma_semaphore, #tpu.memory_space<semaphore_mem>>)
          %dma_start3A_258 = tpu.memref_slice %arg6[%add3A_251, %mul3A_41] : memref<320000x128xf32, #tpu.memory_space<hbm>> -> memref<80x64xf32, #tpu.memory_space<hbm>>
          %dma_start3A_259 = tpu.memref_slice %arg6[%add3A_251, %mul3A_41] : memref<320000x128xf32, #tpu.memory_space<hbm>> -> memref<80x64xf32, #tpu.memory_space<hbm>>
          tpu.enqueue_dma source(%dma_start3A_259 : memref<80x64xf32, #tpu.memory_space<hbm>>) target(%arg25 : memref<80x64xf32, #tpu.memory_space<vmem>>) target_semaphore(%arg32 : memref<!tpu.dma_semaphore, #tpu.memory_space<semaphore_mem>>)
        } else {
        }
        %scan3A_155 = arith.constant 0 : i32
        %scan3A_156 = arith.constant 0 : i32
        %scan3A_157 = arith.constant 80 : i32
        %scan3A_158 = arith.addi %scan3A_156, %scan3A_157 : i32
        %scan3A_159 = arith.constant 1 : i32
        scf.for %scan3A_231 = %scan3A_156 to %scan3A_158 step %scan3A_159  : i32 {
          %get3A = arith.index_cast %scan3A_231 : i32 to index
          %get3A_232 = arith.constant 0 : index
          %get3A_233 = tpu.vector_load %arg19[%get3A, %get3A_232] {strides = array<i32>} : memref<80x64xf32, #tpu.memory_space<vmem>>, vector<1x16xf32>,
          %get3A_234 = vector.shape_cast %get3A_233 : vector<1x16xf32> to vector<16xf32>
          %get3A_235 = arith.index_cast %scan3A_231 : i32 to index
          %get3A_236 = arith.constant 0 : index
          %get3A_237 = tpu.vector_load %arg20[%get3A_235, %get3A_236] {strides = array<i32>} : memref<80x64xf32, #tpu.memory_space<vmem>>, vector<1x16xf32>,
          %get3A_238 = vector.shape_cast %get3A_237 : vector<1x16xf32> to vector<16xf32>
          %add3A_239 = arith.addf %get3A_234, %get3A_238 : vector<16xf32>
          %get3A_240 = arith.index_cast %scan3A_231 : i32 to index
          %get3A_241 = arith.constant 0 : index
          %get3A_242 = tpu.vector_load %arg21[%get3A_240, %get3A_241] {strides = array<i32>} : memref<80x64xf32, #tpu.memory_space<vmem>>, vector<1x16xf32>,
          %get3A_243 = vector.shape_cast %get3A_242 : vector<1x16xf32> to vector<16xf32>
          %add3A_244 = arith.addf %add3A_239, %get3A_243 : vector<16xf32>
          %neg3A = arith.constant 0.000000e+00 : f32
          %neg3A_245 = vector.broadcast %neg3A : f32 to vector<16xf32>
          %neg3A_246 = arith.subf %neg3A_245, %add3A_244 : vector<16xf32>
          %exp3A = math.exp %neg3A_246 : vector<16xf32>
          %add3A_247 = arith.constant 1.000000e+00 : f32
          %add3A_248 = vector.broadcast %add3A_247 : f32 to vector<16xf32>
          %add3A_249 = arith.addf %add3A_248, %exp3A : vector<16xf32>
          %div3A = arith.constant 1.000000e+00 : f32
          %div3A_250 = vector.broadcast %div3A : f32 to vector<16xf32>
          %div3A_251 = arith.divf %div3A_250, %add3A_249 : vector<16xf32>
          %swap3A = arith.index_cast %scan3A_231 : i32 to index
          %swap3A_252 = arith.constant 0 : index
          %swap3A_253 = tpu.vector_load %arg22[%swap3A, %swap3A_252] {strides = array<i32>} : memref<80x64xf32, #tpu.memory_space<vmem>>, vector<1x16xf32>,
          %swap3A_254 = vector.shape_cast %swap3A_253 : vector<1x16xf32> to vector<16xf32>
          %swap3A_255 = vector.shape_cast %div3A_251 : vector<16xf32> to vector<1x16xf32>
          tpu.vector_store %arg22[%swap3A, %swap3A_252], %swap3A_255 {strides = array<i32>} : memref<80x64xf32, #tpu.memory_space<vmem>>, vector<1x16xf32>,
          %get3A_256 = arith.index_cast %scan3A_231 : i32 to index
          %get3A_257 = arith.constant 16 : index
          %get3A_258 = tpu.vector_load %arg19[%get3A_256, %get3A_257] {strides = array<i32>} : memref<80x64xf32, #tpu.memory_space<vmem>>, vector<1x16xf32>,
          %get3A_259 = vector.shape_cast %get3A_258 : vector<1x16xf32> to vector<16xf32>
          %get3A_260 = arith.index_cast %scan3A_231 : i32 to index
          %get3A_261 = arith.constant 16 : index
          %get3A_262 = tpu.vector_load %arg20[%get3A_260, %get3A_261] {strides = array<i32>} : memref<80x64xf32, #tpu.memory_space<vmem>>, vector<1x16xf32>,
          %get3A_263 = vector.shape_cast %get3A_262 : vector<1x16xf32> to vector<16xf32>
          %add3A_264 = arith.addf %get3A_259, %get3A_263 : vector<16xf32>
          %get3A_265 = arith.index_cast %scan3A_231 : i32 to index
          %get3A_266 = arith.constant 16 : index
          %get3A_267 = tpu.vector_load %arg21[%get3A_265, %get3A_266] {strides = array<i32>} : memref<80x64xf32, #tpu.memory_space<vmem>>, vector<1x16xf32>,
          %get3A_268 = vector.shape_cast %get3A_267 : vector<1x16xf32> to vector<16xf32>
          %add3A_269 = arith.addf %add3A_264, %get3A_268 : vector<16xf32>
          %neg3A_270 = arith.constant 0.000000e+00 : f32
          %neg3A_271 = vector.broadcast %neg3A_270 : f32 to vector<16xf32>
          %neg3A_272 = arith.subf %neg3A_271, %add3A_269 : vector<16xf32>
          %exp3A_273 = math.exp %neg3A_272 : vector<16xf32>
          %add3A_274 = arith.constant 1.000000e+00 : f32
          %add3A_275 = vector.broadcast %add3A_274 : f32 to vector<16xf32>
          %add3A_276 = arith.addf %add3A_275, %exp3A_273 : vector<16xf32>
          %div3A_277 = arith.constant 1.000000e+00 : f32
          %div3A_278 = vector.broadcast %div3A_277 : f32 to vector<16xf32>
          %div3A_279 = arith.divf %div3A_278, %add3A_276 : vector<16xf32>
          %swap3A_280 = arith.index_cast %scan3A_231 : i32 to index
          %swap3A_281 = arith.constant 16 : index
          %swap3A_282 = tpu.vector_load %arg22[%swap3A_280, %swap3A_281] {strides = array<i32>} : memref<80x64xf32, #tpu.memory_space<vmem>>, vector<1x16xf32>,
          %swap3A_283 = vector.shape_cast %swap3A_282 : vector<1x16xf32> to vector<16xf32>
          %swap3A_284 = vector.shape_cast %div3A_279 : vector<16xf32> to vector<1x16xf32>
          tpu.vector_store %arg22[%swap3A_280, %swap3A_281], %swap3A_284 {strides = array<i32>} : memref<80x64xf32, #tpu.memory_space<vmem>>, vector<1x16xf32>,
          %get3A_285 = arith.index_cast %scan3A_231 : i32 to index
          %get3A_286 = arith.constant 32 : index
          %get3A_287 = tpu.vector_load %arg19[%get3A_285, %get3A_286] {strides = array<i32>} : memref<80x64xf32, #tpu.memory_space<vmem>>, vector<1x16xf32>,
          %get3A_288 = vector.shape_cast %get3A_287 : vector<1x16xf32> to vector<16xf32>
          %get3A_289 = arith.index_cast %scan3A_231 : i32 to index
          %get3A_290 = arith.constant 32 : index
          %get3A_291 = tpu.vector_load %arg20[%get3A_289, %get3A_290] {strides = array<i32>} : memref<80x64xf32, #tpu.memory_space<vmem>>, vector<1x16xf32>,
          %get3A_292 = vector.shape_cast %get3A_291 : vector<1x16xf32> to vector<16xf32>
          %add3A_293 = arith.addf %get3A_288, %get3A_292 : vector<16xf32>
          %get3A_294 = arith.index_cast %scan3A_231 : i32 to index
          %get3A_295 = arith.constant 32 : index
          %get3A_296 = tpu.vector_load %arg21[%get3A_294, %get3A_295] {strides = array<i32>} : memref<80x64xf32, #tpu.memory_space<vmem>>, vector<1x16xf32>,
          %get3A_297 = vector.shape_cast %get3A_296 : vector<1x16xf32> to vector<16xf32>
          %add3A_298 = arith.addf %add3A_293, %get3A_297 : vector<16xf32>
          %neg3A_299 = arith.constant 0.000000e+00 : f32
          %neg3A_300 = vector.broadcast %neg3A_299 : f32 to vector<16xf32>
          %neg3A_301 = arith.subf %neg3A_300, %add3A_298 : vector<16xf32>
          %exp3A_302 = math.exp %neg3A_301 : vector<16xf32>
          %add3A_303 = arith.constant 1.000000e+00 : f32
          %add3A_304 = vector.broadcast %add3A_303 : f32 to vector<16xf32>
          %add3A_305 = arith.addf %add3A_304, %exp3A_302 : vector<16xf32>
          %div3A_306 = arith.constant 1.000000e+00 : f32
          %div3A_307 = vector.broadcast %div3A_306 : f32 to vector<16xf32>
          %div3A_308 = arith.divf %div3A_307, %add3A_305 : vector<16xf32>
          %swap3A_309 = arith.index_cast %scan3A_231 : i32 to index
          %swap3A_310 = arith.constant 32 : index
          %swap3A_311 = tpu.vector_load %arg22[%swap3A_309, %swap3A_310] {strides = array<i32>} : memref<80x64xf32, #tpu.memory_space<vmem>>, vector<1x16xf32>,
          %swap3A_312 = vector.shape_cast %swap3A_311 : vector<1x16xf32> to vector<16xf32>
          %swap3A_313 = vector.shape_cast %div3A_308 : vector<16xf32> to vector<1x16xf32>
          tpu.vector_store %arg22[%swap3A_309, %swap3A_310], %swap3A_313 {strides = array<i32>} : memref<80x64xf32, #tpu.memory_space<vmem>>, vector<1x16xf32>,
          %get3A_314 = arith.index_cast %scan3A_231 : i32 to index
          %get3A_315 = arith.constant 48 : index
          %get3A_316 = tpu.vector_load %arg19[%get3A_314, %get3A_315] {strides = array<i32>} : memref<80x64xf32, #tpu.memory_space<vmem>>, vector<1x16xf32>,
          %get3A_317 = vector.shape_cast %get3A_316 : vector<1x16xf32> to vector<16xf32>
          %get3A_318 = arith.index_cast %scan3A_231 : i32 to index
          %get3A_319 = arith.constant 48 : index
          %get3A_320 = tpu.vector_load %arg20[%get3A_318, %get3A_319] {strides = array<i32>} : memref<80x64xf32, #tpu.memory_space<vmem>>, vector<1x16xf32>,
          %get3A_321 = vector.shape_cast %get3A_320 : vector<1x16xf32> to vector<16xf32>
          %add3A_322 = arith.addf %get3A_317, %get3A_321 : vector<16xf32>
          %get3A_323 = arith.index_cast %scan3A_231 : i32 to index
          %get3A_324 = arith.constant 48 : index
          %get3A_325 = tpu.vector_load %arg21[%get3A_323, %get3A_324] {strides = array<i32>} : memref<80x64xf32, #tpu.memory_space<vmem>>, vector<1x16xf32>,
          %get3A_326 = vector.shape_cast %get3A_325 : vector<1x16xf32> to vector<16xf32>
          %add3A_327 = arith.addf %add3A_322, %get3A_326 : vector<16xf32>
          %neg3A_328 = arith.constant 0.000000e+00 : f32
          %neg3A_329 = vector.broadcast %neg3A_328 : f32 to vector<16xf32>
          %neg3A_330 = arith.subf %neg3A_329, %add3A_327 : vector<16xf32>
          %exp3A_331 = math.exp %neg3A_330 : vector<16xf32>
          %add3A_332 = arith.constant 1.000000e+00 : f32
          %add3A_333 = vector.broadcast %add3A_332 : f32 to vector<16xf32>
          %add3A_334 = arith.addf %add3A_333, %exp3A_331 : vector<16xf32>
          %div3A_335 = arith.constant 1.000000e+00 : f32
          %div3A_336 = vector.broadcast %div3A_335 : f32 to vector<16xf32>
          %div3A_337 = arith.divf %div3A_336, %add3A_334 : vector<16xf32>
          %swap3A_338 = arith.index_cast %scan3A_231 : i32 to index
          %swap3A_339 = arith.constant 48 : index
          %swap3A_340 = tpu.vector_load %arg22[%swap3A_338, %swap3A_339] {strides = array<i32>} : memref<80x64xf32, #tpu.memory_space<vmem>>, vector<1x16xf32>,
          %swap3A_341 = vector.shape_cast %swap3A_340 : vector<1x16xf32> to vector<16xf32>
          %swap3A_342 = vector.shape_cast %div3A_337 : vector<16xf32> to vector<1x16xf32>
          tpu.vector_store %arg22[%swap3A_338, %swap3A_339], %swap3A_342 {strides = array<i32>} : memref<80x64xf32, #tpu.memory_space<vmem>>, vector<1x16xf32>,
        }
        %scan3A_160 = arith.constant 80 : i32
        %scan3A_161 = arith.constant 0 : i32
        %scan3A_162 = arith.constant 0 : i32
        %scan3A_163 = arith.constant 5 : i32
        %scan3A_164 = arith.addi %scan3A_162, %scan3A_163 : i32
        %scan3A_165 = arith.constant 1 : i32
        scf.for %scan3A_231 = %scan3A_162 to %scan3A_164 step %scan3A_165  : i32 {
          %mul3A_232 = arith.constant 16 : i32
          %mul3A_233 = arith.muli %scan3A_231, %mul3A_232 : i32
          %get3A = arith.index_cast %mul3A_233 : i32 to index
          %get3A_234 = tpu.vector_load %arg13[%get3A] {strides = array<i32>} : memref<80xi32, #tpu.memory_space<vmem>>, vector<16xi32>,
          %get3A_235 = vector.shape_cast %get3A_234 : vector<16xi32> to vector<16xi32>
          %swap3A = arith.index_cast %mul3A_233 : i32 to index
          %swap3A_236 = tpu.vector_load %arg17[%swap3A] {strides = array<i32>} : memref<80xi32, #tpu.memory_space<vmem>>, vector<16xi32>,
          %swap3A_237 = vector.shape_cast %swap3A_236 : vector<16xi32> to vector<16xi32>
          %swap3A_238 = vector.shape_cast %get3A_235 : vector<16xi32> to vector<16xi32>
          tpu.vector_store %arg17[%swap3A], %swap3A_238 {strides = array<i32>} : memref<80xi32, #tpu.memory_space<vmem>>, vector<16xi32>,
        }
        %scan3A_166 = arith.constant 5 : i32
        %dma_start3A_167 = arith.constant 0 : i32
        %dma_start3A_168 = arith.constant 0 : i32
        %dma_start3A_169 = tpu.memref_slice %arg29[%dma_start3A_167, %dma_start3A_168] : memref<10000x64xf32, #tpu.memory_space<vmem_shared>> -> memref<10000x64xf32, #tpu.memory_space<vmem_shared>>
        tpu.enqueue_indirect_dma source(%arg22 : memref<80x64xf32, #tpu.memory_space<vmem>>) target(%dma_start3A_169 : memref<10000x64xf32, #tpu.memory_space<vmem_shared>>) offsets(%arg17 : memref<80xi32, #tpu.memory_space<vmem>>) semaphore(%arg35 : memref<!tpu.dma_semaphore, #tpu.memory_space<semaphore_mem>>) {add = true}
        %dma_start3A_170 = arith.constant 0 : i32
        %dma_start3A_171 = arith.constant 0 : i32
        %dma_start3A_172 = tpu.memref_slice %arg30[%dma_start3A_170, %dma_start3A_171] : memref<10000x16xf32, #tpu.memory_space<vmem_shared>> -> memref<10000x16xf32, #tpu.memory_space<vmem_shared>>
        tpu.enqueue_indirect_dma source(%arg27 : memref<80x16xf32, #tpu.memory_space<vmem>>) target(%dma_start3A_172 : memref<10000x16xf32, #tpu.memory_space<vmem_shared>>) offsets(%arg17 : memref<80xi32, #tpu.memory_space<vmem>>) semaphore(%arg37 : memref<!tpu.dma_semaphore, #tpu.memory_space<semaphore_mem>>) {add = true}
        %add3A_173 = arith.constant 2 : i32
        %add3A_174 = arith.addi %add3A_131, %add3A_173 : i32
        %lt3A_175 = arith.constant 250 : i32
        %lt3A_176 = arith.cmpi slt, %add3A_174, %lt3A_175 : i32
        %convert_element_type3A_177 = arith.extui %lt3A_176 : i1 to i32
        %cond3A_178 = arith.constant 0 : i32
        %cond3A_179 = arith.cmpi ne, %convert_element_type3A_177, %cond3A_178 : i32
        scf.if %cond3A_179 {
          %add3A_231 = arith.constant 2 : i32
          %add3A_232 = arith.addi %add3A_131, %add3A_231 : i32
          %dma_start3A_233 = arith.constant 0 : i32
          %dma_start3A_234 = tpu.memref_slice %arg7[%arg1, %add3A_232, %dma_start3A_233] : memref<16x250x80xi32, #tpu.memory_space<hbm>> -> memref<1x1x80xi32, #tpu.memory_space<hbm>>
          %dma_start3A_235 = tpu.memref_squeeze %dma_start3A_234 : memref<1x1x80xi32, #tpu.memory_space<hbm>> -> memref<80xi32, #tpu.memory_space<hbm>>
          %dma_start3A_236 = arith.constant 0 : i32
          %dma_start3A_237 = tpu.memref_slice %arg7[%arg1, %add3A_232, %dma_start3A_236] : memref<16x250x80xi32, #tpu.memory_space<hbm>> -> memref<1x1x80xi32, #tpu.memory_space<hbm>>
          %dma_start3A_238 = tpu.memref_squeeze %dma_start3A_237 : memref<1x1x80xi32, #tpu.memory_space<hbm>> -> memref<80xi32, #tpu.memory_space<hbm>>
          tpu.enqueue_dma source(%dma_start3A_238 : memref<80xi32, #tpu.memory_space<hbm>>) target(%arg13 : memref<80xi32, #tpu.memory_space<vmem>>) target_semaphore(%arg33 : memref<!tpu.dma_semaphore, #tpu.memory_space<semaphore_mem>>)
          %dma_start3A_239 = arith.constant 0 : i32
          %dma_start3A_240 = tpu.memref_slice %arg8[%arg1, %add3A_232, %dma_start3A_239] : memref<16x250x80xi32, #tpu.memory_space<hbm>> -> memref<1x1x80xi32, #tpu.memory_space<hbm>>
          %dma_start3A_241 = tpu.memref_squeeze %dma_start3A_240 : memref<1x1x80xi32, #tpu.memory_space<hbm>> -> memref<80xi32, #tpu.memory_space<hbm>>
          %dma_start3A_242 = arith.constant 0 : i32
          %dma_start3A_243 = tpu.memref_slice %arg8[%arg1, %add3A_232, %dma_start3A_242] : memref<16x250x80xi32, #tpu.memory_space<hbm>> -> memref<1x1x80xi32, #tpu.memory_space<hbm>>
          %dma_start3A_244 = tpu.memref_squeeze %dma_start3A_243 : memref<1x1x80xi32, #tpu.memory_space<hbm>> -> memref<80xi32, #tpu.memory_space<hbm>>
          tpu.enqueue_dma source(%dma_start3A_244 : memref<80xi32, #tpu.memory_space<hbm>>) target(%arg14 : memref<80xi32, #tpu.memory_space<vmem>>) target_semaphore(%arg33 : memref<!tpu.dma_semaphore, #tpu.memory_space<semaphore_mem>>)
        } else {
        }
        %mul3A_180 = arith.constant 2 : i32
        %mul3A_181 = arith.muli %mul3A_180, %scan3A_127 : i32
        %add3A_182 = arith.constant 1 : i32
        %add3A_183 = arith.addi %mul3A_181, %add3A_182 : i32
        %ge3A_184 = arith.constant 2 : i32
        %ge3A_185 = arith.cmpi sge, %add3A_183, %ge3A_184 : i32
        %convert_element_type3A_186 = arith.extui %ge3A_185 : i1 to i32
        %cond3A_187 = arith.constant 0 : i32
        %cond3A_188 = arith.cmpi ne, %convert_element_type3A_186, %cond3A_187 : i32
        scf.if %cond3A_188 {
          %dma_wait3A_231 = arith.constant 0 : i32
          %dma_wait3A_232 = arith.constant 0 : i32
          %dma_wait3A_233 = tpu.memref_slice %arg29[%dma_wait3A_231, %dma_wait3A_232] : memref<10000x64xf32, #tpu.memory_space<vmem_shared>> -> memref<10000x64xf32, #tpu.memory_space<vmem_shared>>
          tpu.wait_indirect_dma semaphore(%arg36 : memref<!tpu.dma_semaphore, #tpu.memory_space<semaphore_mem>>) src(%arg26 : memref<80x64xf32, #tpu.memory_space<vmem>>) dst(%dma_wait3A_233 : memref<10000x64xf32, #tpu.memory_space<vmem_shared>>)
        } else {
        }
        %mul3A_189 = arith.constant 20000 : i32
        %mul3A_190 = arith.muli %arg1, %mul3A_189 : i32
        %mul3A_191 = arith.constant 80 : i32
        %mul3A_192 = arith.muli %add3A_183, %mul3A_191 : i32
        %add3A_193 = arith.addi %mul3A_190, %mul3A_192 : i32
        %dma_wait3A_194 = arith.constant 0 : i32
        %dma_wait3A_195 = arith.constant 0 : i32
        %dma_wait3A_196 = tpu.memref_slice %arg2[%dma_wait3A_194, %dma_wait3A_195] : memref<10240x64xf32, #tpu.memory_space<hbm>> -> memref<10240x64xf32, #tpu.memory_space<hbm>>
        tpu.wait_indirect_dma semaphore(%arg32 : memref<!tpu.dma_semaphore, #tpu.memory_space<semaphore_mem>>) src(%dma_wait3A_196 : memref<10240x64xf32, #tpu.memory_space<hbm>>) dst(%arg23 : memref<80x64xf32, #tpu.memory_space<vmem>>)
        %dma_wait3A_197 = arith.constant 0 : i32
        %dma_wait3A_198 = arith.constant 0 : i32
        %dma_wait3A_199 = tpu.memref_slice %arg4[%dma_wait3A_197, %dma_wait3A_198] : memref<10240x64xf32, #tpu.memory_space<hbm>> -> memref<10240x64xf32, #tpu.memory_space<hbm>>
        tpu.wait_indirect_dma semaphore(%arg32 : memref<!tpu.dma_semaphore, #tpu.memory_space<semaphore_mem>>) src(%dma_wait3A_199 : memref<10240x64xf32, #tpu.memory_space<hbm>>) dst(%arg24 : memref<80x64xf32, #tpu.memory_space<vmem>>)
        %dma_wait3A_200 = tpu.memref_slice %arg6[%add3A_193, %mul3A_41] : memref<320000x128xf32, #tpu.memory_space<hbm>> -> memref<80x64xf32, #tpu.memory_space<hbm>>
        %dma_wait3A_201 = tpu.memref_slice %arg6[%add3A_193, %mul3A_41] : memref<320000x128xf32, #tpu.memory_space<hbm>> -> memref<80x64xf32, #tpu.memory_space<hbm>>
        tpu.wait_dma2 semaphore(%arg32 : memref<!tpu.dma_semaphore, #tpu.memory_space<semaphore_mem>>) src(%dma_wait3A_201 : memref<80x64xf32, #tpu.memory_space<hbm>>) dst(%arg25 : memref<80x64xf32, #tpu.memory_space<vmem>>)
        %add3A_202 = arith.constant 1 : i32
        %add3A_203 = arith.addi %add3A_183, %add3A_202 : i32
        %lt3A_204 = arith.constant 250 : i32
        %lt3A_205 = arith.cmpi slt, %add3A_203, %lt3A_204 : i32
        %convert_element_type3A_206 = arith.extui %lt3A_205 : i1 to i32
        %cond3A_207 = arith.constant 0 : i32
        %cond3A_208 = arith.cmpi ne, %convert_element_type3A_206, %cond3A_207 : i32
        scf.if %cond3A_208 {
          %add3A_231 = arith.constant 1 : i32
          %add3A_232 = arith.addi %add3A_183, %add3A_231 : i32
          %dma_wait3A_233 = arith.constant 0 : i32
          %dma_wait3A_234 = tpu.memref_slice %arg7[%arg1, %add3A_232, %dma_wait3A_233] : memref<16x250x80xi32, #tpu.memory_space<hbm>> -> memref<1x1x80xi32, #tpu.memory_space<hbm>>
          %dma_wait3A_235 = tpu.memref_squeeze %dma_wait3A_234 : memref<1x1x80xi32, #tpu.memory_space<hbm>> -> memref<80xi32, #tpu.memory_space<hbm>>
          %dma_wait3A_236 = arith.constant 0 : i32
          %dma_wait3A_237 = tpu.memref_slice %arg7[%arg1, %add3A_232, %dma_wait3A_236] : memref<16x250x80xi32, #tpu.memory_space<hbm>> -> memref<1x1x80xi32, #tpu.memory_space<hbm>>
          %dma_wait3A_238 = tpu.memref_squeeze %dma_wait3A_237 : memref<1x1x80xi32, #tpu.memory_space<hbm>> -> memref<80xi32, #tpu.memory_space<hbm>>
          tpu.wait_dma2 semaphore(%arg33 : memref<!tpu.dma_semaphore, #tpu.memory_space<semaphore_mem>>) src(%dma_wait3A_238 : memref<80xi32, #tpu.memory_space<hbm>>) dst(%arg13 : memref<80xi32, #tpu.memory_space<vmem>>)
          %dma_wait3A_239 = arith.constant 0 : i32
          %dma_wait3A_240 = tpu.memref_slice %arg8[%arg1, %add3A_232, %dma_wait3A_239] : memref<16x250x80xi32, #tpu.memory_space<hbm>> -> memref<1x1x80xi32, #tpu.memory_space<hbm>>
          %dma_wait3A_241 = tpu.memref_squeeze %dma_wait3A_240 : memref<1x1x80xi32, #tpu.memory_space<hbm>> -> memref<80xi32, #tpu.memory_space<hbm>>
          %dma_wait3A_242 = arith.constant 0 : i32
          %dma_wait3A_243 = tpu.memref_slice %arg8[%arg1, %add3A_232, %dma_wait3A_242] : memref<16x250x80xi32, #tpu.memory_space<hbm>> -> memref<1x1x80xi32, #tpu.memory_space<hbm>>
          %dma_wait3A_244 = tpu.memref_squeeze %dma_wait3A_243 : memref<1x1x80xi32, #tpu.memory_space<hbm>> -> memref<80xi32, #tpu.memory_space<hbm>>
          tpu.wait_dma2 semaphore(%arg33 : memref<!tpu.dma_semaphore, #tpu.memory_space<semaphore_mem>>) src(%dma_wait3A_244 : memref<80xi32, #tpu.memory_space<hbm>>) dst(%arg14 : memref<80xi32, #tpu.memory_space<vmem>>)
          %add3A_245 = arith.constant 1 : i32
          %add3A_246 = arith.addi %add3A_183, %add3A_245 : i32
          %mul3A_247 = arith.constant 20000 : i32
          %mul3A_248 = arith.muli %arg1, %mul3A_247 : i32
          %mul3A_249 = arith.constant 80 : i32
          %mul3A_250 = arith.muli %add3A_246, %mul3A_249 : i32
          %add3A_251 = arith.addi %mul3A_248, %mul3A_250 : i32
          %dma_start3A_252 = arith.constant 0 : i32
          %dma_start3A_253 = arith.constant 0 : i32
          %dma_start3A_254 = tpu.memref_slice %arg2[%dma_start3A_252, %dma_start3A_253] : memref<10240x64xf32, #tpu.memory_space<hbm>> -> memref<10240x64xf32, #tpu.memory_space<hbm>>
          tpu.enqueue_indirect_dma source(%dma_start3A_254 : memref<10240x64xf32, #tpu.memory_space<hbm>>) target(%arg19 : memref<80x64xf32, #tpu.memory_space<vmem>>) offsets(%arg13 : memref<80xi32, #tpu.memory_space<vmem>>) semaphore(%arg31 : memref<!tpu.dma_semaphore, #tpu.memory_space<semaphore_mem>>)
          %dma_start3A_255 = arith.constant 0 : i32
          %dma_start3A_256 = arith.constant 0 : i32
          %dma_start3A_257 = tpu.memref_slice %arg4[%dma_start3A_255, %dma_start3A_256] : memref<10240x64xf32, #tpu.memory_space<hbm>> -> memref<10240x64xf32, #tpu.memory_space<hbm>>
          tpu.enqueue_indirect_dma source(%dma_start3A_257 : memref<10240x64xf32, #tpu.memory_space<hbm>>) target(%arg20 : memref<80x64xf32, #tpu.memory_space<vmem>>) offsets(%arg14 : memref<80xi32, #tpu.memory_space<vmem>>) semaphore(%arg31 : memref<!tpu.dma_semaphore, #tpu.memory_space<semaphore_mem>>)
          %dma_start3A_258 = tpu.memref_slice %arg6[%add3A_251, %mul3A_41] : memref<320000x128xf32, #tpu.memory_space<hbm>> -> memref<80x64xf32, #tpu.memory_space<hbm>>
          %dma_start3A_259 = tpu.memref_slice %arg6[%add3A_251, %mul3A_41] : memref<320000x128xf32, #tpu.memory_space<hbm>> -> memref<80x64xf32, #tpu.memory_space<hbm>>
          tpu.enqueue_dma source(%dma_start3A_259 : memref<80x64xf32, #tpu.memory_space<hbm>>) target(%arg21 : memref<80x64xf32, #tpu.memory_space<vmem>>) target_semaphore(%arg31 : memref<!tpu.dma_semaphore, #tpu.memory_space<semaphore_mem>>)
        } else {
        }
        %scan3A_209 = arith.constant 0 : i32
        %scan3A_210 = arith.constant 0 : i32
        %scan3A_211 = arith.constant 80 : i32
        %scan3A_212 = arith.addi %scan3A_210, %scan3A_211 : i32
        %scan3A_213 = arith.constant 1 : i32
        scf.for %scan3A_231 = %scan3A_210 to %scan3A_212 step %scan3A_213  : i32 {
          %get3A = arith.index_cast %scan3A_231 : i32 to index
          %get3A_232 = arith.constant 0 : index
          %get3A_233 = tpu.vector_load %arg23[%get3A, %get3A_232] {strides = array<i32>} : memref<80x64xf32, #tpu.memory_space<vmem>>, vector<1x16xf32>,
          %get3A_234 = vector.shape_cast %get3A_233 : vector<1x16xf32> to vector<16xf32>
          %get3A_235 = arith.index_cast %scan3A_231 : i32 to index
          %get3A_236 = arith.constant 0 : index
          %get3A_237 = tpu.vector_load %arg24[%get3A_235, %get3A_236] {strides = array<i32>} : memref<80x64xf32, #tpu.memory_space<vmem>>, vector<1x16xf32>,
          %get3A_238 = vector.shape_cast %get3A_237 : vector<1x16xf32> to vector<16xf32>
          %add3A_239 = arith.addf %get3A_234, %get3A_238 : vector<16xf32>
          %get3A_240 = arith.index_cast %scan3A_231 : i32 to index
          %get3A_241 = arith.constant 0 : index
          %get3A_242 = tpu.vector_load %arg25[%get3A_240, %get3A_241] {strides = array<i32>} : memref<80x64xf32, #tpu.memory_space<vmem>>, vector<1x16xf32>,
          %get3A_243 = vector.shape_cast %get3A_242 : vector<1x16xf32> to vector<16xf32>
          %add3A_244 = arith.addf %add3A_239, %get3A_243 : vector<16xf32>
          %neg3A = arith.constant 0.000000e+00 : f32
          %neg3A_245 = vector.broadcast %neg3A : f32 to vector<16xf32>
          %neg3A_246 = arith.subf %neg3A_245, %add3A_244 : vector<16xf32>
          %exp3A = math.exp %neg3A_246 : vector<16xf32>
          %add3A_247 = arith.constant 1.000000e+00 : f32
          %add3A_248 = vector.broadcast %add3A_247 : f32 to vector<16xf32>
          %add3A_249 = arith.addf %add3A_248, %exp3A : vector<16xf32>
          %div3A = arith.constant 1.000000e+00 : f32
          %div3A_250 = vector.broadcast %div3A : f32 to vector<16xf32>
          %div3A_251 = arith.divf %div3A_250, %add3A_249 : vector<16xf32>
          %swap3A = arith.index_cast %scan3A_231 : i32 to index
          %swap3A_252 = arith.constant 0 : index
          %swap3A_253 = tpu.vector_load %arg26[%swap3A, %swap3A_252] {strides = array<i32>} : memref<80x64xf32, #tpu.memory_space<vmem>>, vector<1x16xf32>,
          %swap3A_254 = vector.shape_cast %swap3A_253 : vector<1x16xf32> to vector<16xf32>
          %swap3A_255 = vector.shape_cast %div3A_251 : vector<16xf32> to vector<1x16xf32>
          tpu.vector_store %arg26[%swap3A, %swap3A_252], %swap3A_255 {strides = array<i32>} : memref<80x64xf32, #tpu.memory_space<vmem>>, vector<1x16xf32>,
          %get3A_256 = arith.index_cast %scan3A_231 : i32 to index
          %get3A_257 = arith.constant 16 : index
          %get3A_258 = tpu.vector_load %arg23[%get3A_256, %get3A_257] {strides = array<i32>} : memref<80x64xf32, #tpu.memory_space<vmem>>, vector<1x16xf32>,
          %get3A_259 = vector.shape_cast %get3A_258 : vector<1x16xf32> to vector<16xf32>
          %get3A_260 = arith.index_cast %scan3A_231 : i32 to index
          %get3A_261 = arith.constant 16 : index
          %get3A_262 = tpu.vector_load %arg24[%get3A_260, %get3A_261] {strides = array<i32>} : memref<80x64xf32, #tpu.memory_space<vmem>>, vector<1x16xf32>,
          %get3A_263 = vector.shape_cast %get3A_262 : vector<1x16xf32> to vector<16xf32>
          %add3A_264 = arith.addf %get3A_259, %get3A_263 : vector<16xf32>
          %get3A_265 = arith.index_cast %scan3A_231 : i32 to index
          %get3A_266 = arith.constant 16 : index
          %get3A_267 = tpu.vector_load %arg25[%get3A_265, %get3A_266] {strides = array<i32>} : memref<80x64xf32, #tpu.memory_space<vmem>>, vector<1x16xf32>,
          %get3A_268 = vector.shape_cast %get3A_267 : vector<1x16xf32> to vector<16xf32>
          %add3A_269 = arith.addf %add3A_264, %get3A_268 : vector<16xf32>
          %neg3A_270 = arith.constant 0.000000e+00 : f32
          %neg3A_271 = vector.broadcast %neg3A_270 : f32 to vector<16xf32>
          %neg3A_272 = arith.subf %neg3A_271, %add3A_269 : vector<16xf32>
          %exp3A_273 = math.exp %neg3A_272 : vector<16xf32>
          %add3A_274 = arith.constant 1.000000e+00 : f32
          %add3A_275 = vector.broadcast %add3A_274 : f32 to vector<16xf32>
          %add3A_276 = arith.addf %add3A_275, %exp3A_273 : vector<16xf32>
          %div3A_277 = arith.constant 1.000000e+00 : f32
          %div3A_278 = vector.broadcast %div3A_277 : f32 to vector<16xf32>
          %div3A_279 = arith.divf %div3A_278, %add3A_276 : vector<16xf32>
          %swap3A_280 = arith.index_cast %scan3A_231 : i32 to index
          %swap3A_281 = arith.constant 16 : index
          %swap3A_282 = tpu.vector_load %arg26[%swap3A_280, %swap3A_281] {strides = array<i32>} : memref<80x64xf32, #tpu.memory_space<vmem>>, vector<1x16xf32>,
          %swap3A_283 = vector.shape_cast %swap3A_282 : vector<1x16xf32> to vector<16xf32>
          %swap3A_284 = vector.shape_cast %div3A_279 : vector<16xf32> to vector<1x16xf32>
          tpu.vector_store %arg26[%swap3A_280, %swap3A_281], %swap3A_284 {strides = array<i32>} : memref<80x64xf32, #tpu.memory_space<vmem>>, vector<1x16xf32>,
          %get3A_285 = arith.index_cast %scan3A_231 : i32 to index
          %get3A_286 = arith.constant 32 : index
          %get3A_287 = tpu.vector_load %arg23[%get3A_285, %get3A_286] {strides = array<i32>} : memref<80x64xf32, #tpu.memory_space<vmem>>, vector<1x16xf32>,
          %get3A_288 = vector.shape_cast %get3A_287 : vector<1x16xf32> to vector<16xf32>
          %get3A_289 = arith.index_cast %scan3A_231 : i32 to index
          %get3A_290 = arith.constant 32 : index
          %get3A_291 = tpu.vector_load %arg24[%get3A_289, %get3A_290] {strides = array<i32>} : memref<80x64xf32, #tpu.memory_space<vmem>>, vector<1x16xf32>,
          %get3A_292 = vector.shape_cast %get3A_291 : vector<1x16xf32> to vector<16xf32>
          %add3A_293 = arith.addf %get3A_288, %get3A_292 : vector<16xf32>
          %get3A_294 = arith.index_cast %scan3A_231 : i32 to index
          %get3A_295 = arith.constant 32 : index
          %get3A_296 = tpu.vector_load %arg25[%get3A_294, %get3A_295] {strides = array<i32>} : memref<80x64xf32, #tpu.memory_space<vmem>>, vector<1x16xf32>,
          %get3A_297 = vector.shape_cast %get3A_296 : vector<1x16xf32> to vector<16xf32>
          %add3A_298 = arith.addf %add3A_293, %get3A_297 : vector<16xf32>
          %neg3A_299 = arith.constant 0.000000e+00 : f32
          %neg3A_300 = vector.broadcast %neg3A_299 : f32 to vector<16xf32>
          %neg3A_301 = arith.subf %neg3A_300, %add3A_298 : vector<16xf32>
          %exp3A_302 = math.exp %neg3A_301 : vector<16xf32>
          %add3A_303 = arith.constant 1.000000e+00 : f32
          %add3A_304 = vector.broadcast %add3A_303 : f32 to vector<16xf32>
          %add3A_305 = arith.addf %add3A_304, %exp3A_302 : vector<16xf32>
          %div3A_306 = arith.constant 1.000000e+00 : f32
          %div3A_307 = vector.broadcast %div3A_306 : f32 to vector<16xf32>
          %div3A_308 = arith.divf %div3A_307, %add3A_305 : vector<16xf32>
          %swap3A_309 = arith.index_cast %scan3A_231 : i32 to index
          %swap3A_310 = arith.constant 32 : index
          %swap3A_311 = tpu.vector_load %arg26[%swap3A_309, %swap3A_310] {strides = array<i32>} : memref<80x64xf32, #tpu.memory_space<vmem>>, vector<1x16xf32>,
          %swap3A_312 = vector.shape_cast %swap3A_311 : vector<1x16xf32> to vector<16xf32>
          %swap3A_313 = vector.shape_cast %div3A_308 : vector<16xf32> to vector<1x16xf32>
          tpu.vector_store %arg26[%swap3A_309, %swap3A_310], %swap3A_313 {strides = array<i32>} : memref<80x64xf32, #tpu.memory_space<vmem>>, vector<1x16xf32>,
          %get3A_314 = arith.index_cast %scan3A_231 : i32 to index
          %get3A_315 = arith.constant 48 : index
          %get3A_316 = tpu.vector_load %arg23[%get3A_314, %get3A_315] {strides = array<i32>} : memref<80x64xf32, #tpu.memory_space<vmem>>, vector<1x16xf32>,
          %get3A_317 = vector.shape_cast %get3A_316 : vector<1x16xf32> to vector<16xf32>
          %get3A_318 = arith.index_cast %scan3A_231 : i32 to index
          %get3A_319 = arith.constant 48 : index
          %get3A_320 = tpu.vector_load %arg24[%get3A_318, %get3A_319] {strides = array<i32>} : memref<80x64xf32, #tpu.memory_space<vmem>>, vector<1x16xf32>,
          %get3A_321 = vector.shape_cast %get3A_320 : vector<1x16xf32> to vector<16xf32>
          %add3A_322 = arith.addf %get3A_317, %get3A_321 : vector<16xf32>
          %get3A_323 = arith.index_cast %scan3A_231 : i32 to index
          %get3A_324 = arith.constant 48 : index
          %get3A_325 = tpu.vector_load %arg25[%get3A_323, %get3A_324] {strides = array<i32>} : memref<80x64xf32, #tpu.memory_space<vmem>>, vector<1x16xf32>,
          %get3A_326 = vector.shape_cast %get3A_325 : vector<1x16xf32> to vector<16xf32>
          %add3A_327 = arith.addf %add3A_322, %get3A_326 : vector<16xf32>
          %neg3A_328 = arith.constant 0.000000e+00 : f32
          %neg3A_329 = vector.broadcast %neg3A_328 : f32 to vector<16xf32>
          %neg3A_330 = arith.subf %neg3A_329, %add3A_327 : vector<16xf32>
          %exp3A_331 = math.exp %neg3A_330 : vector<16xf32>
          %add3A_332 = arith.constant 1.000000e+00 : f32
          %add3A_333 = vector.broadcast %add3A_332 : f32 to vector<16xf32>
          %add3A_334 = arith.addf %add3A_333, %exp3A_331 : vector<16xf32>
          %div3A_335 = arith.constant 1.000000e+00 : f32
          %div3A_336 = vector.broadcast %div3A_335 : f32 to vector<16xf32>
          %div3A_337 = arith.divf %div3A_336, %add3A_334 : vector<16xf32>
          %swap3A_338 = arith.index_cast %scan3A_231 : i32 to index
          %swap3A_339 = arith.constant 48 : index
          %swap3A_340 = tpu.vector_load %arg26[%swap3A_338, %swap3A_339] {strides = array<i32>} : memref<80x64xf32, #tpu.memory_space<vmem>>, vector<1x16xf32>,
          %swap3A_341 = vector.shape_cast %swap3A_340 : vector<1x16xf32> to vector<16xf32>
          %swap3A_342 = vector.shape_cast %div3A_337 : vector<16xf32> to vector<1x16xf32>
          tpu.vector_store %arg26[%swap3A_338, %swap3A_339], %swap3A_342 {strides = array<i32>} : memref<80x64xf32, #tpu.memory_space<vmem>>, vector<1x16xf32>,
        }
        %scan3A_214 = arith.constant 80 : i32
        %scan3A_215 = arith.constant 0 : i32
        %scan3A_216 = arith.constant 0 : i32
        %scan3A_217 = arith.constant 5 : i32
        %scan3A_218 = arith.addi %scan3A_216, %scan3A_217 : i32
        %scan3A_219 = arith.constant 1 : i32
        scf.for %scan3A_231 = %scan3A_216 to %scan3A_218 step %scan3A_219  : i32 {
          %mul3A_232 = arith.constant 16 : i32
          %mul3A_233 = arith.muli %scan3A_231, %mul3A_232 : i32
          %get3A = arith.index_cast %mul3A_233 : i32 to index
          %get3A_234 = tpu.vector_load %arg15[%get3A] {strides = array<i32>} : memref<80xi32, #tpu.memory_space<vmem>>, vector<16xi32>,
          %get3A_235 = vector.shape_cast %get3A_234 : vector<16xi32> to vector<16xi32>
          %swap3A = arith.index_cast %mul3A_233 : i32 to index
          %swap3A_236 = tpu.vector_load %arg18[%swap3A] {strides = array<i32>} : memref<80xi32, #tpu.memory_space<vmem>>, vector<16xi32>,
          %swap3A_237 = vector.shape_cast %swap3A_236 : vector<16xi32> to vector<16xi32>
          %swap3A_238 = vector.shape_cast %get3A_235 : vector<16xi32> to vector<16xi32>
          tpu.vector_store %arg18[%swap3A], %swap3A_238 {strides = array<i32>} : memref<80xi32, #tpu.memory_space<vmem>>, vector<16xi32>,
        }
        %scan3A_220 = arith.constant 5 : i32
        %dma_start3A_221 = arith.constant 0 : i32
        %dma_start3A_222 = arith.constant 0 : i32
        %dma_start3A_223 = tpu.memref_slice %arg29[%dma_start3A_221, %dma_start3A_222] : memref<10000x64xf32, #tpu.memory_space<vmem_shared>> -> memref<10000x64xf32, #tpu.memory_space<vmem_shared>>
        tpu.enqueue_indirect_dma source(%arg26 : memref<80x64xf32, #tpu.memory_space<vmem>>) target(%dma_start3A_223 : memref<10000x64xf32, #tpu.memory_space<vmem_shared>>) offsets(%arg18 : memref<80xi32, #tpu.memory_space<vmem>>) semaphore(%arg36 : memref<!tpu.dma_semaphore, #tpu.memory_space<semaphore_mem>>) {add = true}
        %add3A_224 = arith.constant 2 : i32
        %add3A_225 = arith.addi %add3A_183, %add3A_224 : i32
        %lt3A_226 = arith.constant 250 : i32
        %lt3A_227 = arith.cmpi slt, %add3A_225, %lt3A_226 : i32
        %convert_element_type3A_228 = arith.extui %lt3A_227 : i1 to i32
        %cond3A_229 = arith.constant 0 : i32
        %cond3A_230 = arith.cmpi ne, %convert_element_type3A_228, %cond3A_229 : i32
        scf.if %cond3A_230 {
          %add3A_231 = arith.constant 2 : i32
          %add3A_232 = arith.addi %add3A_183, %add3A_231 : i32
          %dma_start3A_233 = arith.constant 0 : i32
          %dma_start3A_234 = tpu.memref_slice %arg7[%arg1, %add3A_232, %dma_start3A_233] : memref<16x250x80xi32, #tpu.memory_space<hbm>> -> memref<1x1x80xi32, #tpu.memory_space<hbm>>
          %dma_start3A_235 = tpu.memref_squeeze %dma_start3A_234 : memref<1x1x80xi32, #tpu.memory_space<hbm>> -> memref<80xi32, #tpu.memory_space<hbm>>
          %dma_start3A_236 = arith.constant 0 : i32
          %dma_start3A_237 = tpu.memref_slice %arg7[%arg1, %add3A_232, %dma_start3A_236] : memref<16x250x80xi32, #tpu.memory_space<hbm>> -> memref<1x1x80xi32, #tpu.memory_space<hbm>>
          %dma_start3A_238 = tpu.memref_squeeze %dma_start3A_237 : memref<1x1x80xi32, #tpu.memory_space<hbm>> -> memref<80xi32, #tpu.memory_space<hbm>>
          tpu.enqueue_dma source(%dma_start3A_238 : memref<80xi32, #tpu.memory_space<hbm>>) target(%arg15 : memref<80xi32, #tpu.memory_space<vmem>>) target_semaphore(%arg34 : memref<!tpu.dma_semaphore, #tpu.memory_space<semaphore_mem>>)
          %dma_start3A_239 = arith.constant 0 : i32
          %dma_start3A_240 = tpu.memref_slice %arg8[%arg1, %add3A_232, %dma_start3A_239] : memref<16x250x80xi32, #tpu.memory_space<hbm>> -> memref<1x1x80xi32, #tpu.memory_space<hbm>>
          %dma_start3A_241 = tpu.memref_squeeze %dma_start3A_240 : memref<1x1x80xi32, #tpu.memory_space<hbm>> -> memref<80xi32, #tpu.memory_space<hbm>>
          %dma_start3A_242 = arith.constant 0 : i32
          %dma_start3A_243 = tpu.memref_slice %arg8[%arg1, %add3A_232, %dma_start3A_242] : memref<16x250x80xi32, #tpu.memory_space<hbm>> -> memref<1x1x80xi32, #tpu.memory_space<hbm>>
          %dma_start3A_244 = tpu.memref_squeeze %dma_start3A_243 : memref<1x1x80xi32, #tpu.memory_space<hbm>> -> memref<80xi32, #tpu.memory_space<hbm>>
          tpu.enqueue_dma source(%dma_start3A_244 : memref<80xi32, #tpu.memory_space<hbm>>) target(%arg16 : memref<80xi32, #tpu.memory_space<vmem>>) target_semaphore(%arg34 : memref<!tpu.dma_semaphore, #tpu.memory_space<semaphore_mem>>)
        } else {
        }
      }
      %scan3A_117 = arith.constant 125 : i32
      %dma_wait3A_118 = arith.constant 0 : i32
      %dma_wait3A_119 = arith.constant 0 : i32
      %dma_wait3A_120 = tpu.memref_slice %arg29[%dma_wait3A_118, %dma_wait3A_119] : memref<10000x64xf32, #tpu.memory_space<vmem_shared>> -> memref<10000x64xf32, #tpu.memory_space<vmem_shared>>
      tpu.wait_indirect_dma semaphore(%arg35 : memref<!tpu.dma_semaphore, #tpu.memory_space<semaphore_mem>>) src(%arg22 : memref<80x64xf32, #tpu.memory_space<vmem>>) dst(%dma_wait3A_120 : memref<10000x64xf32, #tpu.memory_space<vmem_shared>>)
      %dma_wait3A_121 = arith.constant 0 : i32
      %dma_wait3A_122 = arith.constant 0 : i32
      %dma_wait3A_123 = tpu.memref_slice %arg29[%dma_wait3A_121, %dma_wait3A_122] : memref<10000x64xf32, #tpu.memory_space<vmem_shared>> -> memref<10000x64xf32, #tpu.memory_space<vmem_shared>>
      tpu.wait_indirect_dma semaphore(%arg36 : memref<!tpu.dma_semaphore, #tpu.memory_space<semaphore_mem>>) src(%arg26 : memref<80x64xf32, #tpu.memory_space<vmem>>) dst(%dma_wait3A_123 : memref<10000x64xf32, #tpu.memory_space<vmem_shared>>)
      %dma_wait3A_124 = arith.constant 0 : i32
      %dma_wait3A_125 = arith.constant 0 : i32
      %dma_wait3A_126 = tpu.memref_slice %arg30[%dma_wait3A_124, %dma_wait3A_125] : memref<10000x16xf32, #tpu.memory_space<vmem_shared>> -> memref<10000x16xf32, #tpu.memory_space<vmem_shared>>
      tpu.wait_indirect_dma semaphore(%arg37 : memref<!tpu.dma_semaphore, #tpu.memory_space<semaphore_mem>>) src(%arg27 : memref<80x16xf32, #tpu.memory_space<vmem>>) dst(%dma_wait3A_126 : memref<10000x16xf32, #tpu.memory_space<vmem_shared>>)
    } else {
    }
    %eq3A_44 = arith.constant 1 : i32
    %eq3A_45 = arith.cmpi eq, %arg0, %eq3A_44 : i32
    %convert_element_type3A_46 = arith.extui %eq3A_45 : i1 to i32
    %cond3A_47 = arith.constant 0 : i32
    %cond3A_48 = arith.cmpi ne, %convert_element_type3A_46, %cond3A_47 : i32
    scf.if %cond3A_48 {
      %dma_start3A = arith.constant 0 : i32
      %dma_start3A_60 = arith.constant 0 : i32
      %dma_start3A_61 = tpu.memref_slice %arg7[%arg1, %dma_start3A, %dma_start3A_60] : memref<16x250x80xi32, #tpu.memory_space<hbm>> -> memref<1x1x80xi32, #tpu.memory_space<hbm>>
      %dma_start3A_62 = tpu.memref_squeeze %dma_start3A_61 : memref<1x1x80xi32, #tpu.memory_space<hbm>> -> memref<80xi32, #tpu.memory_space<hbm>>
      %dma_start3A_63 = arith.constant 0 : i32
      %dma_start3A_64 = tpu.memref_slice %arg7[%arg1, %dma_start3A, %dma_start3A_63] : memref<16x250x80xi32, #tpu.memory_space<hbm>> -> memref<1x1x80xi32, #tpu.memory_space<hbm>>
      %dma_start3A_65 = tpu.memref_squeeze %dma_start3A_64 : memref<1x1x80xi32, #tpu.memory_space<hbm>> -> memref<80xi32, #tpu.memory_space<hbm>>
      tpu.enqueue_dma source(%dma_start3A_65 : memref<80xi32, #tpu.memory_space<hbm>>) target(%arg13 : memref<80xi32, #tpu.memory_space<vmem>>) target_semaphore(%arg33 : memref<!tpu.dma_semaphore, #tpu.memory_space<semaphore_mem>>)
      %dma_start3A_66 = arith.constant 0 : i32
      %dma_start3A_67 = arith.constant 0 : i32
      %dma_start3A_68 = tpu.memref_slice %arg8[%arg1, %dma_start3A_66, %dma_start3A_67] : memref<16x250x80xi32, #tpu.memory_space<hbm>> -> memref<1x1x80xi32, #tpu.memory_space<hbm>>
      %dma_start3A_69 = tpu.memref_squeeze %dma_start3A_68 : memref<1x1x80xi32, #tpu.memory_space<hbm>> -> memref<80xi32, #tpu.memory_space<hbm>>
      %dma_start3A_70 = arith.constant 0 : i32
      %dma_start3A_71 = tpu.memref_slice %arg8[%arg1, %dma_start3A_66, %dma_start3A_70] : memref<16x250x80xi32, #tpu.memory_space<hbm>> -> memref<1x1x80xi32, #tpu.memory_space<hbm>>
      %dma_start3A_72 = tpu.memref_squeeze %dma_start3A_71 : memref<1x1x80xi32, #tpu.memory_space<hbm>> -> memref<80xi32, #tpu.memory_space<hbm>>
      tpu.enqueue_dma source(%dma_start3A_72 : memref<80xi32, #tpu.memory_space<hbm>>) target(%arg14 : memref<80xi32, #tpu.memory_space<vmem>>) target_semaphore(%arg33 : memref<!tpu.dma_semaphore, #tpu.memory_space<semaphore_mem>>)
      %dma_start3A_73 = arith.constant 1 : i32
      %dma_start3A_74 = arith.constant 0 : i32
      %dma_start3A_75 = tpu.memref_slice %arg7[%arg1, %dma_start3A_73, %dma_start3A_74] : memref<16x250x80xi32, #tpu.memory_space<hbm>> -> memref<1x1x80xi32, #tpu.memory_space<hbm>>
      %dma_start3A_76 = tpu.memref_squeeze %dma_start3A_75 : memref<1x1x80xi32, #tpu.memory_space<hbm>> -> memref<80xi32, #tpu.memory_space<hbm>>
      %dma_start3A_77 = arith.constant 0 : i32
      %dma_start3A_78 = tpu.memref_slice %arg7[%arg1, %dma_start3A_73, %dma_start3A_77] : memref<16x250x80xi32, #tpu.memory_space<hbm>> -> memref<1x1x80xi32, #tpu.memory_space<hbm>>
      %dma_start3A_79 = tpu.memref_squeeze %dma_start3A_78 : memref<1x1x80xi32, #tpu.memory_space<hbm>> -> memref<80xi32, #tpu.memory_space<hbm>>
      tpu.enqueue_dma source(%dma_start3A_79 : memref<80xi32, #tpu.memory_space<hbm>>) target(%arg15 : memref<80xi32, #tpu.memory_space<vmem>>) target_semaphore(%arg34 : memref<!tpu.dma_semaphore, #tpu.memory_space<semaphore_mem>>)
      %dma_start3A_80 = arith.constant 1 : i32
      %dma_start3A_81 = arith.constant 0 : i32
      %dma_start3A_82 = tpu.memref_slice %arg8[%arg1, %dma_start3A_80, %dma_start3A_81] : memref<16x250x80xi32, #tpu.memory_space<hbm>> -> memref<1x1x80xi32, #tpu.memory_space<hbm>>
      %dma_start3A_83 = tpu.memref_squeeze %dma_start3A_82 : memref<1x1x80xi32, #tpu.memory_space<hbm>> -> memref<80xi32, #tpu.memory_space<hbm>>
      %dma_start3A_84 = arith.constant 0 : i32
      %dma_start3A_85 = tpu.memref_slice %arg8[%arg1, %dma_start3A_80, %dma_start3A_84] : memref<16x250x80xi32, #tpu.memory_space<hbm>> -> memref<1x1x80xi32, #tpu.memory_space<hbm>>
      %dma_start3A_86 = tpu.memref_squeeze %dma_start3A_85 : memref<1x1x80xi32, #tpu.memory_space<hbm>> -> memref<80xi32, #tpu.memory_space<hbm>>
      tpu.enqueue_dma source(%dma_start3A_86 : memref<80xi32, #tpu.memory_space<hbm>>) target(%arg16 : memref<80xi32, #tpu.memory_space<vmem>>) target_semaphore(%arg34 : memref<!tpu.dma_semaphore, #tpu.memory_space<semaphore_mem>>)
      %dma_wait3A = arith.constant 0 : i32
      %dma_wait3A_87 = arith.constant 0 : i32
      %dma_wait3A_88 = tpu.memref_slice %arg7[%arg1, %dma_wait3A, %dma_wait3A_87] : memref<16x250x80xi32, #tpu.memory_space<hbm>> -> memref<1x1x80xi32, #tpu.memory_space<hbm>>
      %dma_wait3A_89 = tpu.memref_squeeze %dma_wait3A_88 : memref<1x1x80xi32, #tpu.memory_space<hbm>> -> memref<80xi32, #tpu.memory_space<hbm>>
      %dma_wait3A_90 = arith.constant 0 : i32
      %dma_wait3A_91 = tpu.memref_slice %arg7[%arg1, %dma_wait3A, %dma_wait3A_90] : memref<16x250x80xi32, #tpu.memory_space<hbm>> -> memref<1x1x80xi32, #tpu.memory_space<hbm>>
      %dma_wait3A_92 = tpu.memref_squeeze %dma_wait3A_91 : memref<1x1x80xi32, #tpu.memory_space<hbm>> -> memref<80xi32, #tpu.memory_space<hbm>>
      tpu.wait_dma2 semaphore(%arg33 : memref<!tpu.dma_semaphore, #tpu.memory_space<semaphore_mem>>) src(%dma_wait3A_92 : memref<80xi32, #tpu.memory_space<hbm>>) dst(%arg13 : memref<80xi32, #tpu.memory_space<vmem>>)
      %dma_wait3A_93 = arith.constant 0 : i32
      %dma_wait3A_94 = arith.constant 0 : i32
      %dma_wait3A_95 = tpu.memref_slice %arg8[%arg1, %dma_wait3A_93, %dma_wait3A_94] : memref<16x250x80xi32, #tpu.memory_space<hbm>> -> memref<1x1x80xi32, #tpu.memory_space<hbm>>
      %dma_wait3A_96 = tpu.memref_squeeze %dma_wait3A_95 : memref<1x1x80xi32, #tpu.memory_space<hbm>> -> memref<80xi32, #tpu.memory_space<hbm>>
      %dma_wait3A_97 = arith.constant 0 : i32
      %dma_wait3A_98 = tpu.memref_slice %arg8[%arg1, %dma_wait3A_93, %dma_wait3A_97] : memref<16x250x80xi32, #tpu.memory_space<hbm>> -> memref<1x1x80xi32, #tpu.memory_space<hbm>>
      %dma_wait3A_99 = tpu.memref_squeeze %dma_wait3A_98 : memref<1x1x80xi32, #tpu.memory_space<hbm>> -> memref<80xi32, #tpu.memory_space<hbm>>
      tpu.wait_dma2 semaphore(%arg33 : memref<!tpu.dma_semaphore, #tpu.memory_space<semaphore_mem>>) src(%dma_wait3A_99 : memref<80xi32, #tpu.memory_space<hbm>>) dst(%arg14 : memref<80xi32, #tpu.memory_space<vmem>>)
      %mul3A_100 = arith.constant 20000 : i32
      %mul3A_101 = arith.muli %arg1, %mul3A_100 : i32
      %add3A_102 = arith.constant 0 : i32
      %add3A_103 = arith.addi %mul3A_101, %add3A_102 : i32
      %dma_start3A_104 = arith.constant 0 : i32
      %dma_start3A_105 = arith.constant 0 : i32
      %dma_start3A_106 = tpu.memref_slice %arg3[%dma_start3A_104, %dma_start3A_105] : memref<10240x64xf32, #tpu.memory_space<hbm>> -> memref<10240x64xf32, #tpu.memory_space<hbm>>
      tpu.enqueue_indirect_dma source(%dma_start3A_106 : memref<10240x64xf32, #tpu.memory_space<hbm>>) target(%arg19 : memref<80x64xf32, #tpu.memory_space<vmem>>) offsets(%arg13 : memref<80xi32, #tpu.memory_space<vmem>>) semaphore(%arg31 : memref<!tpu.dma_semaphore, #tpu.memory_space<semaphore_mem>>)
      %dma_start3A_107 = arith.constant 0 : i32
      %dma_start3A_108 = arith.constant 0 : i32
      %dma_start3A_109 = tpu.memref_slice %arg5[%dma_start3A_107, %dma_start3A_108] : memref<10240x64xf32, #tpu.memory_space<hbm>> -> memref<10240x64xf32, #tpu.memory_space<hbm>>
      tpu.enqueue_indirect_dma source(%dma_start3A_109 : memref<10240x64xf32, #tpu.memory_space<hbm>>) target(%arg20 : memref<80x64xf32, #tpu.memory_space<vmem>>) offsets(%arg14 : memref<80xi32, #tpu.memory_space<vmem>>) semaphore(%arg31 : memref<!tpu.dma_semaphore, #tpu.memory_space<semaphore_mem>>)
      %dma_start3A_110 = tpu.memref_slice %arg6[%add3A_103, %mul3A_41] : memref<320000x128xf32, #tpu.memory_space<hbm>> -> memref<80x64xf32, #tpu.memory_space<hbm>>
      %dma_start3A_111 = tpu.memref_slice %arg6[%add3A_103, %mul3A_41] : memref<320000x128xf32, #tpu.memory_space<hbm>> -> memref<80x64xf32, #tpu.memory_space<hbm>>
      tpu.enqueue_dma source(%dma_start3A_111 : memref<80x64xf32, #tpu.memory_space<hbm>>) target(%arg21 : memref<80x64xf32, #tpu.memory_space<vmem>>) target_semaphore(%arg31 : memref<!tpu.dma_semaphore, #tpu.memory_space<semaphore_mem>>)
      %scan3A_112 = arith.constant 0 : i32
      %scan3A_113 = arith.constant 0 : i32
      %scan3A_114 = arith.constant 125 : i32
      %scan3A_115 = arith.addi %scan3A_113, %scan3A_114 : i32
      %scan3A_116 = arith.constant 1 : i32
      scf.for %scan3A_127 = %scan3A_113 to %scan3A_115 step %scan3A_116  : i32 {
        %mul3A_128 = arith.constant 2 : i32
        %mul3A_129 = arith.muli %mul3A_128, %scan3A_127 : i32
        %add3A_130 = arith.constant 0 : i32
        %add3A_131 = arith.addi %mul3A_129, %add3A_130 : i32
        %ge3A = arith.constant 2 : i32
        %ge3A_132 = arith.cmpi sge, %add3A_131, %ge3A : i32
        %convert_element_type3A_133 = arith.extui %ge3A_132 : i1 to i32
        %cond3A_134 = arith.constant 0 : i32
        %cond3A_135 = arith.cmpi ne, %convert_element_type3A_133, %cond3A_134 : i32
        scf.if %cond3A_135 {
          %dma_wait3A_231 = arith.constant 0 : i32
          %dma_wait3A_232 = arith.constant 0 : i32
          %dma_wait3A_233 = tpu.memref_slice %arg29[%dma_wait3A_231, %dma_wait3A_232] : memref<10000x64xf32, #tpu.memory_space<vmem_shared>> -> memref<10000x64xf32, #tpu.memory_space<vmem_shared>>
          tpu.wait_indirect_dma semaphore(%arg35 : memref<!tpu.dma_semaphore, #tpu.memory_space<semaphore_mem>>) src(%arg22 : memref<80x64xf32, #tpu.memory_space<vmem>>) dst(%dma_wait3A_233 : memref<10000x64xf32, #tpu.memory_space<vmem_shared>>)
        } else {
        }
        %mul3A_136 = arith.constant 20000 : i32
        %mul3A_137 = arith.muli %arg1, %mul3A_136 : i32
        %mul3A_138 = arith.constant 80 : i32
        %mul3A_139 = arith.muli %add3A_131, %mul3A_138 : i32
        %add3A_140 = arith.addi %mul3A_137, %mul3A_139 : i32
        %dma_wait3A_141 = arith.constant 0 : i32
        %dma_wait3A_142 = arith.constant 0 : i32
        %dma_wait3A_143 = tpu.memref_slice %arg3[%dma_wait3A_141, %dma_wait3A_142] : memref<10240x64xf32, #tpu.memory_space<hbm>> -> memref<10240x64xf32, #tpu.memory_space<hbm>>
        tpu.wait_indirect_dma semaphore(%arg31 : memref<!tpu.dma_semaphore, #tpu.memory_space<semaphore_mem>>) src(%dma_wait3A_143 : memref<10240x64xf32, #tpu.memory_space<hbm>>) dst(%arg19 : memref<80x64xf32, #tpu.memory_space<vmem>>)
        %dma_wait3A_144 = arith.constant 0 : i32
        %dma_wait3A_145 = arith.constant 0 : i32
        %dma_wait3A_146 = tpu.memref_slice %arg5[%dma_wait3A_144, %dma_wait3A_145] : memref<10240x64xf32, #tpu.memory_space<hbm>> -> memref<10240x64xf32, #tpu.memory_space<hbm>>
        tpu.wait_indirect_dma semaphore(%arg31 : memref<!tpu.dma_semaphore, #tpu.memory_space<semaphore_mem>>) src(%dma_wait3A_146 : memref<10240x64xf32, #tpu.memory_space<hbm>>) dst(%arg20 : memref<80x64xf32, #tpu.memory_space<vmem>>)
        %dma_wait3A_147 = tpu.memref_slice %arg6[%add3A_140, %mul3A_41] : memref<320000x128xf32, #tpu.memory_space<hbm>> -> memref<80x64xf32, #tpu.memory_space<hbm>>
        %dma_wait3A_148 = tpu.memref_slice %arg6[%add3A_140, %mul3A_41] : memref<320000x128xf32, #tpu.memory_space<hbm>> -> memref<80x64xf32, #tpu.memory_space<hbm>>
        tpu.wait_dma2 semaphore(%arg31 : memref<!tpu.dma_semaphore, #tpu.memory_space<semaphore_mem>>) src(%dma_wait3A_148 : memref<80x64xf32, #tpu.memory_space<hbm>>) dst(%arg21 : memref<80x64xf32, #tpu.memory_space<vmem>>)
        %add3A_149 = arith.constant 1 : i32
        %add3A_150 = arith.addi %add3A_131, %add3A_149 : i32
        %lt3A = arith.constant 250 : i32
        %lt3A_151 = arith.cmpi slt, %add3A_150, %lt3A : i32
        %convert_element_type3A_152 = arith.extui %lt3A_151 : i1 to i32
        %cond3A_153 = arith.constant 0 : i32
        %cond3A_154 = arith.cmpi ne, %convert_element_type3A_152, %cond3A_153 : i32
        scf.if %cond3A_154 {
          %add3A_231 = arith.constant 1 : i32
          %add3A_232 = arith.addi %add3A_131, %add3A_231 : i32
          %dma_wait3A_233 = arith.constant 0 : i32
          %dma_wait3A_234 = tpu.memref_slice %arg7[%arg1, %add3A_232, %dma_wait3A_233] : memref<16x250x80xi32, #tpu.memory_space<hbm>> -> memref<1x1x80xi32, #tpu.memory_space<hbm>>
          %dma_wait3A_235 = tpu.memref_squeeze %dma_wait3A_234 : memref<1x1x80xi32, #tpu.memory_space<hbm>> -> memref<80xi32, #tpu.memory_space<hbm>>
          %dma_wait3A_236 = arith.constant 0 : i32
          %dma_wait3A_237 = tpu.memref_slice %arg7[%arg1, %add3A_232, %dma_wait3A_236] : memref<16x250x80xi32, #tpu.memory_space<hbm>> -> memref<1x1x80xi32, #tpu.memory_space<hbm>>
          %dma_wait3A_238 = tpu.memref_squeeze %dma_wait3A_237 : memref<1x1x80xi32, #tpu.memory_space<hbm>> -> memref<80xi32, #tpu.memory_space<hbm>>
          tpu.wait_dma2 semaphore(%arg34 : memref<!tpu.dma_semaphore, #tpu.memory_space<semaphore_mem>>) src(%dma_wait3A_238 : memref<80xi32, #tpu.memory_space<hbm>>) dst(%arg15 : memref<80xi32, #tpu.memory_space<vmem>>)
          %dma_wait3A_239 = arith.constant 0 : i32
          %dma_wait3A_240 = tpu.memref_slice %arg8[%arg1, %add3A_232, %dma_wait3A_239] : memref<16x250x80xi32, #tpu.memory_space<hbm>> -> memref<1x1x80xi32, #tpu.memory_space<hbm>>
          %dma_wait3A_241 = tpu.memref_squeeze %dma_wait3A_240 : memref<1x1x80xi32, #tpu.memory_space<hbm>> -> memref<80xi32, #tpu.memory_space<hbm>>
          %dma_wait3A_242 = arith.constant 0 : i32
          %dma_wait3A_243 = tpu.memref_slice %arg8[%arg1, %add3A_232, %dma_wait3A_242] : memref<16x250x80xi32, #tpu.memory_space<hbm>> -> memref<1x1x80xi32, #tpu.memory_space<hbm>>
          %dma_wait3A_244 = tpu.memref_squeeze %dma_wait3A_243 : memref<1x1x80xi32, #tpu.memory_space<hbm>> -> memref<80xi32, #tpu.memory_space<hbm>>
          tpu.wait_dma2 semaphore(%arg34 : memref<!tpu.dma_semaphore, #tpu.memory_space<semaphore_mem>>) src(%dma_wait3A_244 : memref<80xi32, #tpu.memory_space<hbm>>) dst(%arg16 : memref<80xi32, #tpu.memory_space<vmem>>)
          %add3A_245 = arith.constant 1 : i32
          %add3A_246 = arith.addi %add3A_131, %add3A_245 : i32
          %mul3A_247 = arith.constant 20000 : i32
          %mul3A_248 = arith.muli %arg1, %mul3A_247 : i32
          %mul3A_249 = arith.constant 80 : i32
          %mul3A_250 = arith.muli %add3A_246, %mul3A_249 : i32
          %add3A_251 = arith.addi %mul3A_248, %mul3A_250 : i32
          %dma_start3A_252 = arith.constant 0 : i32
          %dma_start3A_253 = arith.constant 0 : i32
          %dma_start3A_254 = tpu.memref_slice %arg3[%dma_start3A_252, %dma_start3A_253] : memref<10240x64xf32, #tpu.memory_space<hbm>> -> memref<10240x64xf32, #tpu.memory_space<hbm>>
          tpu.enqueue_indirect_dma source(%dma_start3A_254 : memref<10240x64xf32, #tpu.memory_space<hbm>>) target(%arg23 : memref<80x64xf32, #tpu.memory_space<vmem>>) offsets(%arg15 : memref<80xi32, #tpu.memory_space<vmem>>) semaphore(%arg32 : memref<!tpu.dma_semaphore, #tpu.memory_space<semaphore_mem>>)
          %dma_start3A_255 = arith.constant 0 : i32
          %dma_start3A_256 = arith.constant 0 : i32
          %dma_start3A_257 = tpu.memref_slice %arg5[%dma_start3A_255, %dma_start3A_256] : memref<10240x64xf32, #tpu.memory_space<hbm>> -> memref<10240x64xf32, #tpu.memory_space<hbm>>
          tpu.enqueue_indirect_dma source(%dma_start3A_257 : memref<10240x64xf32, #tpu.memory_space<hbm>>) target(%arg24 : memref<80x64xf32, #tpu.memory_space<vmem>>) offsets(%arg16 : memref<80xi32, #tpu.memory_space<vmem>>) semaphore(%arg32 : memref<!tpu.dma_semaphore, #tpu.memory_space<semaphore_mem>>)
          %dma_start3A_258 = tpu.memref_slice %arg6[%add3A_251, %mul3A_41] : memref<320000x128xf32, #tpu.memory_space<hbm>> -> memref<80x64xf32, #tpu.memory_space<hbm>>
          %dma_start3A_259 = tpu.memref_slice %arg6[%add3A_251, %mul3A_41] : memref<320000x128xf32, #tpu.memory_space<hbm>> -> memref<80x64xf32, #tpu.memory_space<hbm>>
          tpu.enqueue_dma source(%dma_start3A_259 : memref<80x64xf32, #tpu.memory_space<hbm>>) target(%arg25 : memref<80x64xf32, #tpu.memory_space<vmem>>) target_semaphore(%arg32 : memref<!tpu.dma_semaphore, #tpu.memory_space<semaphore_mem>>)
        } else {
        }
        %scan3A_155 = arith.constant 0 : i32
        %scan3A_156 = arith.constant 0 : i32
        %scan3A_157 = arith.constant 80 : i32
        %scan3A_158 = arith.addi %scan3A_156, %scan3A_157 : i32
        %scan3A_159 = arith.constant 1 : i32
        scf.for %scan3A_231 = %scan3A_156 to %scan3A_158 step %scan3A_159  : i32 {
          %get3A = arith.index_cast %scan3A_231 : i32 to index
          %get3A_232 = arith.constant 0 : index
          %get3A_233 = tpu.vector_load %arg19[%get3A, %get3A_232] {strides = array<i32>} : memref<80x64xf32, #tpu.memory_space<vmem>>, vector<1x16xf32>,
          %get3A_234 = vector.shape_cast %get3A_233 : vector<1x16xf32> to vector<16xf32>
          %get3A_235 = arith.index_cast %scan3A_231 : i32 to index
          %get3A_236 = arith.constant 0 : index
          %get3A_237 = tpu.vector_load %arg20[%get3A_235, %get3A_236] {strides = array<i32>} : memref<80x64xf32, #tpu.memory_space<vmem>>, vector<1x16xf32>,
          %get3A_238 = vector.shape_cast %get3A_237 : vector<1x16xf32> to vector<16xf32>
          %add3A_239 = arith.addf %get3A_234, %get3A_238 : vector<16xf32>
          %get3A_240 = arith.index_cast %scan3A_231 : i32 to index
          %get3A_241 = arith.constant 0 : index
          %get3A_242 = tpu.vector_load %arg21[%get3A_240, %get3A_241] {strides = array<i32>} : memref<80x64xf32, #tpu.memory_space<vmem>>, vector<1x16xf32>,
          %get3A_243 = vector.shape_cast %get3A_242 : vector<1x16xf32> to vector<16xf32>
          %add3A_244 = arith.addf %add3A_239, %get3A_243 : vector<16xf32>
          %neg3A = arith.constant 0.000000e+00 : f32
          %neg3A_245 = vector.broadcast %neg3A : f32 to vector<16xf32>
          %neg3A_246 = arith.subf %neg3A_245, %add3A_244 : vector<16xf32>
          %exp3A = math.exp %neg3A_246 : vector<16xf32>
          %add3A_247 = arith.constant 1.000000e+00 : f32
          %add3A_248 = vector.broadcast %add3A_247 : f32 to vector<16xf32>
          %add3A_249 = arith.addf %add3A_248, %exp3A : vector<16xf32>
          %div3A = arith.constant 1.000000e+00 : f32
          %div3A_250 = vector.broadcast %div3A : f32 to vector<16xf32>
          %div3A_251 = arith.divf %div3A_250, %add3A_249 : vector<16xf32>
          %swap3A = arith.index_cast %scan3A_231 : i32 to index
          %swap3A_252 = arith.constant 0 : index
          %swap3A_253 = tpu.vector_load %arg22[%swap3A, %swap3A_252] {strides = array<i32>} : memref<80x64xf32, #tpu.memory_space<vmem>>, vector<1x16xf32>,
          %swap3A_254 = vector.shape_cast %swap3A_253 : vector<1x16xf32> to vector<16xf32>
          %swap3A_255 = vector.shape_cast %div3A_251 : vector<16xf32> to vector<1x16xf32>
          tpu.vector_store %arg22[%swap3A, %swap3A_252], %swap3A_255 {strides = array<i32>} : memref<80x64xf32, #tpu.memory_space<vmem>>, vector<1x16xf32>,
          %get3A_256 = arith.index_cast %scan3A_231 : i32 to index
          %get3A_257 = arith.constant 16 : index
          %get3A_258 = tpu.vector_load %arg19[%get3A_256, %get3A_257] {strides = array<i32>} : memref<80x64xf32, #tpu.memory_space<vmem>>, vector<1x16xf32>,
          %get3A_259 = vector.shape_cast %get3A_258 : vector<1x16xf32> to vector<16xf32>
          %get3A_260 = arith.index_cast %scan3A_231 : i32 to index
          %get3A_261 = arith.constant 16 : index
          %get3A_262 = tpu.vector_load %arg20[%get3A_260, %get3A_261] {strides = array<i32>} : memref<80x64xf32, #tpu.memory_space<vmem>>, vector<1x16xf32>,
          %get3A_263 = vector.shape_cast %get3A_262 : vector<1x16xf32> to vector<16xf32>
          %add3A_264 = arith.addf %get3A_259, %get3A_263 : vector<16xf32>
          %get3A_265 = arith.index_cast %scan3A_231 : i32 to index
          %get3A_266 = arith.constant 16 : index
          %get3A_267 = tpu.vector_load %arg21[%get3A_265, %get3A_266] {strides = array<i32>} : memref<80x64xf32, #tpu.memory_space<vmem>>, vector<1x16xf32>,
          %get3A_268 = vector.shape_cast %get3A_267 : vector<1x16xf32> to vector<16xf32>
          %add3A_269 = arith.addf %add3A_264, %get3A_268 : vector<16xf32>
          %neg3A_270 = arith.constant 0.000000e+00 : f32
          %neg3A_271 = vector.broadcast %neg3A_270 : f32 to vector<16xf32>
          %neg3A_272 = arith.subf %neg3A_271, %add3A_269 : vector<16xf32>
          %exp3A_273 = math.exp %neg3A_272 : vector<16xf32>
          %add3A_274 = arith.constant 1.000000e+00 : f32
          %add3A_275 = vector.broadcast %add3A_274 : f32 to vector<16xf32>
          %add3A_276 = arith.addf %add3A_275, %exp3A_273 : vector<16xf32>
          %div3A_277 = arith.constant 1.000000e+00 : f32
          %div3A_278 = vector.broadcast %div3A_277 : f32 to vector<16xf32>
          %div3A_279 = arith.divf %div3A_278, %add3A_276 : vector<16xf32>
          %swap3A_280 = arith.index_cast %scan3A_231 : i32 to index
          %swap3A_281 = arith.constant 16 : index
          %swap3A_282 = tpu.vector_load %arg22[%swap3A_280, %swap3A_281] {strides = array<i32>} : memref<80x64xf32, #tpu.memory_space<vmem>>, vector<1x16xf32>,
          %swap3A_283 = vector.shape_cast %swap3A_282 : vector<1x16xf32> to vector<16xf32>
          %swap3A_284 = vector.shape_cast %div3A_279 : vector<16xf32> to vector<1x16xf32>
          tpu.vector_store %arg22[%swap3A_280, %swap3A_281], %swap3A_284 {strides = array<i32>} : memref<80x64xf32, #tpu.memory_space<vmem>>, vector<1x16xf32>,
          %get3A_285 = arith.index_cast %scan3A_231 : i32 to index
          %get3A_286 = arith.constant 32 : index
          %get3A_287 = tpu.vector_load %arg19[%get3A_285, %get3A_286] {strides = array<i32>} : memref<80x64xf32, #tpu.memory_space<vmem>>, vector<1x16xf32>,
          %get3A_288 = vector.shape_cast %get3A_287 : vector<1x16xf32> to vector<16xf32>
          %get3A_289 = arith.index_cast %scan3A_231 : i32 to index
          %get3A_290 = arith.constant 32 : index
          %get3A_291 = tpu.vector_load %arg20[%get3A_289, %get3A_290] {strides = array<i32>} : memref<80x64xf32, #tpu.memory_space<vmem>>, vector<1x16xf32>,
          %get3A_292 = vector.shape_cast %get3A_291 : vector<1x16xf32> to vector<16xf32>
          %add3A_293 = arith.addf %get3A_288, %get3A_292 : vector<16xf32>
          %get3A_294 = arith.index_cast %scan3A_231 : i32 to index
          %get3A_295 = arith.constant 32 : index
          %get3A_296 = tpu.vector_load %arg21[%get3A_294, %get3A_295] {strides = array<i32>} : memref<80x64xf32, #tpu.memory_space<vmem>>, vector<1x16xf32>,
          %get3A_297 = vector.shape_cast %get3A_296 : vector<1x16xf32> to vector<16xf32>
          %add3A_298 = arith.addf %add3A_293, %get3A_297 : vector<16xf32>
          %neg3A_299 = arith.constant 0.000000e+00 : f32
          %neg3A_300 = vector.broadcast %neg3A_299 : f32 to vector<16xf32>
          %neg3A_301 = arith.subf %neg3A_300, %add3A_298 : vector<16xf32>
          %exp3A_302 = math.exp %neg3A_301 : vector<16xf32>
          %add3A_303 = arith.constant 1.000000e+00 : f32
          %add3A_304 = vector.broadcast %add3A_303 : f32 to vector<16xf32>
          %add3A_305 = arith.addf %add3A_304, %exp3A_302 : vector<16xf32>
          %div3A_306 = arith.constant 1.000000e+00 : f32
          %div3A_307 = vector.broadcast %div3A_306 : f32 to vector<16xf32>
          %div3A_308 = arith.divf %div3A_307, %add3A_305 : vector<16xf32>
          %swap3A_309 = arith.index_cast %scan3A_231 : i32 to index
          %swap3A_310 = arith.constant 32 : index
          %swap3A_311 = tpu.vector_load %arg22[%swap3A_309, %swap3A_310] {strides = array<i32>} : memref<80x64xf32, #tpu.memory_space<vmem>>, vector<1x16xf32>,
          %swap3A_312 = vector.shape_cast %swap3A_311 : vector<1x16xf32> to vector<16xf32>
          %swap3A_313 = vector.shape_cast %div3A_308 : vector<16xf32> to vector<1x16xf32>
          tpu.vector_store %arg22[%swap3A_309, %swap3A_310], %swap3A_313 {strides = array<i32>} : memref<80x64xf32, #tpu.memory_space<vmem>>, vector<1x16xf32>,
          %get3A_314 = arith.index_cast %scan3A_231 : i32 to index
          %get3A_315 = arith.constant 48 : index
          %get3A_316 = tpu.vector_load %arg19[%get3A_314, %get3A_315] {strides = array<i32>} : memref<80x64xf32, #tpu.memory_space<vmem>>, vector<1x16xf32>,
          %get3A_317 = vector.shape_cast %get3A_316 : vector<1x16xf32> to vector<16xf32>
          %get3A_318 = arith.index_cast %scan3A_231 : i32 to index
          %get3A_319 = arith.constant 48 : index
          %get3A_320 = tpu.vector_load %arg20[%get3A_318, %get3A_319] {strides = array<i32>} : memref<80x64xf32, #tpu.memory_space<vmem>>, vector<1x16xf32>,
          %get3A_321 = vector.shape_cast %get3A_320 : vector<1x16xf32> to vector<16xf32>
          %add3A_322 = arith.addf %get3A_317, %get3A_321 : vector<16xf32>
          %get3A_323 = arith.index_cast %scan3A_231 : i32 to index
          %get3A_324 = arith.constant 48 : index
          %get3A_325 = tpu.vector_load %arg21[%get3A_323, %get3A_324] {strides = array<i32>} : memref<80x64xf32, #tpu.memory_space<vmem>>, vector<1x16xf32>,
          %get3A_326 = vector.shape_cast %get3A_325 : vector<1x16xf32> to vector<16xf32>
          %add3A_327 = arith.addf %add3A_322, %get3A_326 : vector<16xf32>
          %neg3A_328 = arith.constant 0.000000e+00 : f32
          %neg3A_329 = vector.broadcast %neg3A_328 : f32 to vector<16xf32>
          %neg3A_330 = arith.subf %neg3A_329, %add3A_327 : vector<16xf32>
          %exp3A_331 = math.exp %neg3A_330 : vector<16xf32>
          %add3A_332 = arith.constant 1.000000e+00 : f32
          %add3A_333 = vector.broadcast %add3A_332 : f32 to vector<16xf32>
          %add3A_334 = arith.addf %add3A_333, %exp3A_331 : vector<16xf32>
          %div3A_335 = arith.constant 1.000000e+00 : f32
          %div3A_336 = vector.broadcast %div3A_335 : f32 to vector<16xf32>
          %div3A_337 = arith.divf %div3A_336, %add3A_334 : vector<16xf32>
          %swap3A_338 = arith.index_cast %scan3A_231 : i32 to index
          %swap3A_339 = arith.constant 48 : index
          %swap3A_340 = tpu.vector_load %arg22[%swap3A_338, %swap3A_339] {strides = array<i32>} : memref<80x64xf32, #tpu.memory_space<vmem>>, vector<1x16xf32>,
          %swap3A_341 = vector.shape_cast %swap3A_340 : vector<1x16xf32> to vector<16xf32>
          %swap3A_342 = vector.shape_cast %div3A_337 : vector<16xf32> to vector<1x16xf32>
          tpu.vector_store %arg22[%swap3A_338, %swap3A_339], %swap3A_342 {strides = array<i32>} : memref<80x64xf32, #tpu.memory_space<vmem>>, vector<1x16xf32>,
        }
        %scan3A_160 = arith.constant 80 : i32
        %scan3A_161 = arith.constant 0 : i32
        %scan3A_162 = arith.constant 0 : i32
        %scan3A_163 = arith.constant 5 : i32
        %scan3A_164 = arith.addi %scan3A_162, %scan3A_163 : i32
        %scan3A_165 = arith.constant 1 : i32
        scf.for %scan3A_231 = %scan3A_162 to %scan3A_164 step %scan3A_165  : i32 {
          %mul3A_232 = arith.constant 16 : i32
          %mul3A_233 = arith.muli %scan3A_231, %mul3A_232 : i32
          %get3A = arith.index_cast %mul3A_233 : i32 to index
          %get3A_234 = tpu.vector_load %arg13[%get3A] {strides = array<i32>} : memref<80xi32, #tpu.memory_space<vmem>>, vector<16xi32>,
          %get3A_235 = vector.shape_cast %get3A_234 : vector<16xi32> to vector<16xi32>
          %swap3A = arith.index_cast %mul3A_233 : i32 to index
          %swap3A_236 = tpu.vector_load %arg17[%swap3A] {strides = array<i32>} : memref<80xi32, #tpu.memory_space<vmem>>, vector<16xi32>,
          %swap3A_237 = vector.shape_cast %swap3A_236 : vector<16xi32> to vector<16xi32>
          %swap3A_238 = vector.shape_cast %get3A_235 : vector<16xi32> to vector<16xi32>
          tpu.vector_store %arg17[%swap3A], %swap3A_238 {strides = array<i32>} : memref<80xi32, #tpu.memory_space<vmem>>, vector<16xi32>,
        }
        %scan3A_166 = arith.constant 5 : i32
        %dma_start3A_167 = arith.constant 0 : i32
        %dma_start3A_168 = arith.constant 0 : i32
        %dma_start3A_169 = tpu.memref_slice %arg29[%dma_start3A_167, %dma_start3A_168] : memref<10000x64xf32, #tpu.memory_space<vmem_shared>> -> memref<10000x64xf32, #tpu.memory_space<vmem_shared>>
        tpu.enqueue_indirect_dma source(%arg22 : memref<80x64xf32, #tpu.memory_space<vmem>>) target(%dma_start3A_169 : memref<10000x64xf32, #tpu.memory_space<vmem_shared>>) offsets(%arg17 : memref<80xi32, #tpu.memory_space<vmem>>) semaphore(%arg35 : memref<!tpu.dma_semaphore, #tpu.memory_space<semaphore_mem>>) {add = true}
        %add3A_170 = arith.constant 2 : i32
        %add3A_171 = arith.addi %add3A_131, %add3A_170 : i32
        %lt3A_172 = arith.constant 250 : i32
        %lt3A_173 = arith.cmpi slt, %add3A_171, %lt3A_172 : i32
        %convert_element_type3A_174 = arith.extui %lt3A_173 : i1 to i32
        %cond3A_175 = arith.constant 0 : i32
        %cond3A_176 = arith.cmpi ne, %convert_element_type3A_174, %cond3A_175 : i32
        scf.if %cond3A_176 {
          %add3A_231 = arith.constant 2 : i32
          %add3A_232 = arith.addi %add3A_131, %add3A_231 : i32
          %dma_start3A_233 = arith.constant 0 : i32
          %dma_start3A_234 = tpu.memref_slice %arg7[%arg1, %add3A_232, %dma_start3A_233] : memref<16x250x80xi32, #tpu.memory_space<hbm>> -> memref<1x1x80xi32, #tpu.memory_space<hbm>>
          %dma_start3A_235 = tpu.memref_squeeze %dma_start3A_234 : memref<1x1x80xi32, #tpu.memory_space<hbm>> -> memref<80xi32, #tpu.memory_space<hbm>>
          %dma_start3A_236 = arith.constant 0 : i32
          %dma_start3A_237 = tpu.memref_slice %arg7[%arg1, %add3A_232, %dma_start3A_236] : memref<16x250x80xi32, #tpu.memory_space<hbm>> -> memref<1x1x80xi32, #tpu.memory_space<hbm>>
          %dma_start3A_238 = tpu.memref_squeeze %dma_start3A_237 : memref<1x1x80xi32, #tpu.memory_space<hbm>> -> memref<80xi32, #tpu.memory_space<hbm>>
          tpu.enqueue_dma source(%dma_start3A_238 : memref<80xi32, #tpu.memory_space<hbm>>) target(%arg13 : memref<80xi32, #tpu.memory_space<vmem>>) target_semaphore(%arg33 : memref<!tpu.dma_semaphore, #tpu.memory_space<semaphore_mem>>)
          %dma_start3A_239 = arith.constant 0 : i32
          %dma_start3A_240 = tpu.memref_slice %arg8[%arg1, %add3A_232, %dma_start3A_239] : memref<16x250x80xi32, #tpu.memory_space<hbm>> -> memref<1x1x80xi32, #tpu.memory_space<hbm>>
          %dma_start3A_241 = tpu.memref_squeeze %dma_start3A_240 : memref<1x1x80xi32, #tpu.memory_space<hbm>> -> memref<80xi32, #tpu.memory_space<hbm>>
          %dma_start3A_242 = arith.constant 0 : i32
          %dma_start3A_243 = tpu.memref_slice %arg8[%arg1, %add3A_232, %dma_start3A_242] : memref<16x250x80xi32, #tpu.memory_space<hbm>> -> memref<1x1x80xi32, #tpu.memory_space<hbm>>
          %dma_start3A_244 = tpu.memref_squeeze %dma_start3A_243 : memref<1x1x80xi32, #tpu.memory_space<hbm>> -> memref<80xi32, #tpu.memory_space<hbm>>
          tpu.enqueue_dma source(%dma_start3A_244 : memref<80xi32, #tpu.memory_space<hbm>>) target(%arg14 : memref<80xi32, #tpu.memory_space<vmem>>) target_semaphore(%arg33 : memref<!tpu.dma_semaphore, #tpu.memory_space<semaphore_mem>>)
        } else {
        }
        %mul3A_177 = arith.constant 2 : i32
        %mul3A_178 = arith.muli %mul3A_177, %scan3A_127 : i32
        %add3A_179 = arith.constant 1 : i32
        %add3A_180 = arith.addi %mul3A_178, %add3A_179 : i32
        %ge3A_181 = arith.constant 2 : i32
        %ge3A_182 = arith.cmpi sge, %add3A_180, %ge3A_181 : i32
        %convert_element_type3A_183 = arith.extui %ge3A_182 : i1 to i32
        %cond3A_184 = arith.constant 0 : i32
        %cond3A_185 = arith.cmpi ne, %convert_element_type3A_183, %cond3A_184 : i32
        scf.if %cond3A_185 {
          %dma_wait3A_231 = arith.constant 0 : i32
          %dma_wait3A_232 = arith.constant 0 : i32
          %dma_wait3A_233 = tpu.memref_slice %arg29[%dma_wait3A_231, %dma_wait3A_232] : memref<10000x64xf32, #tpu.memory_space<vmem_shared>> -> memref<10000x64xf32, #tpu.memory_space<vmem_shared>>
          tpu.wait_indirect_dma semaphore(%arg36 : memref<!tpu.dma_semaphore, #tpu.memory_space<semaphore_mem>>) src(%arg26 : memref<80x64xf32, #tpu.memory_space<vmem>>) dst(%dma_wait3A_233 : memref<10000x64xf32, #tpu.memory_space<vmem_shared>>)
          %dma_wait3A_234 = arith.constant 0 : i32
          %dma_wait3A_235 = arith.constant 0 : i32
          %dma_wait3A_236 = tpu.memref_slice %arg30[%dma_wait3A_234, %dma_wait3A_235] : memref<10000x16xf32, #tpu.memory_space<vmem_shared>> -> memref<10000x16xf32, #tpu.memory_space<vmem_shared>>
          tpu.wait_indirect_dma semaphore(%arg37 : memref<!tpu.dma_semaphore, #tpu.memory_space<semaphore_mem>>) src(%arg27 : memref<80x16xf32, #tpu.memory_space<vmem>>) dst(%dma_wait3A_236 : memref<10000x16xf32, #tpu.memory_space<vmem_shared>>)
        } else {
        }
        %mul3A_186 = arith.constant 20000 : i32
        %mul3A_187 = arith.muli %arg1, %mul3A_186 : i32
        %mul3A_188 = arith.constant 80 : i32
        %mul3A_189 = arith.muli %add3A_180, %mul3A_188 : i32
        %add3A_190 = arith.addi %mul3A_187, %mul3A_189 : i32
        %dma_wait3A_191 = arith.constant 0 : i32
        %dma_wait3A_192 = arith.constant 0 : i32
        %dma_wait3A_193 = tpu.memref_slice %arg3[%dma_wait3A_191, %dma_wait3A_192] : memref<10240x64xf32, #tpu.memory_space<hbm>> -> memref<10240x64xf32, #tpu.memory_space<hbm>>
        tpu.wait_indirect_dma semaphore(%arg32 : memref<!tpu.dma_semaphore, #tpu.memory_space<semaphore_mem>>) src(%dma_wait3A_193 : memref<10240x64xf32, #tpu.memory_space<hbm>>) dst(%arg23 : memref<80x64xf32, #tpu.memory_space<vmem>>)
        %dma_wait3A_194 = arith.constant 0 : i32
        %dma_wait3A_195 = arith.constant 0 : i32
        %dma_wait3A_196 = tpu.memref_slice %arg5[%dma_wait3A_194, %dma_wait3A_195] : memref<10240x64xf32, #tpu.memory_space<hbm>> -> memref<10240x64xf32, #tpu.memory_space<hbm>>
        tpu.wait_indirect_dma semaphore(%arg32 : memref<!tpu.dma_semaphore, #tpu.memory_space<semaphore_mem>>) src(%dma_wait3A_196 : memref<10240x64xf32, #tpu.memory_space<hbm>>) dst(%arg24 : memref<80x64xf32, #tpu.memory_space<vmem>>)
        %dma_wait3A_197 = tpu.memref_slice %arg6[%add3A_190, %mul3A_41] : memref<320000x128xf32, #tpu.memory_space<hbm>> -> memref<80x64xf32, #tpu.memory_space<hbm>>
        %dma_wait3A_198 = tpu.memref_slice %arg6[%add3A_190, %mul3A_41] : memref<320000x128xf32, #tpu.memory_space<hbm>> -> memref<80x64xf32, #tpu.memory_space<hbm>>
        tpu.wait_dma2 semaphore(%arg32 : memref<!tpu.dma_semaphore, #tpu.memory_space<semaphore_mem>>) src(%dma_wait3A_198 : memref<80x64xf32, #tpu.memory_space<hbm>>) dst(%arg25 : memref<80x64xf32, #tpu.memory_space<vmem>>)
        %add3A_199 = arith.constant 1 : i32
        %add3A_200 = arith.addi %add3A_180, %add3A_199 : i32
        %lt3A_201 = arith.constant 250 : i32
        %lt3A_202 = arith.cmpi slt, %add3A_200, %lt3A_201 : i32
        %convert_element_type3A_203 = arith.extui %lt3A_202 : i1 to i32
        %cond3A_204 = arith.constant 0 : i32
        %cond3A_205 = arith.cmpi ne, %convert_element_type3A_203, %cond3A_204 : i32
        scf.if %cond3A_205 {
          %add3A_231 = arith.constant 1 : i32
          %add3A_232 = arith.addi %add3A_180, %add3A_231 : i32
          %dma_wait3A_233 = arith.constant 0 : i32
          %dma_wait3A_234 = tpu.memref_slice %arg7[%arg1, %add3A_232, %dma_wait3A_233] : memref<16x250x80xi32, #tpu.memory_space<hbm>> -> memref<1x1x80xi32, #tpu.memory_space<hbm>>
          %dma_wait3A_235 = tpu.memref_squeeze %dma_wait3A_234 : memref<1x1x80xi32, #tpu.memory_space<hbm>> -> memref<80xi32, #tpu.memory_space<hbm>>
          %dma_wait3A_236 = arith.constant 0 : i32
          %dma_wait3A_237 = tpu.memref_slice %arg7[%arg1, %add3A_232, %dma_wait3A_236] : memref<16x250x80xi32, #tpu.memory_space<hbm>> -> memref<1x1x80xi32, #tpu.memory_space<hbm>>
          %dma_wait3A_238 = tpu.memref_squeeze %dma_wait3A_237 : memref<1x1x80xi32, #tpu.memory_space<hbm>> -> memref<80xi32, #tpu.memory_space<hbm>>
          tpu.wait_dma2 semaphore(%arg33 : memref<!tpu.dma_semaphore, #tpu.memory_space<semaphore_mem>>) src(%dma_wait3A_238 : memref<80xi32, #tpu.memory_space<hbm>>) dst(%arg13 : memref<80xi32, #tpu.memory_space<vmem>>)
          %dma_wait3A_239 = arith.constant 0 : i32
          %dma_wait3A_240 = tpu.memref_slice %arg8[%arg1, %add3A_232, %dma_wait3A_239] : memref<16x250x80xi32, #tpu.memory_space<hbm>> -> memref<1x1x80xi32, #tpu.memory_space<hbm>>
          %dma_wait3A_241 = tpu.memref_squeeze %dma_wait3A_240 : memref<1x1x80xi32, #tpu.memory_space<hbm>> -> memref<80xi32, #tpu.memory_space<hbm>>
          %dma_wait3A_242 = arith.constant 0 : i32
          %dma_wait3A_243 = tpu.memref_slice %arg8[%arg1, %add3A_232, %dma_wait3A_242] : memref<16x250x80xi32, #tpu.memory_space<hbm>> -> memref<1x1x80xi32, #tpu.memory_space<hbm>>
          %dma_wait3A_244 = tpu.memref_squeeze %dma_wait3A_243 : memref<1x1x80xi32, #tpu.memory_space<hbm>> -> memref<80xi32, #tpu.memory_space<hbm>>
          tpu.wait_dma2 semaphore(%arg33 : memref<!tpu.dma_semaphore, #tpu.memory_space<semaphore_mem>>) src(%dma_wait3A_244 : memref<80xi32, #tpu.memory_space<hbm>>) dst(%arg14 : memref<80xi32, #tpu.memory_space<vmem>>)
          %add3A_245 = arith.constant 1 : i32
          %add3A_246 = arith.addi %add3A_180, %add3A_245 : i32
          %mul3A_247 = arith.constant 20000 : i32
          %mul3A_248 = arith.muli %arg1, %mul3A_247 : i32
          %mul3A_249 = arith.constant 80 : i32
          %mul3A_250 = arith.muli %add3A_246, %mul3A_249 : i32
          %add3A_251 = arith.addi %mul3A_248, %mul3A_250 : i32
          %dma_start3A_252 = arith.constant 0 : i32
          %dma_start3A_253 = arith.constant 0 : i32
          %dma_start3A_254 = tpu.memref_slice %arg3[%dma_start3A_252, %dma_start3A_253] : memref<10240x64xf32, #tpu.memory_space<hbm>> -> memref<10240x64xf32, #tpu.memory_space<hbm>>
          tpu.enqueue_indirect_dma source(%dma_start3A_254 : memref<10240x64xf32, #tpu.memory_space<hbm>>) target(%arg19 : memref<80x64xf32, #tpu.memory_space<vmem>>) offsets(%arg13 : memref<80xi32, #tpu.memory_space<vmem>>) semaphore(%arg31 : memref<!tpu.dma_semaphore, #tpu.memory_space<semaphore_mem>>)
          %dma_start3A_255 = arith.constant 0 : i32
          %dma_start3A_256 = arith.constant 0 : i32
          %dma_start3A_257 = tpu.memref_slice %arg5[%dma_start3A_255, %dma_start3A_256] : memref<10240x64xf32, #tpu.memory_space<hbm>> -> memref<10240x64xf32, #tpu.memory_space<hbm>>
          tpu.enqueue_indirect_dma source(%dma_start3A_257 : memref<10240x64xf32, #tpu.memory_space<hbm>>) target(%arg20 : memref<80x64xf32, #tpu.memory_space<vmem>>) offsets(%arg14 : memref<80xi32, #tpu.memory_space<vmem>>) semaphore(%arg31 : memref<!tpu.dma_semaphore, #tpu.memory_space<semaphore_mem>>)
          %dma_start3A_258 = tpu.memref_slice %arg6[%add3A_251, %mul3A_41] : memref<320000x128xf32, #tpu.memory_space<hbm>> -> memref<80x64xf32, #tpu.memory_space<hbm>>
          %dma_start3A_259 = tpu.memref_slice %arg6[%add3A_251, %mul3A_41] : memref<320000x128xf32, #tpu.memory_space<hbm>> -> memref<80x64xf32, #tpu.memory_space<hbm>>
          tpu.enqueue_dma source(%dma_start3A_259 : memref<80x64xf32, #tpu.memory_space<hbm>>) target(%arg21 : memref<80x64xf32, #tpu.memory_space<vmem>>) target_semaphore(%arg31 : memref<!tpu.dma_semaphore, #tpu.memory_space<semaphore_mem>>)
        } else {
        }
        %scan3A_206 = arith.constant 0 : i32
        %scan3A_207 = arith.constant 0 : i32
        %scan3A_208 = arith.constant 80 : i32
        %scan3A_209 = arith.addi %scan3A_207, %scan3A_208 : i32
        %scan3A_210 = arith.constant 1 : i32
        scf.for %scan3A_231 = %scan3A_207 to %scan3A_209 step %scan3A_210  : i32 {
          %get3A = arith.index_cast %scan3A_231 : i32 to index
          %get3A_232 = arith.constant 0 : index
          %get3A_233 = tpu.vector_load %arg23[%get3A, %get3A_232] {strides = array<i32>} : memref<80x64xf32, #tpu.memory_space<vmem>>, vector<1x16xf32>,
          %get3A_234 = vector.shape_cast %get3A_233 : vector<1x16xf32> to vector<16xf32>
          %get3A_235 = arith.index_cast %scan3A_231 : i32 to index
          %get3A_236 = arith.constant 0 : index
          %get3A_237 = tpu.vector_load %arg24[%get3A_235, %get3A_236] {strides = array<i32>} : memref<80x64xf32, #tpu.memory_space<vmem>>, vector<1x16xf32>,
          %get3A_238 = vector.shape_cast %get3A_237 : vector<1x16xf32> to vector<16xf32>
          %add3A_239 = arith.addf %get3A_234, %get3A_238 : vector<16xf32>
          %get3A_240 = arith.index_cast %scan3A_231 : i32 to index
          %get3A_241 = arith.constant 0 : index
          %get3A_242 = tpu.vector_load %arg25[%get3A_240, %get3A_241] {strides = array<i32>} : memref<80x64xf32, #tpu.memory_space<vmem>>, vector<1x16xf32>,
          %get3A_243 = vector.shape_cast %get3A_242 : vector<1x16xf32> to vector<16xf32>
          %add3A_244 = arith.addf %add3A_239, %get3A_243 : vector<16xf32>
          %neg3A = arith.constant 0.000000e+00 : f32
          %neg3A_245 = vector.broadcast %neg3A : f32 to vector<16xf32>
          %neg3A_246 = arith.subf %neg3A_245, %add3A_244 : vector<16xf32>
          %exp3A = math.exp %neg3A_246 : vector<16xf32>
          %add3A_247 = arith.constant 1.000000e+00 : f32
          %add3A_248 = vector.broadcast %add3A_247 : f32 to vector<16xf32>
          %add3A_249 = arith.addf %add3A_248, %exp3A : vector<16xf32>
          %div3A = arith.constant 1.000000e+00 : f32
          %div3A_250 = vector.broadcast %div3A : f32 to vector<16xf32>
          %div3A_251 = arith.divf %div3A_250, %add3A_249 : vector<16xf32>
          %swap3A = arith.index_cast %scan3A_231 : i32 to index
          %swap3A_252 = arith.constant 0 : index
          %swap3A_253 = tpu.vector_load %arg26[%swap3A, %swap3A_252] {strides = array<i32>} : memref<80x64xf32, #tpu.memory_space<vmem>>, vector<1x16xf32>,
          %swap3A_254 = vector.shape_cast %swap3A_253 : vector<1x16xf32> to vector<16xf32>
          %swap3A_255 = vector.shape_cast %div3A_251 : vector<16xf32> to vector<1x16xf32>
          tpu.vector_store %arg26[%swap3A, %swap3A_252], %swap3A_255 {strides = array<i32>} : memref<80x64xf32, #tpu.memory_space<vmem>>, vector<1x16xf32>,
          %get3A_256 = arith.index_cast %scan3A_231 : i32 to index
          %get3A_257 = arith.constant 16 : index
          %get3A_258 = tpu.vector_load %arg23[%get3A_256, %get3A_257] {strides = array<i32>} : memref<80x64xf32, #tpu.memory_space<vmem>>, vector<1x16xf32>,
          %get3A_259 = vector.shape_cast %get3A_258 : vector<1x16xf32> to vector<16xf32>
          %get3A_260 = arith.index_cast %scan3A_231 : i32 to index
          %get3A_261 = arith.constant 16 : index
          %get3A_262 = tpu.vector_load %arg24[%get3A_260, %get3A_261] {strides = array<i32>} : memref<80x64xf32, #tpu.memory_space<vmem>>, vector<1x16xf32>,
          %get3A_263 = vector.shape_cast %get3A_262 : vector<1x16xf32> to vector<16xf32>
          %add3A_264 = arith.addf %get3A_259, %get3A_263 : vector<16xf32>
          %get3A_265 = arith.index_cast %scan3A_231 : i32 to index
          %get3A_266 = arith.constant 16 : index
          %get3A_267 = tpu.vector_load %arg25[%get3A_265, %get3A_266] {strides = array<i32>} : memref<80x64xf32, #tpu.memory_space<vmem>>, vector<1x16xf32>,
          %get3A_268 = vector.shape_cast %get3A_267 : vector<1x16xf32> to vector<16xf32>
          %add3A_269 = arith.addf %add3A_264, %get3A_268 : vector<16xf32>
          %neg3A_270 = arith.constant 0.000000e+00 : f32
          %neg3A_271 = vector.broadcast %neg3A_270 : f32 to vector<16xf32>
          %neg3A_272 = arith.subf %neg3A_271, %add3A_269 : vector<16xf32>
          %exp3A_273 = math.exp %neg3A_272 : vector<16xf32>
          %add3A_274 = arith.constant 1.000000e+00 : f32
          %add3A_275 = vector.broadcast %add3A_274 : f32 to vector<16xf32>
          %add3A_276 = arith.addf %add3A_275, %exp3A_273 : vector<16xf32>
          %div3A_277 = arith.constant 1.000000e+00 : f32
          %div3A_278 = vector.broadcast %div3A_277 : f32 to vector<16xf32>
          %div3A_279 = arith.divf %div3A_278, %add3A_276 : vector<16xf32>
          %swap3A_280 = arith.index_cast %scan3A_231 : i32 to index
          %swap3A_281 = arith.constant 16 : index
          %swap3A_282 = tpu.vector_load %arg26[%swap3A_280, %swap3A_281] {strides = array<i32>} : memref<80x64xf32, #tpu.memory_space<vmem>>, vector<1x16xf32>,
          %swap3A_283 = vector.shape_cast %swap3A_282 : vector<1x16xf32> to vector<16xf32>
          %swap3A_284 = vector.shape_cast %div3A_279 : vector<16xf32> to vector<1x16xf32>
          tpu.vector_store %arg26[%swap3A_280, %swap3A_281], %swap3A_284 {strides = array<i32>} : memref<80x64xf32, #tpu.memory_space<vmem>>, vector<1x16xf32>,
          %get3A_285 = arith.index_cast %scan3A_231 : i32 to index
          %get3A_286 = arith.constant 32 : index
          %get3A_287 = tpu.vector_load %arg23[%get3A_285, %get3A_286] {strides = array<i32>} : memref<80x64xf32, #tpu.memory_space<vmem>>, vector<1x16xf32>,
          %get3A_288 = vector.shape_cast %get3A_287 : vector<1x16xf32> to vector<16xf32>
          %get3A_289 = arith.index_cast %scan3A_231 : i32 to index
          %get3A_290 = arith.constant 32 : index
          %get3A_291 = tpu.vector_load %arg24[%get3A_289, %get3A_290] {strides = array<i32>} : memref<80x64xf32, #tpu.memory_space<vmem>>, vector<1x16xf32>,
          %get3A_292 = vector.shape_cast %get3A_291 : vector<1x16xf32> to vector<16xf32>
          %add3A_293 = arith.addf %get3A_288, %get3A_292 : vector<16xf32>
          %get3A_294 = arith.index_cast %scan3A_231 : i32 to index
          %get3A_295 = arith.constant 32 : index
          %get3A_296 = tpu.vector_load %arg25[%get3A_294, %get3A_295] {strides = array<i32>} : memref<80x64xf32, #tpu.memory_space<vmem>>, vector<1x16xf32>,
          %get3A_297 = vector.shape_cast %get3A_296 : vector<1x16xf32> to vector<16xf32>
          %add3A_298 = arith.addf %add3A_293, %get3A_297 : vector<16xf32>
          %neg3A_299 = arith.constant 0.000000e+00 : f32
          %neg3A_300 = vector.broadcast %neg3A_299 : f32 to vector<16xf32>
          %neg3A_301 = arith.subf %neg3A_300, %add3A_298 : vector<16xf32>
          %exp3A_302 = math.exp %neg3A_301 : vector<16xf32>
          %add3A_303 = arith.constant 1.000000e+00 : f32
          %add3A_304 = vector.broadcast %add3A_303 : f32 to vector<16xf32>
          %add3A_305 = arith.addf %add3A_304, %exp3A_302 : vector<16xf32>
          %div3A_306 = arith.constant 1.000000e+00 : f32
          %div3A_307 = vector.broadcast %div3A_306 : f32 to vector<16xf32>
          %div3A_308 = arith.divf %div3A_307, %add3A_305 : vector<16xf32>
          %swap3A_309 = arith.index_cast %scan3A_231 : i32 to index
          %swap3A_310 = arith.constant 32 : index
          %swap3A_311 = tpu.vector_load %arg26[%swap3A_309, %swap3A_310] {strides = array<i32>} : memref<80x64xf32, #tpu.memory_space<vmem>>, vector<1x16xf32>,
          %swap3A_312 = vector.shape_cast %swap3A_311 : vector<1x16xf32> to vector<16xf32>
          %swap3A_313 = vector.shape_cast %div3A_308 : vector<16xf32> to vector<1x16xf32>
          tpu.vector_store %arg26[%swap3A_309, %swap3A_310], %swap3A_313 {strides = array<i32>} : memref<80x64xf32, #tpu.memory_space<vmem>>, vector<1x16xf32>,
          %get3A_314 = arith.index_cast %scan3A_231 : i32 to index
          %get3A_315 = arith.constant 48 : index
          %get3A_316 = tpu.vector_load %arg23[%get3A_314, %get3A_315] {strides = array<i32>} : memref<80x64xf32, #tpu.memory_space<vmem>>, vector<1x16xf32>,
          %get3A_317 = vector.shape_cast %get3A_316 : vector<1x16xf32> to vector<16xf32>
          %get3A_318 = arith.index_cast %scan3A_231 : i32 to index
          %get3A_319 = arith.constant 48 : index
          %get3A_320 = tpu.vector_load %arg24[%get3A_318, %get3A_319] {strides = array<i32>} : memref<80x64xf32, #tpu.memory_space<vmem>>, vector<1x16xf32>,
          %get3A_321 = vector.shape_cast %get3A_320 : vector<1x16xf32> to vector<16xf32>
          %add3A_322 = arith.addf %get3A_317, %get3A_321 : vector<16xf32>
          %get3A_323 = arith.index_cast %scan3A_231 : i32 to index
          %get3A_324 = arith.constant 48 : index
          %get3A_325 = tpu.vector_load %arg25[%get3A_323, %get3A_324] {strides = array<i32>} : memref<80x64xf32, #tpu.memory_space<vmem>>, vector<1x16xf32>,
          %get3A_326 = vector.shape_cast %get3A_325 : vector<1x16xf32> to vector<16xf32>
          %add3A_327 = arith.addf %add3A_322, %get3A_326 : vector<16xf32>
          %neg3A_328 = arith.constant 0.000000e+00 : f32
          %neg3A_329 = vector.broadcast %neg3A_328 : f32 to vector<16xf32>
          %neg3A_330 = arith.subf %neg3A_329, %add3A_327 : vector<16xf32>
          %exp3A_331 = math.exp %neg3A_330 : vector<16xf32>
          %add3A_332 = arith.constant 1.000000e+00 : f32
          %add3A_333 = vector.broadcast %add3A_332 : f32 to vector<16xf32>
          %add3A_334 = arith.addf %add3A_333, %exp3A_331 : vector<16xf32>
          %div3A_335 = arith.constant 1.000000e+00 : f32
          %div3A_336 = vector.broadcast %div3A_335 : f32 to vector<16xf32>
          %div3A_337 = arith.divf %div3A_336, %add3A_334 : vector<16xf32>
          %swap3A_338 = arith.index_cast %scan3A_231 : i32 to index
          %swap3A_339 = arith.constant 48 : index
          %swap3A_340 = tpu.vector_load %arg26[%swap3A_338, %swap3A_339] {strides = array<i32>} : memref<80x64xf32, #tpu.memory_space<vmem>>, vector<1x16xf32>,
          %swap3A_341 = vector.shape_cast %swap3A_340 : vector<1x16xf32> to vector<16xf32>
          %swap3A_342 = vector.shape_cast %div3A_337 : vector<16xf32> to vector<1x16xf32>
          tpu.vector_store %arg26[%swap3A_338, %swap3A_339], %swap3A_342 {strides = array<i32>} : memref<80x64xf32, #tpu.memory_space<vmem>>, vector<1x16xf32>,
        }
        %scan3A_211 = arith.constant 80 : i32
        %scan3A_212 = arith.constant 0 : i32
        %scan3A_213 = arith.constant 0 : i32
        %scan3A_214 = arith.constant 5 : i32
        %scan3A_215 = arith.addi %scan3A_213, %scan3A_214 : i32
        %scan3A_216 = arith.constant 1 : i32
        scf.for %scan3A_231 = %scan3A_213 to %scan3A_215 step %scan3A_216  : i32 {
          %mul3A_232 = arith.constant 16 : i32
          %mul3A_233 = arith.muli %scan3A_231, %mul3A_232 : i32
          %get3A = arith.index_cast %mul3A_233 : i32 to index
          %get3A_234 = tpu.vector_load %arg15[%get3A] {strides = array<i32>} : memref<80xi32, #tpu.memory_space<vmem>>, vector<16xi32>,
          %get3A_235 = vector.shape_cast %get3A_234 : vector<16xi32> to vector<16xi32>
          %swap3A = arith.index_cast %mul3A_233 : i32 to index
          %swap3A_236 = tpu.vector_load %arg18[%swap3A] {strides = array<i32>} : memref<80xi32, #tpu.memory_space<vmem>>, vector<16xi32>,
          %swap3A_237 = vector.shape_cast %swap3A_236 : vector<16xi32> to vector<16xi32>
          %swap3A_238 = vector.shape_cast %get3A_235 : vector<16xi32> to vector<16xi32>
          tpu.vector_store %arg18[%swap3A], %swap3A_238 {strides = array<i32>} : memref<80xi32, #tpu.memory_space<vmem>>, vector<16xi32>,
        }
        %scan3A_217 = arith.constant 5 : i32
        %dma_start3A_218 = arith.constant 0 : i32
        %dma_start3A_219 = arith.constant 0 : i32
        %dma_start3A_220 = tpu.memref_slice %arg29[%dma_start3A_218, %dma_start3A_219] : memref<10000x64xf32, #tpu.memory_space<vmem_shared>> -> memref<10000x64xf32, #tpu.memory_space<vmem_shared>>
        tpu.enqueue_indirect_dma source(%arg26 : memref<80x64xf32, #tpu.memory_space<vmem>>) target(%dma_start3A_220 : memref<10000x64xf32, #tpu.memory_space<vmem_shared>>) offsets(%arg18 : memref<80xi32, #tpu.memory_space<vmem>>) semaphore(%arg36 : memref<!tpu.dma_semaphore, #tpu.memory_space<semaphore_mem>>) {add = true}
        %dma_start3A_221 = arith.constant 0 : i32
        %dma_start3A_222 = arith.constant 0 : i32
        %dma_start3A_223 = tpu.memref_slice %arg30[%dma_start3A_221, %dma_start3A_222] : memref<10000x16xf32, #tpu.memory_space<vmem_shared>> -> memref<10000x16xf32, #tpu.memory_space<vmem_shared>>
        tpu.enqueue_indirect_dma source(%arg27 : memref<80x16xf32, #tpu.memory_space<vmem>>) target(%dma_start3A_223 : memref<10000x16xf32, #tpu.memory_space<vmem_shared>>) offsets(%arg18 : memref<80xi32, #tpu.memory_space<vmem>>) semaphore(%arg37 : memref<!tpu.dma_semaphore, #tpu.memory_space<semaphore_mem>>) {add = true}
        %add3A_224 = arith.constant 2 : i32
        %add3A_225 = arith.addi %add3A_180, %add3A_224 : i32
        %lt3A_226 = arith.constant 250 : i32
        %lt3A_227 = arith.cmpi slt, %add3A_225, %lt3A_226 : i32
        %convert_element_type3A_228 = arith.extui %lt3A_227 : i1 to i32
        %cond3A_229 = arith.constant 0 : i32
        %cond3A_230 = arith.cmpi ne, %convert_element_type3A_228, %cond3A_229 : i32
        scf.if %cond3A_230 {
          %add3A_231 = arith.constant 2 : i32
          %add3A_232 = arith.addi %add3A_180, %add3A_231 : i32
          %dma_start3A_233 = arith.constant 0 : i32
          %dma_start3A_234 = tpu.memref_slice %arg7[%arg1, %add3A_232, %dma_start3A_233] : memref<16x250x80xi32, #tpu.memory_space<hbm>> -> memref<1x1x80xi32, #tpu.memory_space<hbm>>
          %dma_start3A_235 = tpu.memref_squeeze %dma_start3A_234 : memref<1x1x80xi32, #tpu.memory_space<hbm>> -> memref<80xi32, #tpu.memory_space<hbm>>
          %dma_start3A_236 = arith.constant 0 : i32
          %dma_start3A_237 = tpu.memref_slice %arg7[%arg1, %add3A_232, %dma_start3A_236] : memref<16x250x80xi32, #tpu.memory_space<hbm>> -> memref<1x1x80xi32, #tpu.memory_space<hbm>>
          %dma_start3A_238 = tpu.memref_squeeze %dma_start3A_237 : memref<1x1x80xi32, #tpu.memory_space<hbm>> -> memref<80xi32, #tpu.memory_space<hbm>>
          tpu.enqueue_dma source(%dma_start3A_238 : memref<80xi32, #tpu.memory_space<hbm>>) target(%arg15 : memref<80xi32, #tpu.memory_space<vmem>>) target_semaphore(%arg34 : memref<!tpu.dma_semaphore, #tpu.memory_space<semaphore_mem>>)
          %dma_start3A_239 = arith.constant 0 : i32
          %dma_start3A_240 = tpu.memref_slice %arg8[%arg1, %add3A_232, %dma_start3A_239] : memref<16x250x80xi32, #tpu.memory_space<hbm>> -> memref<1x1x80xi32, #tpu.memory_space<hbm>>
          %dma_start3A_241 = tpu.memref_squeeze %dma_start3A_240 : memref<1x1x80xi32, #tpu.memory_space<hbm>> -> memref<80xi32, #tpu.memory_space<hbm>>
          %dma_start3A_242 = arith.constant 0 : i32
          %dma_start3A_243 = tpu.memref_slice %arg8[%arg1, %add3A_232, %dma_start3A_242] : memref<16x250x80xi32, #tpu.memory_space<hbm>> -> memref<1x1x80xi32, #tpu.memory_space<hbm>>
          %dma_start3A_244 = tpu.memref_squeeze %dma_start3A_243 : memref<1x1x80xi32, #tpu.memory_space<hbm>> -> memref<80xi32, #tpu.memory_space<hbm>>
          tpu.enqueue_dma source(%dma_start3A_244 : memref<80xi32, #tpu.memory_space<hbm>>) target(%arg16 : memref<80xi32, #tpu.memory_space<vmem>>) target_semaphore(%arg34 : memref<!tpu.dma_semaphore, #tpu.memory_space<semaphore_mem>>)
        } else {
        }
      }
      %scan3A_117 = arith.constant 125 : i32
      %dma_wait3A_118 = arith.constant 0 : i32
      %dma_wait3A_119 = arith.constant 0 : i32
      %dma_wait3A_120 = tpu.memref_slice %arg29[%dma_wait3A_118, %dma_wait3A_119] : memref<10000x64xf32, #tpu.memory_space<vmem_shared>> -> memref<10000x64xf32, #tpu.memory_space<vmem_shared>>
      tpu.wait_indirect_dma semaphore(%arg35 : memref<!tpu.dma_semaphore, #tpu.memory_space<semaphore_mem>>) src(%arg22 : memref<80x64xf32, #tpu.memory_space<vmem>>) dst(%dma_wait3A_120 : memref<10000x64xf32, #tpu.memory_space<vmem_shared>>)
      %dma_wait3A_121 = arith.constant 0 : i32
      %dma_wait3A_122 = arith.constant 0 : i32
      %dma_wait3A_123 = tpu.memref_slice %arg29[%dma_wait3A_121, %dma_wait3A_122] : memref<10000x64xf32, #tpu.memory_space<vmem_shared>> -> memref<10000x64xf32, #tpu.memory_space<vmem_shared>>
      tpu.wait_indirect_dma semaphore(%arg36 : memref<!tpu.dma_semaphore, #tpu.memory_space<semaphore_mem>>) src(%arg26 : memref<80x64xf32, #tpu.memory_space<vmem>>) dst(%dma_wait3A_123 : memref<10000x64xf32, #tpu.memory_space<vmem_shared>>)
      %dma_wait3A_124 = arith.constant 0 : i32
      %dma_wait3A_125 = arith.constant 0 : i32
      %dma_wait3A_126 = tpu.memref_slice %arg30[%dma_wait3A_124, %dma_wait3A_125] : memref<10000x16xf32, #tpu.memory_space<vmem_shared>> -> memref<10000x16xf32, #tpu.memory_space<vmem_shared>>
      tpu.wait_indirect_dma semaphore(%arg37 : memref<!tpu.dma_semaphore, #tpu.memory_space<semaphore_mem>>) src(%arg27 : memref<80x16xf32, #tpu.memory_space<vmem>>) dst(%dma_wait3A_126 : memref<10000x16xf32, #tpu.memory_space<vmem_shared>>)
    } else {
    }
    %barrier3A_49 = arith.constant 0 : index
    tpu.barrier barrier_id(%barrier3A_49)
    %eq3A_50 = arith.constant 0 : i32
    %eq3A_51 = arith.cmpi eq, %arg0, %eq3A_50 : i32
    %convert_element_type3A_52 = arith.extui %eq3A_51 : i1 to i32
    %cond3A_53 = arith.constant 0 : i32
    %cond3A_54 = arith.cmpi ne, %convert_element_type3A_52, %cond3A_53 : i32
    scf.if %cond3A_54 {
      "tpu.region"() ({
        %run_scoped3A = tpu.sem_alloc : memref<!tpu.dma_semaphore, #tpu.memory_space<semaphore_mem>>
        %dma_start3A = arith.constant 0 : i32
        %dma_start3A_60 = tpu.memref_slice %arg9[%mul3A_0, %dma_start3A] : memref<10240x64xf32, #tpu.memory_space<hbm>> -> memref<625x64xf32, #tpu.memory_space<hbm>>
        %dma_start3A_61 = arith.constant 0 : i32
        %dma_start3A_62 = tpu.memref_slice %arg29[%mul3A_0, %dma_start3A_61] : memref<10000x64xf32, #tpu.memory_space<vmem_shared>> -> memref<625x64xf32, #tpu.memory_space<vmem_shared>>
        tpu.enqueue_dma source(%dma_start3A_62 : memref<625x64xf32, #tpu.memory_space<vmem_shared>>) target(%dma_start3A_60 : memref<625x64xf32, #tpu.memory_space<hbm>>) target_semaphore(%run_scoped3A : memref<!tpu.dma_semaphore, #tpu.memory_space<semaphore_mem>>)
        %dma_wait3A = arith.constant 0 : i32
        %dma_wait3A_63 = tpu.memref_slice %arg9[%mul3A_0, %dma_wait3A] : memref<10240x64xf32, #tpu.memory_space<hbm>> -> memref<625x64xf32, #tpu.memory_space<hbm>>
        %dma_wait3A_64 = arith.constant 0 : i32
        %dma_wait3A_65 = tpu.memref_slice %arg29[%mul3A_0, %dma_wait3A_64] : memref<10000x64xf32, #tpu.memory_space<vmem_shared>> -> memref<625x64xf32, #tpu.memory_space<vmem_shared>>
        tpu.wait_dma2 semaphore(%run_scoped3A : memref<!tpu.dma_semaphore, #tpu.memory_space<semaphore_mem>>) src(%dma_wait3A_65 : memref<625x64xf32, #tpu.memory_space<vmem_shared>>) dst(%dma_wait3A_63 : memref<625x64xf32, #tpu.memory_space<hbm>>)
        tpu.yield
      }) : () -> ()
      "tpu.region"() ({
        %run_scoped3A = tpu.sem_alloc : memref<!tpu.dma_semaphore, #tpu.memory_space<semaphore_mem>>
        %dma_start3A = arith.constant 0 : i32
        %dma_start3A_60 = tpu.memref_slice %arg11[%mul3A_0, %dma_start3A] : memref<10240x16xf32, #tpu.memory_space<hbm>> -> memref<625x16xf32, #tpu.memory_space<hbm>>
        %dma_start3A_61 = arith.constant 0 : i32
        %dma_start3A_62 = tpu.memref_slice %arg30[%mul3A_0, %dma_start3A_61] : memref<10000x16xf32, #tpu.memory_space<vmem_shared>> -> memref<625x16xf32, #tpu.memory_space<vmem_shared>>
        tpu.enqueue_dma source(%dma_start3A_62 : memref<625x16xf32, #tpu.memory_space<vmem_shared>>) target(%dma_start3A_60 : memref<625x16xf32, #tpu.memory_space<hbm>>) target_semaphore(%run_scoped3A : memref<!tpu.dma_semaphore, #tpu.memory_space<semaphore_mem>>)
        %dma_wait3A = arith.constant 0 : i32
        %dma_wait3A_63 = tpu.memref_slice %arg11[%mul3A_0, %dma_wait3A] : memref<10240x16xf32, #tpu.memory_space<hbm>> -> memref<625x16xf32, #tpu.memory_space<hbm>>
        %dma_wait3A_64 = arith.constant 0 : i32
        %dma_wait3A_65 = tpu.memref_slice %arg30[%mul3A_0, %dma_wait3A_64] : memref<10000x16xf32, #tpu.memory_space<vmem_shared>> -> memref<625x16xf32, #tpu.memory_space<vmem_shared>>
        tpu.wait_dma2 semaphore(%run_scoped3A : memref<!tpu.dma_semaphore, #tpu.memory_space<semaphore_mem>>) src(%dma_wait3A_65 : memref<625x16xf32, #tpu.memory_space<vmem_shared>>) dst(%dma_wait3A_63 : memref<625x16xf32, #tpu.memory_space<hbm>>)
        tpu.yield
      }) : () -> ()
    } else {
    }
    %eq3A_55 = arith.constant 1 : i32
    %eq3A_56 = arith.cmpi eq, %arg0, %eq3A_55 : i32
    %convert_element_type3A_57 = arith.extui %eq3A_56 : i1 to i32
    %cond3A_58 = arith.constant 0 : i32
    %cond3A_59 = arith.cmpi ne, %convert_element_type3A_57, %cond3A_58 : i32
    scf.if %cond3A_59 {
      "tpu.region"() ({
        %run_scoped3A = tpu.sem_alloc : memref<!tpu.dma_semaphore, #tpu.memory_space<semaphore_mem>>
        %dma_start3A = arith.constant 0 : i32
        %dma_start3A_60 = tpu.memref_slice %arg10[%mul3A_0, %dma_start3A] : memref<10240x64xf32, #tpu.memory_space<hbm>> -> memref<625x64xf32, #tpu.memory_space<hbm>>
        %dma_start3A_61 = arith.constant 0 : i32
        %dma_start3A_62 = tpu.memref_slice %arg29[%mul3A_0, %dma_start3A_61] : memref<10000x64xf32, #tpu.memory_space<vmem_shared>> -> memref<625x64xf32, #tpu.memory_space<vmem_shared>>
        tpu.enqueue_dma source(%dma_start3A_62 : memref<625x64xf32, #tpu.memory_space<vmem_shared>>) target(%dma_start3A_60 : memref<625x64xf32, #tpu.memory_space<hbm>>) target_semaphore(%run_scoped3A : memref<!tpu.dma_semaphore, #tpu.memory_space<semaphore_mem>>)
        %dma_wait3A = arith.constant 0 : i32
        %dma_wait3A_63 = tpu.memref_slice %arg10[%mul3A_0, %dma_wait3A] : memref<10240x64xf32, #tpu.memory_space<hbm>> -> memref<625x64xf32, #tpu.memory_space<hbm>>
        %dma_wait3A_64 = arith.constant 0 : i32
        %dma_wait3A_65 = tpu.memref_slice %arg29[%mul3A_0, %dma_wait3A_64] : memref<10000x64xf32, #tpu.memory_space<vmem_shared>> -> memref<625x64xf32, #tpu.memory_space<vmem_shared>>
        tpu.wait_dma2 semaphore(%run_scoped3A : memref<!tpu.dma_semaphore, #tpu.memory_space<semaphore_mem>>) src(%dma_wait3A_65 : memref<625x64xf32, #tpu.memory_space<vmem_shared>>) dst(%dma_wait3A_63 : memref<625x64xf32, #tpu.memory_space<hbm>>)
        tpu.yield
      }) : () -> ()
      "tpu.region"() ({
        %run_scoped3A = tpu.sem_alloc : memref<!tpu.dma_semaphore, #tpu.memory_space<semaphore_mem>>
        %dma_start3A = arith.constant 0 : i32
        %dma_start3A_60 = tpu.memref_slice %arg12[%mul3A_0, %dma_start3A] : memref<10240x16xf32, #tpu.memory_space<hbm>> -> memref<625x16xf32, #tpu.memory_space<hbm>>
        %dma_start3A_61 = arith.constant 0 : i32
        %dma_start3A_62 = tpu.memref_slice %arg30[%mul3A_0, %dma_start3A_61] : memref<10000x16xf32, #tpu.memory_space<vmem_shared>> -> memref<625x16xf32, #tpu.memory_space<vmem_shared>>
        tpu.enqueue_dma source(%dma_start3A_62 : memref<625x16xf32, #tpu.memory_space<vmem_shared>>) target(%dma_start3A_60 : memref<625x16xf32, #tpu.memory_space<hbm>>) target_semaphore(%run_scoped3A : memref<!tpu.dma_semaphore, #tpu.memory_space<semaphore_mem>>)
        %dma_wait3A = arith.constant 0 : i32
        %dma_wait3A_63 = tpu.memref_slice %arg12[%mul3A_0, %dma_wait3A] : memref<10240x16xf32, #tpu.memory_space<hbm>> -> memref<625x16xf32, #tpu.memory_space<hbm>>
        %dma_wait3A_64 = arith.constant 0 : i32
        %dma_wait3A_65 = tpu.memref_slice %arg30[%mul3A_0, %dma_wait3A_64] : memref<10000x16xf32, #tpu.memory_space<vmem_shared>> -> memref<625x16xf32, #tpu.memory_space<vmem_shared>>
        tpu.wait_dma2 semaphore(%run_scoped3A : memref<!tpu.dma_semaphore, #tpu.memory_space<semaphore_mem>>) src(%dma_wait3A_65 : memref<625x16xf32, #tpu.memory_space<vmem_shared>>) dst(%dma_wait3A_63 : memref<625x16xf32, #tpu.memory_space<hbm>>)
        tpu.yield
      }) : () -> ()
    } else {
    }
    return
  }
}

module attributes {stable_mosaic.version = 14 : i64} {
  func.func @_pq_body(%arg0: i32, %arg1: memref<1024x128xf32, #tpu.memory_space<vmem>>, %arg2: memref<272x128xf32, #tpu.memory_space<vmem>>, %arg3: memref<1024x64xf32, #tpu.memory_space<vmem>>, %arg4: memref<1024x64xf32, #tpu.memory_space<vmem>>, %arg5: memref<1024x64xf32, #tpu.memory_space<vmem>>, %arg6: memref<1024x64xf32, #tpu.memory_space<vmem>>) attributes {dimension_semantics = [#tpu.dimension_semantics<arbitrary>], iteration_bounds = array<i64: 10>, scalar_prefetch = 0 : i64, scratch_operands = 0 : i64, tpu.core_type = #tpu.core_type<tc>, window_params = [{transform_indices = @transform_0, window_bounds = array<i64: 1024, 128>}, {pipeline_mode = #tpu.pipeline_mode<synchronous>, transform_indices = @transform_1, window_bounds = array<i64: 272, 128>}, {transform_indices = @transform_2, window_bounds = array<i64: 1024, 64>}, {transform_indices = @transform_3, window_bounds = array<i64: 1024, 64>}, {transform_indices = @transform_4, window_bounds = array<i64: 1024, 64>}, {transform_indices = @transform_5, window_bounds = array<i64: 1024, 64>}]} {
    %get3A = arith.constant 0 : index
    %get3A_0 = arith.constant 0 : index
    %get3A_1 = vector.load %arg1[%get3A, %get3A_0] : memref<1024x128xf32, #tpu.memory_space<vmem>>, vector<1024x128xf32>
    %get3A_2 = arith.constant 0 : index
    %get3A_3 = arith.constant 0 : index
    %get3A_4 = vector.load %arg2[%get3A_2, %get3A_3] : memref<272x128xf32, #tpu.memory_space<vmem>>, vector<128x128xf32>
    %dot_general3A = arith.constant dense<0.000000e+00> : vector<1024x128xf32>
    %dot_general3A_5 = tpu.matmul %get3A_1, %get3A_4, %dot_general3A {dimension_numbers = #tpu.dot_dimension_numbers<[1], [0], [0], [1], [0, 0, 1, 1], [], []>, transpose_lhs_hint = false} : vector<1024x128xf32>, vector<128x128xf32>, vector<1024x128xf32> -> vector<1024x128xf32>
    %get3A_6 = arith.constant 128 : index
    %get3A_7 = arith.constant 0 : index
    %get3A_8 = vector.load %arg2[%get3A_6, %get3A_7] : memref<272x128xf32, #tpu.memory_space<vmem>>, vector<128x128xf32>
    %dot_general3A_9 = arith.constant dense<0.000000e+00> : vector<1024x128xf32>
    %dot_general3A_10 = tpu.matmul %get3A_1, %get3A_8, %dot_general3A_9 {dimension_numbers = #tpu.dot_dimension_numbers<[1], [0], [0], [1], [0, 0, 1, 1], [], []>, transpose_lhs_hint = false} : vector<1024x128xf32>, vector<128x128xf32>, vector<1024x128xf32> -> vector<1024x128xf32>
    %slice3A = vector.extract_strided_slice %dot_general3A_5 {offsets = [0, 0], sizes = [1024, 64], strides = [1, 1]} : vector<1024x128xf32> to vector<1024x64xf32>
    %swap3A = arith.constant 0 : index
    %swap3A_11 = arith.constant 0 : index
    %swap3A_12 = vector.load %arg3[%swap3A, %swap3A_11] : memref<1024x64xf32, #tpu.memory_space<vmem>>, vector<1024x64xf32>
    tpu.vector_store %arg3[%swap3A, %swap3A_11], %slice3A {strides = array<i32>} : memref<1024x64xf32, #tpu.memory_space<vmem>>, vector<1024x64xf32>,
    %slice3A_13 = vector.extract_strided_slice %dot_general3A_5 {offsets = [0, 64], sizes = [1024, 64], strides = [1, 1]} : vector<1024x128xf32> to vector<1024x64xf32>
    %swap3A_14 = arith.constant 0 : index
    %swap3A_15 = arith.constant 0 : index
    %swap3A_16 = vector.load %arg4[%swap3A_14, %swap3A_15] : memref<1024x64xf32, #tpu.memory_space<vmem>>, vector<1024x64xf32>
    tpu.vector_store %arg4[%swap3A_14, %swap3A_15], %slice3A_13 {strides = array<i32>} : memref<1024x64xf32, #tpu.memory_space<vmem>>, vector<1024x64xf32>,
    %slice3A_17 = vector.extract_strided_slice %dot_general3A_10 {offsets = [0, 0], sizes = [1024, 64], strides = [1, 1]} : vector<1024x128xf32> to vector<1024x64xf32>
    %swap3A_18 = arith.constant 0 : index
    %swap3A_19 = arith.constant 0 : index
    %swap3A_20 = vector.load %arg5[%swap3A_18, %swap3A_19] : memref<1024x64xf32, #tpu.memory_space<vmem>>, vector<1024x64xf32>
    tpu.vector_store %arg5[%swap3A_18, %swap3A_19], %slice3A_17 {strides = array<i32>} : memref<1024x64xf32, #tpu.memory_space<vmem>>, vector<1024x64xf32>,
    %slice3A_21 = vector.extract_strided_slice %dot_general3A_10 {offsets = [0, 64], sizes = [1024, 64], strides = [1, 1]} : vector<1024x128xf32> to vector<1024x64xf32>
    %swap3A_22 = arith.constant 0 : index
    %swap3A_23 = arith.constant 0 : index
    %swap3A_24 = vector.load %arg6[%swap3A_22, %swap3A_23] : memref<1024x64xf32, #tpu.memory_space<vmem>>, vector<1024x64xf32>
    tpu.vector_store %arg6[%swap3A_22, %swap3A_23], %slice3A_21 {strides = array<i32>} : memref<1024x64xf32, #tpu.memory_space<vmem>>, vector<1024x64xf32>,
    return
  }
  func.func @transform_0(%arg0: i32) -> (i32, i32) {
    %c0_i32 = arith.constant 0 : i32
    %c0_i32_0 = arith.constant 0 : i32
    return %arg0, %c0_i32 : i32, i32
  }
  func.func @transform_1(%arg0: i32) -> (i32, i32) {
    %c0_i32 = arith.constant 0 : i32
    %c0_i32_0 = arith.constant 0 : i32
    %c0_i32_1 = arith.constant 0 : i32
    return %c0_i32, %c0_i32_0 : i32, i32
  }
  func.func @transform_2(%arg0: i32) -> (i32, i32) {
    %c0_i32 = arith.constant 0 : i32
    %c0_i32_0 = arith.constant 0 : i32
    return %arg0, %c0_i32 : i32, i32
  }
  func.func @transform_3(%arg0: i32) -> (i32, i32) {
    %c0_i32 = arith.constant 0 : i32
    %c0_i32_0 = arith.constant 0 : i32
    return %arg0, %c0_i32 : i32, i32
  }
  func.func @transform_4(%arg0: i32) -> (i32, i32) {
    %c0_i32 = arith.constant 0 : i32
    %c0_i32_0 = arith.constant 0 : i32
    return %arg0, %c0_i32 : i32, i32
  }
  func.func @transform_5(%arg0: i32) -> (i32, i32) {
    %c0_i32 = arith.constant 0 : i32
    %c0_i32_0 = arith.constant 0 : i32
    return %arg0, %c0_i32 : i32, i32
  }
}

module attributes {stable_mosaic.version = 14 : i64} {
  func.func @_fold_body(%arg0: memref<272x128xf32, #tpu.memory_space<vmem>>, %arg1: memref<128x128xf32, #tpu.memory_space<vmem>>, %arg2: memref<1x128xf32, #tpu.memory_space<vmem>>, %arg3: memref<1x128xf32, #tpu.memory_space<vmem>>, %arg4: memref<272x128xf32, #tpu.memory_space<vmem>>, %arg5: memref<1x128xf32, #tpu.memory_space<vmem>>) attributes {dimension_semantics = [], scalar_prefetch = 0 : i64, scratch_operands = 0 : i64, tpu.core_type = #tpu.core_type<tc>} {
    %get3A = arith.constant 0 : index
    %get3A_0 = arith.constant 0 : index
    %get3A_1 = vector.load %arg1[%get3A, %get3A_0] : memref<128x128xf32, #tpu.memory_space<vmem>>, vector<128x128xf32>
    %get3A_2 = arith.constant 0 : index
    %get3A_3 = arith.constant 0 : index
    %get3A_4 = vector.load %arg0[%get3A_2, %get3A_3] : memref<272x128xf32, #tpu.memory_space<vmem>>, vector<272x128xf32>
    %dot_general3A = arith.constant dense<0.000000e+00> : vector<272x128xf32>
    %dot_general3A_5 = tpu.matmul %get3A_4, %get3A_1, %dot_general3A {dimension_numbers = #tpu.dot_dimension_numbers<[1], [0], [0], [1], [0, 0, 1, 1], [], []>, transpose_lhs_hint = false} : vector<272x128xf32>, vector<128x128xf32>, vector<272x128xf32> -> vector<272x128xf32>
    %swap3A = arith.constant 0 : index
    %swap3A_6 = arith.constant 0 : index
    %swap3A_7 = vector.load %arg4[%swap3A, %swap3A_6] : memref<272x128xf32, #tpu.memory_space<vmem>>, vector<272x128xf32>
    tpu.vector_store %arg4[%swap3A, %swap3A_6], %dot_general3A_5 {strides = array<i32>} : memref<272x128xf32, #tpu.memory_space<vmem>>, vector<272x128xf32>,
    %get3A_8 = arith.constant 0 : index
    %get3A_9 = arith.constant 0 : index
    %get3A_10 = vector.load %arg2[%get3A_8, %get3A_9] : memref<1x128xf32, #tpu.memory_space<vmem>>, vector<1x128xf32>
    %dot_general3A_11 = arith.constant dense<0.000000e+00> : vector<1x128xf32>
    %dot_general3A_12 = tpu.matmul %get3A_10, %get3A_1, %dot_general3A_11 {dimension_numbers = #tpu.dot_dimension_numbers<[1], [0], [0], [1], [0, 0, 1, 1], [], []>, transpose_lhs_hint = false} : vector<1x128xf32>, vector<128x128xf32>, vector<1x128xf32> -> vector<1x128xf32>
    %get3A_13 = arith.constant 0 : index
    %get3A_14 = arith.constant 0 : index
    %get3A_15 = vector.load %arg3[%get3A_13, %get3A_14] : memref<1x128xf32, #tpu.memory_space<vmem>>, vector<1x128xf32>
    %add3A = arith.addf %dot_general3A_12, %get3A_15 : vector<1x128xf32>
    %swap3A_16 = arith.constant 0 : index
    %swap3A_17 = arith.constant 0 : index
    %swap3A_18 = vector.load %arg5[%swap3A_16, %swap3A_17] : memref<1x128xf32, #tpu.memory_space<vmem>>, vector<1x128xf32>
    tpu.vector_store %arg5[%swap3A_16, %swap3A_17], %add3A {strides = array<i32>} : memref<1x128xf32, #tpu.memory_space<vmem>>, vector<1x128xf32>,
    return
  }
}

module attributes {stable_mosaic.version = 14 : i64} {
  func.func @_r_body(%arg0: i32, %arg1: memref<4000x16xf32, #tpu.memory_space<vmem>>, %arg2: memref<272x128xf32, #tpu.memory_space<vmem>>, %arg3: memref<1x128xf32, #tpu.memory_space<vmem>>, %arg4: memref<4000x128xf32, #tpu.memory_space<vmem>>) attributes {dimension_semantics = [#tpu.dimension_semantics<arbitrary>], iteration_bounds = array<i64: 80>, scalar_prefetch = 0 : i64, scratch_operands = 0 : i64, tpu.core_type = #tpu.core_type<tc>, window_params = [{transform_indices = @transform_0, window_bounds = array<i64: 4000, 16>}, {pipeline_mode = #tpu.pipeline_mode<synchronous>, transform_indices = @transform_1, window_bounds = array<i64: 272, 128>}, {pipeline_mode = #tpu.pipeline_mode<synchronous>, transform_indices = @transform_2, window_bounds = array<i64: 1, 128>}, {transform_indices = @transform_3, window_bounds = array<i64: 4000, 128>}]} {
    %get3A = arith.constant 0 : index
    %get3A_0 = arith.constant 0 : index
    %get3A_1 = vector.load %arg1[%get3A, %get3A_0] : memref<4000x16xf32, #tpu.memory_space<vmem>>, vector<4000x16xf32>
    %get3A_2 = arith.constant 256 : index
    %get3A_3 = arith.constant 0 : index
    %get3A_4 = vector.load %arg2[%get3A_2, %get3A_3] : memref<272x128xf32, #tpu.memory_space<vmem>>, vector<16x128xf32>
    %dot_general3A = arith.constant dense<0.000000e+00> : vector<4000x128xf32>
    %dot_general3A_5 = tpu.matmul %get3A_1, %get3A_4, %dot_general3A {dimension_numbers = #tpu.dot_dimension_numbers<[1], [0], [0], [1], [0, 0, 1, 1], [], []>, transpose_lhs_hint = false} : vector<4000x16xf32>, vector<16x128xf32>, vector<4000x128xf32> -> vector<4000x128xf32>
    %get3A_6 = arith.constant 0 : index
    %get3A_7 = arith.constant 0 : index
    %get3A_8 = vector.load %arg3[%get3A_6, %get3A_7] : memref<1x128xf32, #tpu.memory_space<vmem>>, vector<1x128xf32>
    %add3A = vector.broadcast %get3A_8 : vector<1x128xf32> to vector<4000x128xf32>
    %add3A_9 = arith.addf %dot_general3A_5, %add3A : vector<4000x128xf32>
    %swap3A = arith.constant 0 : index
    %swap3A_10 = arith.constant 0 : index
    %swap3A_11 = vector.load %arg4[%swap3A, %swap3A_10] : memref<4000x128xf32, #tpu.memory_space<vmem>>, vector<4000x128xf32>
    tpu.vector_store %arg4[%swap3A, %swap3A_10], %add3A_9 {strides = array<i32>} : memref<4000x128xf32, #tpu.memory_space<vmem>>, vector<4000x128xf32>,
    return
  }
  func.func @transform_0(%arg0: i32) -> (i32, i32) {
    %c0_i32 = arith.constant 0 : i32
    %c0_i32_0 = arith.constant 0 : i32
    return %arg0, %c0_i32 : i32, i32
  }
  func.func @transform_1(%arg0: i32) -> (i32, i32) {
    %c0_i32 = arith.constant 0 : i32
    %c0_i32_0 = arith.constant 0 : i32
    %c0_i32_1 = arith.constant 0 : i32
    return %c0_i32, %c0_i32_0 : i32, i32
  }
  func.func @transform_2(%arg0: i32) -> (i32, i32) {
    %c0_i32 = arith.constant 0 : i32
    %c0_i32_0 = arith.constant 0 : i32
    %c0_i32_1 = arith.constant 0 : i32
    return %c0_i32, %c0_i32_0 : i32, i32
  }
  func.func @transform_3(%arg0: i32) -> (i32, i32) {
    %c0_i32 = arith.constant 0 : i32
    %c0_i32_0 = arith.constant 0 : i32
    return %arg0, %c0_i32 : i32, i32
  }
}

module attributes {stable_mosaic.version = 14 : i64} {
  func.func @_post_body(%arg0: i32, %arg1: memref<1024x128xf32, #tpu.memory_space<vmem>>, %arg2: memref<1024x64xf32, #tpu.memory_space<vmem>>, %arg3: memref<1024x64xf32, #tpu.memory_space<vmem>>, %arg4: memref<1024x16xf32, #tpu.memory_space<vmem>>, %arg5: memref<1024x16xf32, #tpu.memory_space<vmem>>, %arg6: memref<128x128xf32, #tpu.memory_space<vmem>>, %arg7: memref<1x128xf32, #tpu.memory_space<vmem>>, %arg8: memref<128x512xf32, #tpu.memory_space<vmem>>, %arg9: memref<1x512xf32, #tpu.memory_space<vmem>>, %arg10: memref<512x128xf32, #tpu.memory_space<vmem>>, %arg11: memref<1x128xf32, #tpu.memory_space<vmem>>, %arg12: memref<1x128xf32, #tpu.memory_space<vmem>>, %arg13: memref<1x128xf32, #tpu.memory_space<vmem>>, %arg14: memref<1x128xf32, #tpu.memory_space<vmem>>, %arg15: memref<1x128xf32, #tpu.memory_space<vmem>>, %arg16: memref<1024x128xf32, #tpu.memory_space<vmem>>) attributes {dimension_semantics = [#tpu.dimension_semantics<arbitrary>], iteration_bounds = array<i64: 10>, scalar_prefetch = 0 : i64, scratch_operands = 0 : i64, tpu.core_type = #tpu.core_type<tc>, window_params = [{transform_indices = @transform_0, window_bounds = array<i64: 1024, 128>}, {transform_indices = @transform_1, window_bounds = array<i64: 1024, 64>}, {transform_indices = @transform_2, window_bounds = array<i64: 1024, 64>}, {transform_indices = @transform_3, window_bounds = array<i64: 1024, 16>}, {transform_indices = @transform_4, window_bounds = array<i64: 1024, 16>}, {pipeline_mode = #tpu.pipeline_mode<synchronous>, transform_indices = @transform_5, window_bounds = array<i64: 128, 128>}, {pipeline_mode = #tpu.pipeline_mode<synchronous>, transform_indices = @transform_6, window_bounds = array<i64: 1, 128>}, {pipeline_mode = #tpu.pipeline_mode<synchronous>, transform_indices = @transform_7, window_bounds = array<i64: 128, 512>}, {pipeline_mode = #tpu.pipeline_mode<synchronous>, transform_indices = @transform_8, window_bounds = array<i64: 1, 512>}, {pipeline_mode = #tpu.pipeline_mode<synchronous>, transform_indices = @transform_9, window_bounds = array<i64: 512, 128>}, {pipeline_mode = #tpu.pipeline_mode<synchronous>, transform_indices = @transform_10, window_bounds = array<i64: 1, 128>}, {pipeline_mode = #tpu.pipeline_mode<synchronous>, transform_indices = @transform_11, window_bounds = array<i64: 1, 128>}, {pipeline_mode = #tpu.pipeline_mode<synchronous>, transform_indices = @transform_12, window_bounds = array<i64: 1, 128>}, {pipeline_mode = #tpu.pipeline_mode<synchronous>, transform_indices = @transform_13, window_bounds = array<i64: 1, 128>}, {pipeline_mode = #tpu.pipeline_mode<synchronous>, transform_indices = @transform_14, window_bounds = array<i64: 1, 128>}, {transform_indices = @transform_15, window_bounds = array<i64: 1024, 128>}]} {
    %get3A = arith.constant 0 : index
    %get3A_0 = arith.constant 0 : index
    %get3A_1 = vector.load %arg2[%get3A, %get3A_0] : memref<1024x64xf32, #tpu.memory_space<vmem>>, vector<1024x64xf32>
    %get3A_2 = arith.constant 0 : index
    %get3A_3 = arith.constant 0 : index
    %get3A_4 = vector.load %arg3[%get3A_2, %get3A_3] : memref<1024x64xf32, #tpu.memory_space<vmem>>, vector<1024x64xf32>
    %concatenate3A = tpu.concatenate %get3A_1, %get3A_4 in 1 : vector<1024x64xf32>, vector<1024x64xf32> -> vector<1024x128xf32>
    %get3A_5 = arith.constant 0 : index
    %get3A_6 = arith.constant 0 : index
    %get3A_7 = vector.load %arg4[%get3A_5, %get3A_6] : memref<1024x16xf32, #tpu.memory_space<vmem>>, vector<1024x16xf32>
    %slice3A = vector.extract_strided_slice %get3A_7 {offsets = [0, 0], sizes = [1024, 1], strides = [1, 1]} : vector<1024x16xf32> to vector<1024x1xf32>
    %get3A_8 = arith.constant 0 : index
    %get3A_9 = arith.constant 0 : index
    %get3A_10 = vector.load %arg5[%get3A_8, %get3A_9] : memref<1024x16xf32, #tpu.memory_space<vmem>>, vector<1024x16xf32>
    %slice3A_11 = vector.extract_strided_slice %get3A_10 {offsets = [0, 0], sizes = [1024, 1], strides = [1, 1]} : vector<1024x16xf32> to vector<1024x1xf32>
    %add3A = arith.addf %slice3A, %slice3A_11 : vector<1024x1xf32>
    %get3A_12 = arith.constant 0 : index
    %get3A_13 = arith.constant 0 : index
    %get3A_14 = vector.load %arg6[%get3A_12, %get3A_13] : memref<128x128xf32, #tpu.memory_space<vmem>>, vector<128x128xf32>
    %dot_general3A = arith.constant dense<0.000000e+00> : vector<1024x128xf32>
    %dot_general3A_15 = tpu.matmul %concatenate3A, %get3A_14, %dot_general3A {dimension_numbers = #tpu.dot_dimension_numbers<[1], [0], [0], [1], [0, 0, 1, 1], [], []>, transpose_lhs_hint = false} : vector<1024x128xf32>, vector<128x128xf32>, vector<1024x128xf32> -> vector<1024x128xf32>
    %get3A_16 = arith.constant 0 : index
    %get3A_17 = arith.constant 0 : index
    %get3A_18 = vector.load %arg7[%get3A_16, %get3A_17] : memref<1x128xf32, #tpu.memory_space<vmem>>, vector<1x128xf32>
    %mul3A = vector.broadcast %add3A : vector<1024x1xf32> to vector<1024x128xf32>
    %mul3A_19 = vector.broadcast %get3A_18 : vector<1x128xf32> to vector<1024x128xf32>
    %mul3A_20 = arith.mulf %mul3A, %mul3A_19 : vector<1024x128xf32>
    %add3A_21 = arith.addf %dot_general3A_15, %mul3A_20 : vector<1024x128xf32>
    %max3A = arith.constant 1.000000e+00 : f32
    %max3A_22 = vector.broadcast %max3A : f32 to vector<1024x1xf32>
    %max3A_23 = arith.maximumf %add3A, %max3A_22 : vector<1024x1xf32>
    %div3A = vector.broadcast %max3A_23 : vector<1024x1xf32> to vector<1024x128xf32>
    %div3A_24 = arith.divf %add3A_21, %div3A : vector<1024x128xf32>
    %get3A_25 = arith.constant 0 : index
    %get3A_26 = arith.constant 0 : index
    %get3A_27 = vector.load %arg1[%get3A_25, %get3A_26] : memref<1024x128xf32, #tpu.memory_space<vmem>>, vector<1024x128xf32>
    %add3A_28 = arith.addf %get3A_27, %div3A_24 : vector<1024x128xf32>
    %get3A_29 = arith.constant 0 : index
    %get3A_30 = arith.constant 0 : index
    %get3A_31 = vector.load %arg12[%get3A_29, %get3A_30] : memref<1x128xf32, #tpu.memory_space<vmem>>, vector<1x128xf32>
    %get3A_32 = arith.constant 0 : index
    %get3A_33 = arith.constant 0 : index
    %get3A_34 = vector.load %arg13[%get3A_32, %get3A_33] : memref<1x128xf32, #tpu.memory_space<vmem>>, vector<1x128xf32>
    %reduce_sum3A = arith.constant dense<0.000000e+00> : vector<1024xf32>
    %reduce_sum3A_35 = vector.multi_reduction <add>, %add3A_28, %reduce_sum3A [1] : vector<1024x128xf32> to vector<1024xf32>
    %broadcast_in_dim3A = vector.shape_cast %reduce_sum3A_35 : vector<1024xf32> to vector<1024x1xf32>
    %div3A_36 = arith.constant 1.280000e+02 : f32
    %div3A_37 = vector.broadcast %div3A_36 : f32 to vector<1024x1xf32>
    %div3A_38 = arith.divf %broadcast_in_dim3A, %div3A_37 : vector<1024x1xf32>
    %sub3A = vector.broadcast %div3A_38 : vector<1024x1xf32> to vector<1024x128xf32>
    %sub3A_39 = arith.subf %add3A_28, %sub3A : vector<1024x128xf32>
    %mul3A_40 = arith.mulf %sub3A_39, %sub3A_39 : vector<1024x128xf32>
    %reduce_sum3A_41 = arith.constant dense<0.000000e+00> : vector<1024xf32>
    %reduce_sum3A_42 = vector.multi_reduction <add>, %mul3A_40, %reduce_sum3A_41 [1] : vector<1024x128xf32> to vector<1024xf32>
    %broadcast_in_dim3A_43 = vector.shape_cast %reduce_sum3A_42 : vector<1024xf32> to vector<1024x1xf32>
    %div3A_44 = arith.constant 1.280000e+02 : f32
    %div3A_45 = vector.broadcast %div3A_44 : f32 to vector<1024x1xf32>
    %div3A_46 = arith.divf %broadcast_in_dim3A_43, %div3A_45 : vector<1024x1xf32>
    %add3A_47 = arith.constant 9.99999974E-6 : f32
    %add3A_48 = vector.broadcast %add3A_47 : f32 to vector<1024x1xf32>
    %add3A_49 = arith.addf %div3A_46, %add3A_48 : vector<1024x1xf32>
    %rsqrt3A = math.rsqrt %add3A_49 : vector<1024x1xf32>
    %mul3A_50 = vector.broadcast %rsqrt3A : vector<1024x1xf32> to vector<1024x128xf32>
    %mul3A_51 = arith.mulf %sub3A_39, %mul3A_50 : vector<1024x128xf32>
    %mul3A_52 = vector.broadcast %get3A_31 : vector<1x128xf32> to vector<1024x128xf32>
    %mul3A_53 = arith.mulf %mul3A_51, %mul3A_52 : vector<1024x128xf32>
    %add3A_54 = vector.broadcast %get3A_34 : vector<1x128xf32> to vector<1024x128xf32>
    %add3A_55 = arith.addf %mul3A_53, %add3A_54 : vector<1024x128xf32>
    %get3A_56 = arith.constant 0 : index
    %get3A_57 = arith.constant 0 : index
    %get3A_58 = vector.load %arg8[%get3A_56, %get3A_57] : memref<128x512xf32, #tpu.memory_space<vmem>>, vector<128x512xf32>
    %dot_general3A_59 = arith.constant dense<0.000000e+00> : vector<1024x512xf32>
    %dot_general3A_60 = tpu.matmul %add3A_55, %get3A_58, %dot_general3A_59 {dimension_numbers = #tpu.dot_dimension_numbers<[1], [0], [0], [1], [0, 0, 1, 1], [], []>, transpose_lhs_hint = false} : vector<1024x128xf32>, vector<128x512xf32>, vector<1024x512xf32> -> vector<1024x512xf32>
    %get3A_61 = arith.constant 0 : index
    %get3A_62 = arith.constant 0 : index
    %get3A_63 = vector.load %arg9[%get3A_61, %get3A_62] : memref<1x512xf32, #tpu.memory_space<vmem>>, vector<1x512xf32>
    %add3A_64 = vector.broadcast %get3A_63 : vector<1x512xf32> to vector<1024x512xf32>
    %add3A_65 = arith.addf %dot_general3A_60, %add3A_64 : vector<1024x512xf32>
    %neg3A = arith.constant 0.000000e+00 : f32
    %neg3A_66 = vector.broadcast %neg3A : f32 to vector<1024x512xf32>
    %neg3A_67 = arith.subf %neg3A_66, %add3A_65 : vector<1024x512xf32>
    %exp3A = math.exp %neg3A_67 : vector<1024x512xf32>
    %add3A_68 = arith.constant 1.000000e+00 : f32
    %add3A_69 = vector.broadcast %add3A_68 : f32 to vector<1024x512xf32>
    %add3A_70 = arith.addf %add3A_69, %exp3A : vector<1024x512xf32>
    %div3A_71 = arith.constant 1.000000e+00 : f32
    %div3A_72 = vector.broadcast %div3A_71 : f32 to vector<1024x512xf32>
    %div3A_73 = arith.divf %div3A_72, %add3A_70 : vector<1024x512xf32>
    %get3A_74 = arith.constant 0 : index
    %get3A_75 = arith.constant 0 : index
    %get3A_76 = vector.load %arg10[%get3A_74, %get3A_75] : memref<512x128xf32, #tpu.memory_space<vmem>>, vector<512x128xf32>
    %dot_general3A_77 = arith.constant dense<0.000000e+00> : vector<1024x128xf32>
    %dot_general3A_78 = tpu.matmul %div3A_73, %get3A_76, %dot_general3A_77 {dimension_numbers = #tpu.dot_dimension_numbers<[1], [0], [0], [1], [0, 0, 1, 1], [], []>, transpose_lhs_hint = false} : vector<1024x512xf32>, vector<512x128xf32>, vector<1024x128xf32> -> vector<1024x128xf32>
    %get3A_79 = arith.constant 0 : index
    %get3A_80 = arith.constant 0 : index
    %get3A_81 = vector.load %arg11[%get3A_79, %get3A_80] : memref<1x128xf32, #tpu.memory_space<vmem>>, vector<1x128xf32>
    %add3A_82 = vector.broadcast %get3A_81 : vector<1x128xf32> to vector<1024x128xf32>
    %add3A_83 = arith.addf %dot_general3A_78, %add3A_82 : vector<1024x128xf32>
    %add3A_84 = arith.addf %add3A_55, %add3A_83 : vector<1024x128xf32>
    %get3A_85 = arith.constant 0 : index
    %get3A_86 = arith.constant 0 : index
    %get3A_87 = vector.load %arg14[%get3A_85, %get3A_86] : memref<1x128xf32, #tpu.memory_space<vmem>>, vector<1x128xf32>
    %get3A_88 = arith.constant 0 : index
    %get3A_89 = arith.constant 0 : index
    %get3A_90 = vector.load %arg15[%get3A_88, %get3A_89] : memref<1x128xf32, #tpu.memory_space<vmem>>, vector<1x128xf32>
    %reduce_sum3A_91 = arith.constant dense<0.000000e+00> : vector<1024xf32>
    %reduce_sum3A_92 = vector.multi_reduction <add>, %add3A_84, %reduce_sum3A_91 [1] : vector<1024x128xf32> to vector<1024xf32>
    %broadcast_in_dim3A_93 = vector.shape_cast %reduce_sum3A_92 : vector<1024xf32> to vector<1024x1xf32>
    %div3A_94 = arith.constant 1.280000e+02 : f32
    %div3A_95 = vector.broadcast %div3A_94 : f32 to vector<1024x1xf32>
    %div3A_96 = arith.divf %broadcast_in_dim3A_93, %div3A_95 : vector<1024x1xf32>
    %sub3A_97 = vector.broadcast %div3A_96 : vector<1024x1xf32> to vector<1024x128xf32>
    %sub3A_98 = arith.subf %add3A_84, %sub3A_97 : vector<1024x128xf32>
    %mul3A_99 = arith.mulf %sub3A_98, %sub3A_98 : vector<1024x128xf32>
    %reduce_sum3A_100 = arith.constant dense<0.000000e+00> : vector<1024xf32>
    %reduce_sum3A_101 = vector.multi_reduction <add>, %mul3A_99, %reduce_sum3A_100 [1] : vector<1024x128xf32> to vector<1024xf32>
    %broadcast_in_dim3A_102 = vector.shape_cast %reduce_sum3A_101 : vector<1024xf32> to vector<1024x1xf32>
    %div3A_103 = arith.constant 1.280000e+02 : f32
    %div3A_104 = vector.broadcast %div3A_103 : f32 to vector<1024x1xf32>
    %div3A_105 = arith.divf %broadcast_in_dim3A_102, %div3A_104 : vector<1024x1xf32>
    %add3A_106 = arith.constant 9.99999974E-6 : f32
    %add3A_107 = vector.broadcast %add3A_106 : f32 to vector<1024x1xf32>
    %add3A_108 = arith.addf %div3A_105, %add3A_107 : vector<1024x1xf32>
    %rsqrt3A_109 = math.rsqrt %add3A_108 : vector<1024x1xf32>
    %mul3A_110 = vector.broadcast %rsqrt3A_109 : vector<1024x1xf32> to vector<1024x128xf32>
    %mul3A_111 = arith.mulf %sub3A_98, %mul3A_110 : vector<1024x128xf32>
    %mul3A_112 = vector.broadcast %get3A_87 : vector<1x128xf32> to vector<1024x128xf32>
    %mul3A_113 = arith.mulf %mul3A_111, %mul3A_112 : vector<1024x128xf32>
    %add3A_114 = vector.broadcast %get3A_90 : vector<1x128xf32> to vector<1024x128xf32>
    %add3A_115 = arith.addf %mul3A_113, %add3A_114 : vector<1024x128xf32>
    %swap3A = arith.constant 0 : index
    %swap3A_116 = arith.constant 0 : index
    %swap3A_117 = vector.load %arg16[%swap3A, %swap3A_116] : memref<1024x128xf32, #tpu.memory_space<vmem>>, vector<1024x128xf32>
    tpu.vector_store %arg16[%swap3A, %swap3A_116], %add3A_115 {strides = array<i32>} : memref<1024x128xf32, #tpu.memory_space<vmem>>, vector<1024x128xf32>,
    return
  }
  func.func @transform_0(%arg0: i32) -> (i32, i32) {
    %c0_i32 = arith.constant 0 : i32
    %c0_i32_0 = arith.constant 0 : i32
    return %arg0, %c0_i32 : i32, i32
  }
  func.func @transform_1(%arg0: i32) -> (i32, i32) {
    %c0_i32 = arith.constant 0 : i32
    %c0_i32_0 = arith.constant 0 : i32
    return %arg0, %c0_i32 : i32, i32
  }
  func.func @transform_2(%arg0: i32) -> (i32, i32) {
    %c0_i32 = arith.constant 0 : i32
    %c0_i32_0 = arith.constant 0 : i32
    return %arg0, %c0_i32 : i32, i32
  }
  func.func @transform_3(%arg0: i32) -> (i32, i32) {
    %c0_i32 = arith.constant 0 : i32
    %c0_i32_0 = arith.constant 0 : i32
    return %arg0, %c0_i32 : i32, i32
  }
  func.func @transform_4(%arg0: i32) -> (i32, i32) {
    %c0_i32 = arith.constant 0 : i32
    %c0_i32_0 = arith.constant 0 : i32
    return %arg0, %c0_i32 : i32, i32
  }
  func.func @transform_5(%arg0: i32) -> (i32, i32) {
    %c0_i32 = arith.constant 0 : i32
    %c0_i32_0 = arith.constant 0 : i32
    %c0_i32_1 = arith.constant 0 : i32
    return %c0_i32, %c0_i32_0 : i32, i32
  }
  func.func @transform_6(%arg0: i32) -> (i32, i32) {
    %c0_i32 = arith.constant 0 : i32
    %c0_i32_0 = arith.constant 0 : i32
    %c0_i32_1 = arith.constant 0 : i32
    return %c0_i32, %c0_i32_0 : i32, i32
  }
  func.func @transform_7(%arg0: i32) -> (i32, i32) {
    %c0_i32 = arith.constant 0 : i32
    %c0_i32_0 = arith.constant 0 : i32
    %c0_i32_1 = arith.constant 0 : i32
    return %c0_i32, %c0_i32_0 : i32, i32
  }
  func.func @transform_8(%arg0: i32) -> (i32, i32) {
    %c0_i32 = arith.constant 0 : i32
    %c0_i32_0 = arith.constant 0 : i32
    %c0_i32_1 = arith.constant 0 : i32
    return %c0_i32, %c0_i32_0 : i32, i32
  }
  func.func @transform_9(%arg0: i32) -> (i32, i32) {
    %c0_i32 = arith.constant 0 : i32
    %c0_i32_0 = arith.constant 0 : i32
    %c0_i32_1 = arith.constant 0 : i32
    return %c0_i32, %c0_i32_0 : i32, i32
  }
  func.func @transform_10(%arg0: i32) -> (i32, i32) {
    %c0_i32 = arith.constant 0 : i32
    %c0_i32_0 = arith.constant 0 : i32
    %c0_i32_1 = arith.constant 0 : i32
    return %c0_i32, %c0_i32_0 : i32, i32
  }
  func.func @transform_11(%arg0: i32) -> (i32, i32) {
    %c0_i32 = arith.constant 0 : i32
    %c0_i32_0 = arith.constant 0 : i32
    %c0_i32_1 = arith.constant 0 : i32
    return %c0_i32, %c0_i32_0 : i32, i32
  }
  func.func @transform_12(%arg0: i32) -> (i32, i32) {
    %c0_i32 = arith.constant 0 : i32
    %c0_i32_0 = arith.constant 0 : i32
    %c0_i32_1 = arith.constant 0 : i32
    return %c0_i32, %c0_i32_0 : i32, i32
  }
  func.func @transform_13(%arg0: i32) -> (i32, i32) {
    %c0_i32 = arith.constant 0 : i32
    %c0_i32_0 = arith.constant 0 : i32
    %c0_i32_1 = arith.constant 0 : i32
    return %c0_i32, %c0_i32_0 : i32, i32
  }
  func.func @transform_14(%arg0: i32) -> (i32, i32) {
    %c0_i32 = arith.constant 0 : i32
    %c0_i32_0 = arith.constant 0 : i32
    %c0_i32_1 = arith.constant 0 : i32
    return %c0_i32, %c0_i32_0 : i32, i32
  }
  func.func @transform_15(%arg0: i32) -> (i32, i32) {
    %c0_i32 = arith.constant 0 : i32
    %c0_i32_0 = arith.constant 0 : i32
    return %arg0, %c0_i32 : i32, i32
  }
}

</mosaic_0001>

<sc_bundles>
// kernel: kernel.7.cloned.1.call-start
scs
__scs_entry_jumppad:
0x0: {  	(pc) =	sbr.rel $0x88, $3  }
0x1: {  	(tag) =	ssettag $0x0;
	lr =	simm.s32 $0x1  }
0x2: {  	[smem:$0x3F90] =	sst lr;
	_ =	strace $0xD0000000  }
0x3: {  	_ = 	snop  }
0x4: {  	_ = 	snop  }
0x5: {  	_ = 	snop  }
0x6: {  	_ = 	snop  }
0x7: {  	_ = 	snop  }
__scs_overlays_trampoline_lowered:
0x8: {  	[smem:$0x3F9F] =	sst s0  }
0x9: {  	[smem:$0x3FA0] =	sst s1  }
0xa: {  	[smem:$0x3FA1] =	sst s2  }
0xb: {  	[smem:$0x3FA2] =	sst s3  }
0xc: {  	[smem:$0x3FA3] =	sst s4  }
0xd: {  	[smem:$0x3FA4] =	sst s5  }
0xe: {  	[smem:$0x3FA5] =	sst s6  }
0xf: {  	[smem:$0x3FA6] =	sst s7  }
0x10: {  	[smem:$0x3FA7] =	sst s8  }
0x11: {  	[smem:$0x3FA8] =	sst s9;
	s0 =	simm.s32 @!p0 $0x0  }
0x12: {  	s1 =	sld [smem:$0x3F8E];
	s0 =	simm.s32 @p0 $0x1  }
0x13: {  	[smem:$0x3FA9] =	sst s0;
	s0 =	simm.s32 @!p1 $0x0  }
0x14: {  	s2 =	sld [smem:$0x3F8D];
	s0 =	simm.s32 @p1 $0x1  }
0x15: {  	[smem:$0x3FAA] =	sst s0;
	s0 =	simm.s32 @!p2 $0x0  }
0x16: {  	s3 =	sld [smem:$0x3FDB];
	s0 =	simm.s32 @p2 $0x1  }
0x17: {  	s4 =	simm.s32 $0x1BF5;
	[smem:$0x3FAC] =	sst s0  }
0x18: {  	s0 =	sld [smem:$0x3F8F];
	_ =	swait.ge [sflag:s4], $0x0  }
0x19: {  	s7 =	sld [smem:$0x3F90]  }
0x1a: {  	s8 =	sadd.s32 $0xFFFFE003, lr  }
0x1b: {  	s9 =	sadd.s32 $0xFFFFFEF7, lr;
	s5 =	simm.s32 $0xFFFFFFFF;
	p2 =	slt.u32 s8, $0xFFFFF086  }
0x1c: {  	p1 =	slt.u32 s9, $0xF7A;
	s5 =	simm.s32 @!p2 $0x0  }
0x1d: {  	s5 =	simm.s32 @p1 $0x1;
	p0 =	seq.s32 s7, s2  }
0x1e: {  	s7 =	smul.u32 @!p0 $0xF7A, s2;
	p2 =	seq.s32 @!p0 s5, $0x0  }
0x1f: {  	s9 =	smul.u32 $0xF7A, s1;
	s8 =	simm.s32 @!p0 $0x1BF5;
	p2 =	por !p2, p0  }
0x20: {  	[sflag:s8] =	ssyncset.s32 @!p0 $0xFFFFF086;
	s6 =	sadd.s32 @!p0 s3, s7;
	s7 =	simm.s32 @!p0 $0x108  }
0x21: {  	s3 =	sadd.s32 s3, s9;
	s6 =	sadd.s32 @!p0 $0x88, s6;
	s7 =	simm.s32 @p2 $0x1082  }
0x22: {  	[simem:s7], [sflag:s8] =	dma.local @!p0 [hbm:s6], $0xF7A  }
0x23: {  	s9 =	sor.u32 $0xD0000000, s2;
	s6 =	simm.s32 $0x108;
	_ =	swait.ge @!p0 [sflag:s8], $0x0  }
0x24: {  	s3 =	sadd.s32 $0x88, s3;
	s6 =	simm.s32 @!p1 $0x1082;
	[sflag:s4] =	ssyncset.s32 $0xFFFFF086  }
0x25: {  	[simem:s6], [sflag:s4] =	dma.local [hbm:s3], $0xF7A  }
0x26: {  	[smem:$0x3F90] =	sst s1;
	(tag) =	ssettag s2;
	_ =	strace s9  }
0x27: {  	s1 =	sld [smem:$0x3FA0]  }
0x28: {  	s2 =	sld [smem:$0x3FA1]  }
0x29: {  	s4 =	sld [smem:$0x3FA3]  }
0x2a: {  	p0 =	seq.s32 s5, $0x0;
	s5 =	sld [smem:$0x3FA4]  }
0x2b: {  	s6 =	sld [smem:$0x3FA5]  }
0x2c: {  	s7 =	sld [smem:$0x3FA6]  }
0x2d: {  	s3 =	simm.s32 $0x108;
	s8 =	sld [smem:$0x3FA7]  }
0x2e: {  	s3 =	simm.s32 @!p0 $0x1082;
	s9 =	sld [smem:$0x3FA8]  }
0x2f: {  	lr =	sadd.s32 s0, s3;
	s0 =	sld [smem:$0x3F9F]  }
0x30: {  	s3 =	sld [smem:$0x3FA2]  }
0x31: {  	[smem:$0x3FAB] =	sst s10  }
0x32: {  	s10 =	sld [smem:$0x3FA9];
	_ =	sdelay $0x3  }
0x33: {  	p0 =	seq.s32 s10, $0x1;
	s10 =	sld [smem:$0x3FAB];
	_ =	sdelay $0x3  }
0x34: {  	[smem:$0x3FAB] =	sst s10  }
0x35: {  	s10 =	sld [smem:$0x3FAA];
	_ =	sdelay $0x3  }
0x36: {  	p1 =	seq.s32 s10, $0x1;
	s10 =	sld [smem:$0x3FAB];
	_ =	sdelay $0x3  }
0x37: {  	[smem:$0x3FAB] =	sst s10  }
0x38: {  	s10 =	sld [smem:$0x3FAC]  }
0x39: {  	_ = 	snop;
	(pc) =	sbr.ind lr, $3  }
0x3a: {  	_ = 	snop  }
0x3b: {  	_ = 	snop  }
0x3c: {  	p2 =	seq.s32 s10, $0x1;
	s10 =	sld [smem:$0x3FAB]  }
0x3d: {  	_ =	shalt  }
0x3e: {  	_ =	shalt  }
0x3f: {  	_ =	shalt  }
0x40: {  	_ =	shalt  }
0x41: {  	_ =	shalt  }
0x42: {  	_ =	shalt  }
0x43: {  	_ =	shalt  }
0x44: {  	_ =	shalt  }
0x45: {  	_ =	shalt  }
0x46: {  	_ =	shalt  }
0x47: {  	_ =	shalt  }
0x48: {  	_ =	shalt  }
0x49: {  	_ =	shalt  }
0x4a: {  	_ =	shalt  }
0x4b: {  	_ =	shalt  }
0x4c: {  	_ =	shalt  }
0x4d: {  	_ =	shalt  }
0x4e: {  	_ =	shalt  }
0x4f: {  	_ =	shalt  }
0x50: {  	_ =	shalt  }
0x51: {  	_ =	shalt  }
0x52: {  	_ =	shalt  }
0x53: {  	_ =	shalt  }
0x54: {  	_ =	shalt  }
0x55: {  	_ =	shalt  }
0x56: {  	_ =	shalt  }
0x57: {  	_ =	shalt  }
0x58: {  	_ =	shalt  }
0x59: {  	_ =	shalt  }
0x5a: {  	_ =	shalt  }
0x5b: {  	_ =	shalt  }
0x5c: {  	_ =	shalt  }
0x5d: {  	_ =	shalt  }
0x5e: {  	_ =	shalt  }
0x5f: {  	_ =	shalt  }
0x60: {  	_ =	shalt  }
0x61: {  	_ =	shalt  }
0x62: {  	_ =	shalt  }
0x63: {  	_ =	shalt  }
0x64: {  	_ =	shalt  }
0x65: {  	_ =	shalt  }
0x66: {  	_ =	shalt  }
0x67: {  	_ =	shalt  }
0x68: {  	_ =	shalt  }
0x69: {  	_ =	shalt  }
0x6a: {  	_ =	shalt  }
0x6b: {  	_ =	shalt  }
0x6c: {  	_ =	shalt  }
0x6d: {  	_ =	shalt  }
0x6e: {  	_ =	shalt  }
0x6f: {  	_ =	shalt  }
0x70: {  	_ =	shalt  }
0x71: {  	_ =	shalt  }
0x72: {  	_ =	shalt  }
0x73: {  	_ =	shalt  }
0x74: {  	_ =	shalt  }
0x75: {  	_ =	shalt  }
0x76: {  	_ =	shalt  }
0x77: {  	_ =	shalt  }
0x78: {  	_ =	shalt  }
0x79: {  	_ =	shalt  }
0x7a: {  	_ =	shalt  }
0x7b: {  	_ =	shalt  }
0x7c: {  	_ =	shalt  }
0x7d: {  	_ =	shalt  }
0x7e: {  	_ =	shalt  }
0x7f: {  	_ =	shalt  }
0x80: {  	_ =	shalt  }
0x81: {  	_ =	shalt  }
0x82: {  	_ =	shalt  }
0x83: {  	_ =	shalt  }
0x84: {  	_ =	shalt  }
0x85: {  	_ =	shalt  }
0x86: {  	_ =	shalt  }
0x87: {  	_ =	shalt  }
.Lfunc_end0:
.L_simem_size_0:
called_computation_lowered:
.L_overlay_start_0:
0x88: {  	s2 =	sld [smem:$0x3FD9]  }
0x89: {  	s3 =	sld [smem:$0x3FFE];
	_ =	sdelay $0x1  }
0x8a: {  	s1 =	srdreg.scid  }
0x8b: {  	s0 =	sand.u32 $0x1, s1  }
0x8c: {  	s17 =	sshll.u32 s0, $0xA;
	s2 =	sadd.s32 s3, s2  }
0x8d: {  	s2 =	sadd.s32 s2, s17  }
0x8e: {  	[smem:$0x3FB7] =	sst s2  }
0x8f: {  	_ = 	snop  }
0x90: {  	s2 =	sld [smem:$0x3FD0];
	(tm) =	ssettm $0x1  }
0x91: {  	s18 =	sld [smem:$0x3FFB];
	_ =	sdelay $0x3  }
0x92: {  	_ =	strace s18  }
0x93: {  	s3 =	sld [smem:$0x3FFC];
	_ =	sdelay $0x3  }
0x94: {  	_ =	strace s3  }
0x95: {  	s3 =	sld [smem:$0x3FFD];
	_ =	sdelay $0x3  }
0x96: {  	_ =	strace s3  }
0x97: {  	_ =	strace $0x8FFFFFFF  }
0x98: {  	s19 =	sld [smem:$0x3FDB];
	_ =	sdelay $0x1  }
0x99: {  	s4 =	simm.s32 $_scs_section_size  }
0x9a: {  	s5 =	simm.s32 $_size__tile_overlayer_lowered;
	s6 =	simm.s32 $_tile_overlayer_lowered  }
0x9b: {  	s22 =	simm.s32 $0x1BFF;
	s21 =	sshll.u32 s6, $0x1;
	s3 =	sadd.s32 s4, s19  }
0x9c: {  	s7 =	simm.s32 $0x0;
	s20 =	sshll.u32 s5, $0x1;
	s5 =	sadd.s32 s21, s3  }
0x9d: {  	[timem:s7], [sflag:s22] =	dma.local [hbm:s5], s20  }
0x9e: {  	_ =	swait.ge [sflag:s22], s20  }
0x9f: {  	s4 =	ssub.s32 $0x0, s20;
	[sflag:s22] =	ssyncset.done $0x0  }
0xa0: {  	[sflag:s22] =	ssyncadd.s32 s4;
	_ =	sdelay $0x1  }
0xa1: {  	s23 =	simm.s32 $0x1B8B  }
0xa2: {  	_ =	swait.ge [sflag:s23], $0x1  }
0xa3: {  	[sflag:s23] =	ssyncset.done $0x0  }
0xa4: {  	s25 =	simm.s32 $0x1B8E;
	s24 =	sld [smem:$0x3FFE];
	[sflag:s23] =	ssyncadd.s32 $0xFFFFFFFF  }
0xa5: {  	s26 =	simm.s32 $execute0_lowered;
	[smem:$0x3FD2] =	sst s25  }
0xa6: {  	s5 =	sshll.u32 s26, $0x1;
	_ =	strace $0x80000046;
	[dreg:$0x1] =	wrdreg $0xFFFFFFFF  }
0xa7: {  	s28 =	simm.s32 $_size_execute0_lowered;
	s3 =	sadd.s32 s3, s5;
	[dreg:$0x0] =	wrdreg $0x0  }
0xa8: {  	s5 =	sshll.u32 s28, $0x1;
	[dreg:$0x2] =	wrdreg s3  }
0xa9: {  	[dreg:$0x3] =	wrdreg s5  }
0xaa: {  	[dreg:$0x4] =	wrdreg $0xC0  }
0xab: {  	_ =	task [dreg:s7], $0x5FFFF  }
0xac: {  	[dreg:$0x1] =	wrdreg $0xFFFFFFFF  }
0xad: {  	[dreg:$0x0] =	wrdreg $0x60  }
0xae: {  	[dreg:$0x2] =	wrdreg s2  }
0xaf: {  	[dreg:$0x3] =	wrdreg s24  }
0xb0: {  	[dreg:$0x4] =	wrdreg $0xABE00  }
0xb1: {  	[dreg:$0x5] =	wrdreg $0x148200  }
0xb2: {  	[dreg:$0x6] =	wrdreg $0x9  }
0xb3: {  	_ =	task.clear_ibuf [dreg:s7], $0x7FFFF;
	_ =	strace $0x90000046  }
0xb4: {  	s29 =	simm.s32 $0x9;
	_ =	strace $0x80000048  }
0xb5: {  	_ =	swait.ge [sflag:s29], $0x1  }
0xb6: {  	[sflag:s29] =	ssyncadd.s32 $0xFFFFFFFF  }
0xb7: {  	_ =	strace $0x90000048  }
0xb8: {  	_ =	sfence  }
0xb9: {  	s30 =	sld [smem:$0x0];
	_ =	sdelay $0x2  }
0xba: {  	s31 =	sshll.u32 s1, $0xD;
	s1 =	sshrl.u32 s1, $0x2  }
0xbb: {  	s3 =	sand.u32 $0x4000, s31;
	s1 =	sadd.s32 s1, s30  }
0xbc: {  	s0 =	sor.u32 s3, s0;
	s1 =	sshll.u32 s1, $0x11  }
0xbd: {  	s0 =	sor.u32 s1, s0  }
0xbe: {  	s0 =	sadd.s32 $0x8F2B, s0  }
0xbf: {  	[sflag:s0] =	ssyncadd.remote.s32 $0x1  }
0xc0: {  	_ =	sfence.sel $0xFFFF  }
0xc1: {  	[dreg:$0x0] =	wrdreg $0xFFFFFFFF;
	(pc) =	sbr.abs _section_cstart, $3  }
0xc2: {  	[dreg:$0x1] =	wrdreg $0xFFFFFFFF  }
0xc3: {  	_ =	task.clear_ibuf [dreg:s7], $0x2FFFF;
	_ =	strace $0x9FFFFFFF  }
0xc4: {  	(tm) =	ssettm $0x7FFFFFFF  }
0xc5: {  	_ =	shalt  }
tec
execute0_lowered:
.L_overlay_start_1:
0x0: {  	(tag) =	ssettag $0x1  }
0x1: {  	s1 =	rddreg [dreg:$0x1]  }
0x2: {  	s2 =	rddreg [dreg:$0x2]  }
0x3: {  	s12 =	rddreg [dreg:$0x3]  }
0x4: {  	s5 =	simm.s32 $0x0;
	s0 =	srdreg.scid;
	s11 =	stileid.u32  }
0x5: {  	[smem:$0x7FF] =	sst s5;
	s0 =	sand.u32 $0x1, s0;
	s6 =	sadd.s32 $0x554200, s1  }
0x6: {  	s3 =	smul.u32 $0x271, s11;
	s7 =	sadd.s32 $0x54A400, s1;
	s29 =	sadd.s32 $0x54400, s1  }
0x7: {  	s30 =	sadd.s32 $0x40400, s1;
	s31 =	sadd.s32 $0x2C400, s1;
	s4 =	ssub.s32 $0x2, s0  }
0x8: {  	_ =	strace $0x80000047;
	p0 =	sne.s32 s0, $0x0;
	s8 =	sshrl.u32 s4, $0x1  }
0x9: {  	s9 =	sadd.s32 $0x50, s3;
	s15 =	sadd.s32 $0xA0, s3;
	s10 =	sadd.s32 $0xF0, s3  }
0xa: {  	s19 =	sadd.s32 $0x140, s3;
	s22 =	sadd.s32 $0x190, s3;
	s24 =	sadd.s32 $0x1E0, s3  }
0xb: {  	s3 =	sadd.s32 $0x230, s3;
	s4 =	ssub.s32 s4, s8;
	s13 =	sshll.u32 s9, $0x6  }
0xc: {  	s9 =	sshll.u32 s9, $0x4;
	s16 =	sshll.u32 s15, $0x6;
	s17 =	sshll.u32 s10, $0x6  }
0xd: {  	s18 =	sshll.u32 s10, $0x4;
	s20 =	sshll.u32 s19, $0x6;
	s8 =	sadd.s32 s13, s2  }
0xe: {  	s28 =	sshll.u32 s3, $0x6;
	s14 =	sadd.s32 s9, s12;
	[dreg:$0x5] =	wrdreg s8  }
0xf: {  	s3 =	sshll.u32 s3, $0x4;
	s9 =	sadd.s32 s16, s2;
	[dreg:$0x6] =	wrdreg s14  }
0x10: {  	s23 =	sshll.u32 s22, $0x6;
	s3 =	sadd.s32 s3, s12;
	[dreg:$0x7] =	wrdreg s9  }
0x11: {  	s16 =	sadd.s32 $0x86400, s1;
	s8 =	sshll.u32 s15, $0x4;
	[dreg:$0x12] =	wrdreg s3  }
0x12: {  	s9 =	sshll.u32 s19, $0x4;
	[dreg:$0x17] =	wrdreg s16;
	s8 =	sadd.s32 s8, s12  }
0x13: {  	s25 =	sshll.u32 s24, $0x6;
	s21 =	sadd.s32 s9, s12;
	[dreg:$0x8] =	wrdreg s8  }
0x14: {  	s26 =	sshll.u32 s24, $0x4;
	s9 =	sadd.s32 s23, s2;
	[dreg:$0xc] =	wrdreg s21  }
0x15: {  	s24 =	smul.u32 $0x4E200, s11;
	s8 =	sadd.s32 s17, s2;
	[dreg:$0xd] =	wrdreg s9  }
0x16: {  	s19 =	smul.u32 $0x4E20, s11;
	s9 =	sadd.s32 s28, s2;
	[dreg:$0x9] =	wrdreg s8  }
0x17: {  	s3 =	sadd.s32 $0x55E008, s1;
	s17 =	sadd.s32 $0x72400, s1;
	[dreg:$0x11] =	wrdreg s9  }
0x18: {  	s10 =	sshrl.u32 s19, $0x3;
	s21 =	sadd.s32 $0x68400, s1;
	[dreg:$0x18] =	wrdreg s17  }
0x19: {  	s23 =	sadd.s32 $0x50, s19;
	s28 =	smax.u32 s4, $0x1;
	[dreg:$0x1a] =	wrdreg s21  }
0x1a: {  	s4 =	simm.s32 $0x6;
	s8 =	sadd.s32 s18, s12;
	[smem:$0x7FD] =	sst s28  }
0x1b: {  	s13 =	sadd.s32 s6, s10;
	s0 =	sadd.s32 s7, s10;
	[dreg:$0xa] =	wrdreg s8  }
0x1c: {  	s14 =	sshrl.u32 s23, $0x3;
	s18 =	smul.u32 $0x9C40, s11;
	[dreg:$0x13] =	wrdreg s13  }
0x1d: {  	s17 =	simm.s32 $0x50;
	s8 =	sadd.s32 s20, s2;
	[dreg:$0x14] =	wrdreg s0  }
0x1e: {  	s10 =	simm.s32 $0x2;
	s15 =	sadd.s32 s6, s14;
	[dreg:$0xb] =	wrdreg s8  }
0x1f: {  	s21 =	simm.s32 $0x190;
	s0 =	sadd.s32 s7, s14;
	[dreg:$0x15] =	wrdreg s15  }
0x20: {  	s20 =	sadd.s32 $0x6D400, s1;
	s13 =	sadd.s32 $0xF0, s19;
	[dreg:$0x16] =	wrdreg s0  }
0x21: {  	s8 =	sshll.u32 s22, $0x4;
	[dreg:$0x19] =	wrdreg s20;
	s14 =	sadd.s32 s18, s2  }
0x22: {  	s0 =	sadd.s32 $0x55E000, s1;
	s8 =	sadd.s32 s8, s12;
	[dreg:$0x1b] =	wrdreg s14  }
0x23: {  	s22 =	smul.u32 $0x2710, s11;
	s1 =	sadd.s32 s0, s24;
	[dreg:$0xe] =	wrdreg s8  }
0x24: {  	s15 =	simm.s32 $0x8;
	s8 =	sadd.s32 s25, s2;
	[smem:$0x7FC] =	sst s1  }
0x25: {  	s20 =	simm.s32 $0xF0;
	s25 =	sshrl.u32 s22, $0x3;
	[dreg:$0xf] =	wrdreg s8  }
.Ltmp0:
0x26: {  	s16 =	sadd.s32 s22, s12;
	[dreg:$0x1e] =	wrdreg s25;
	(pc) =	sbr.rel .LBB2_1-.Ltmp0, $4  }
0x27: {  	s22 =	simm.s32 $0x0;
	s8 =	sadd.s32 s26, s12;
	[dreg:$0x1d] =	wrdreg s16  }
0x28: {  	s26 =	sadd.s32 s24, s3;
	s25 =	simm.s32 $0x1;
	[dreg:$0x10] =	wrdreg s8  }
0x29: {  	s12 =	simm.s32 $0x140;
	s8 =	sshrl.u32 s18, $0x3;
	[dreg:$0x1f] =	wrdreg s26  }
0x2a: {  	v0 =	vimm.f32 $0.0e+00;
	v1 =	vimm.f32 $1.000000000e+00;
	s18 =	simm.s32 $0xA0;
	s26 =	simm.s32 $0x4;
	[dreg:$0x1c] =	wrdreg s8  }
.LBB2_18:
0x2b: {  	s8 =	rddreg [dreg:$0x18]  }
0x2c: {  	s1 =	rddreg [dreg:$0x1a]  }
0x2d: {  	s14 =	rddreg [dreg:$0x1b]  }
0x2e: {  	s22 =	sld [smem:$0x7FB]  }
.LBB2_19:
0x2f: {  	s9 =	simm.s32 $0x5  }
0x30: {  	_ =	swait.ge [sflag:s9], $0x1400  }
0x31: {  	[sflag:s9] =	ssyncset.done $0x0  }
0x32: {  	[sflag:s9] =	ssyncadd.s32 $0xFFFFEC00  }
0x33: {  	_ =	swait.ge [sflag:s4], $0x1400  }
0x34: {  	[sflag:s4] =	ssyncset.done $0x0  }
0x35: {  	s11 =	simm.s32 $0x7;
	[sflag:s4] =	ssyncadd.s32 $0xFFFFEC00  }
0x36: {  	_ =	swait.ge [sflag:s11], $0x500  }
0x37: {  	s24 =	stileid.u32;
	s28 =	sshrl.u32 s14, $0x3;
	[sflag:s11] =	ssyncset.done $0x0  }
0x38: {  	s9 =	sshll.u32 s24, $0x6;
	s16 =	rddreg [dreg:$0x1c];
	[sflag:s11] =	ssyncadd.s32 $0xFFFFFB00  }
0x39: {  	s9 =	sor.u32 $0x1C08, s9;
	s8 =	sadd.s32 s8, s16;
	[bflag:$0x0] =	sbarrier.arrive $0xFFFF  }
0x3a: {  	[hbm:s8], [sflag:s9] =	dma.local [spmem:s28], $0x1388  }
0x3b: {  	_ =	swait.ge [sflag:s15], $0x1388  }
0x3c: {  	s16 =	rddreg [dreg:$0x1e]  }
0x3d: {  	[sflag:s15] =	ssyncset.done $0x0;
	s1 =	sadd.s32 s1, s16;
	s16 =	rddreg [dreg:$0x1d]  }
0x3e: {  	[sflag:s15] =	ssyncadd.s32 $0xFFFFEC78;
	s24 =	sshrl.u32 s16, $0x3  }
0x3f: {  	[hbm:s1], [sflag:s9] =	dma.local [spmem:s24], $0x4E2  }
0x40: {  	_ =	swait.ge [sflag:s15], $0x4E2  }
0x41: {  	s28 =	sld [smem:$0x7FD];
	_ =	sdelay $0x1  }
0x42: {  	s22 =	sadd.s32 $0x1, s22  }
0x43: {  	p1 =	sne.s32 s22, s28  }
.Ltmp1:
0x44: {  	_ = 	snop;
	(pc) =	sbr.rel @!p1 .LBB2_20-.Ltmp1, $3  }
0x45: {  	_ =	sdelay $0x1  }
0x46: {  	[sflag:s15] =	ssyncset.done $0x0  }
0x47: {  	[sflag:s15] =	ssyncadd.s32 $0xFFFFFB1E  }
.LBB2_1:
0x48: {  	s1 =	simm.s32 $0x3E00  }
0x49: {  	[tilespmem:s1+$0xFFFFFFE0] =	vst v0  }
0x4a: {  	[tilespmem:s1+$0x10] =	vst v0  }
0x4b: {  	[tilespmem:s1+$0x0] =	vst v0  }
0x4c: {  	[smem:$0x7FB] =	sst s22;
	s8 =	simm.s32 $0x40;
	s9 =	simm.s32 $0x0;
	[tilespmem:s1+$0xFFFFFFF0] =	vst v0  }
.LBB2_2:
0x4d: {  	p1 =	sne.s32 s8, $0x13C0  }
0x4e: {  	[tilespmem:s9+$0xA6E0] =	vst v0;
	s1 =	sadd.s32 $0x40, s1;
	s11 =	smov.u32 s8;
	s8 =	sadd.s32 $0x40, s8  }
.Ltmp2:
0x4f: {  	[tilespmem:s9+$0xA1E0] =	vst v1;
	(pc) =	sbr.rel @p1 .LBB2_2-.Ltmp2, $4  }
0x50: {  	[tilespmem:s1+$0xFFFFFFE0] =	vst v0  }
0x51: {  	[tilespmem:s1+$0x10] =	vst v0  }
0x52: {  	[tilespmem:s1+$0x0] =	vst v0  }
0x53: {  	s9 =	sshra.s32 s11, $0x2;
	[tilespmem:s1+$0xFFFFFFF0] =	vst v0  }
0x54: {  	[tilespmem:s9+$0xA6E0] =	vst v0  }
0x55: {  	[tilespmem:s9+$0xA1E0] =	vst v1;
	s8 =	simm.s32 $0x3DE0  }
0x56: {  	[spmem:s14] =	stream.linear.scatter [tilespmem:s8], [sflag:$0x8], $0x1400, $0x38;
	[tilespmem:$0x16F30] =	vst v63  }
0x57: {  	_ =	swait.ge [sflag:s15], $0x1400  }
0x58: {  	[sflag:s15] =	ssyncset.done $0x0  }
0x59: {  	s9 =	simm.s32 $0xA6E0;
	[sflag:s15] =	ssyncadd.s32 $0xFFFFEC00  }
0x5a: {  	[spmem:s16] =	stream.linear.scatter [tilespmem:s9], [sflag:$0x8], $0x500, $0x38;
	[tilespmem:$0x16F30] =	vst v63  }
0x5b: {  	_ =	swait.ge [sflag:s15], $0x500  }
0x5c: {  	[sflag:s15] =	ssyncset.done $0x0  }
0x5d: {  	s1 =	rddreg [dreg:$0x5];
	[sflag:s15] =	ssyncadd.s32 $0xFFFFFB00  }
0x5e: {  	[spmem:s1] =	stream.linear.scatter [tilespmem:s8], [sflag:$0x8], $0x1400, $0x38;
	[tilespmem:$0x16F30] =	vst v63  }
0x5f: {  	_ =	swait.ge [sflag:s15], $0x1400  }
0x60: {  	[sflag:s15] =	ssyncset.done $0x0  }
0x61: {  	s22 =	rddreg [dreg:$0x6];
	[sflag:s15] =	ssyncadd.s32 $0xFFFFEC00  }
0x62: {  	[spmem:s22] =	stream.linear.scatter [tilespmem:s9], [sflag:$0x8], $0x500, $0x38;
	[tilespmem:$0x16F30] =	vst v63  }
0x63: {  	_ =	swait.ge [sflag:s15], $0x500  }
0x64: {  	[sflag:s15] =	ssyncset.done $0x0  }
0x65: {  	s24 =	rddreg [dreg:$0x7];
	[sflag:s15] =	ssyncadd.s32 $0xFFFFFB00  }
0x66: {  	[spmem:s24] =	stream.linear.scatter [tilespmem:s8], [sflag:$0x8], $0x1400, $0x38;
	[tilespmem:$0x16F30] =	vst v63  }
0x67: {  	_ =	swait.ge [sflag:s15], $0x1400  }
0x68: {  	[sflag:s15] =	ssyncset.done $0x0  }
0x69: {  	s11 =	rddreg [dreg:$0x8];
	[sflag:s15] =	ssyncadd.s32 $0xFFFFEC00  }
0x6a: {  	[spmem:s11] =	stream.linear.scatter [tilespmem:s9], [sflag:$0x8], $0x500, $0x38;
	[tilespmem:$0x16F30] =	vst v63  }
0x6b: {  	_ =	swait.ge [sflag:s15], $0x500  }
0x6c: {  	[sflag:s15] =	ssyncset.done $0x0  }
0x6d: {  	s14 =	rddreg [dreg:$0x9];
	[sflag:s15] =	ssyncadd.s32 $0xFFFFFB00  }
0x6e: {  	[spmem:s14] =	stream.linear.scatter [tilespmem:s8], [sflag:$0x8], $0x1400, $0x38;
	[tilespmem:$0x16F30] =	vst v63  }
0x6f: {  	_ =	swait.ge [sflag:s15], $0x1400  }
0x70: {  	[sflag:s15] =	ssyncset.done $0x0  }
0x71: {  	s16 =	rddreg [dreg:$0xa];
	[sflag:s15] =	ssyncadd.s32 $0xFFFFEC00  }
0x72: {  	[spmem:s16] =	stream.linear.scatter [tilespmem:s9], [sflag:$0x8], $0x500, $0x38;
	[tilespmem:$0x16F30] =	vst v63  }
0x73: {  	_ =	swait.ge [sflag:s15], $0x500  }
0x74: {  	[sflag:s15] =	ssyncset.done $0x0  }
0x75: {  	s22 =	rddreg [dreg:$0xb];
	[sflag:s15] =	ssyncadd.s32 $0xFFFFFB00  }
0x76: {  	[spmem:s22] =	stream.linear.scatter [tilespmem:s8], [sflag:$0x8], $0x1400, $0x38;
	[tilespmem:$0x16F30] =	vst v63  }
0x77: {  	_ =	swait.ge [sflag:s15], $0x1400  }
0x78: {  	[sflag:s15] =	ssyncset.done $0x0  }
0x79: {  	s24 =	rddreg [dreg:$0xc];
	[sflag:s15] =	ssyncadd.s32 $0xFFFFEC00  }
0x7a: {  	[spmem:s24] =	stream.linear.scatter [tilespmem:s9], [sflag:$0x8], $0x500, $0x38;
	[tilespmem:$0x16F30] =	vst v63  }
0x7b: {  	_ =	swait.ge [sflag:s15], $0x500  }
0x7c: {  	[sflag:s15] =	ssyncset.done $0x0  }
0x7d: {  	s11 =	rddreg [dreg:$0xd];
	[sflag:s15] =	ssyncadd.s32 $0xFFFFFB00  }
0x7e: {  	[spmem:s11] =	stream.linear.scatter [tilespmem:s8], [sflag:$0x8], $0x1400, $0x38;
	[tilespmem:$0x16F30] =	vst v63  }
0x7f: {  	_ =	swait.ge [sflag:s15], $0x1400  }
0x80: {  	[sflag:s15] =	ssyncset.done $0x0  }
0x81: {  	s14 =	rddreg [dreg:$0xe];
	[sflag:s15] =	ssyncadd.s32 $0xFFFFEC00  }
0x82: {  	[spmem:s14] =	stream.linear.scatter [tilespmem:s9], [sflag:$0x8], $0x500, $0x38;
	[tilespmem:$0x16F30] =	vst v63  }
0x83: {  	_ =	swait.ge [sflag:s15], $0x500  }
0x84: {  	[sflag:s15] =	ssyncset.done $0x0  }
0x85: {  	s16 =	rddreg [dreg:$0xf];
	[sflag:s15] =	ssyncadd.s32 $0xFFFFFB00  }
0x86: {  	[spmem:s16] =	stream.linear.scatter [tilespmem:s8], [sflag:$0x8], $0x1400, $0x38;
	[tilespmem:$0x16F30] =	vst v63  }
0x87: {  	_ =	swait.ge [sflag:s15], $0x1400  }
0x88: {  	[sflag:s15] =	ssyncset.done $0x0  }
0x89: {  	s22 =	rddreg [dreg:$0x10];
	[sflag:s15] =	ssyncadd.s32 $0xFFFFEC00  }
0x8a: {  	[spmem:s22] =	stream.linear.scatter [tilespmem:s9], [sflag:$0x8], $0x500, $0x38;
	[tilespmem:$0x16F30] =	vst v63  }
0x8b: {  	_ =	swait.ge [sflag:s15], $0x500  }
0x8c: {  	[sflag:s15] =	ssyncset.done $0x0  }
0x8d: {  	s24 =	rddreg [dreg:$0x11];
	[sflag:s15] =	ssyncadd.s32 $0xFFFFFB00  }
0x8e: {  	[spmem:s24] =	stream.linear.scatter [tilespmem:s8], [sflag:$0x8], $0x1040, $0x38;
	[tilespmem:$0x16F30] =	vst v63  }
0x8f: {  	_ =	swait.ge [sflag:s15], $0x1040  }
0x90: {  	[sflag:s15] =	ssyncset.done $0x0  }
0x91: {  	s8 =	rddreg [dreg:$0x12];
	[sflag:s15] =	ssyncadd.s32 $0xFFFFEFC0  }
0x92: {  	[spmem:s8] =	stream.linear.scatter [tilespmem:s9], [sflag:$0x8], $0x410, $0x38;
	[tilespmem:$0x16F30] =	vst v63  }
0x93: {  	_ =	swait.ge [sflag:s15], $0x410  }
0x94: {  	[sflag:s15] =	ssyncset.done $0x0  }
0x95: {  	[sflag:s15] =	ssyncadd.s32 $0xFFFFFBF0  }
0x96: {  	[bflag:$0x0] =	sbarrier.arrive $0xFFFF  }
0x97: {  	s11 =	rddreg [dreg:$0x13]  }
0x98: {  	[tilespmem:s5], [sflag:$0x3] =	stream.linear.gather [hbm4b:s11+s5], $0x50, $0x38;
	[tilespmem:$0x16F30] =	vst v63  }
0x99: {  	s14 =	rddreg [dreg:$0x14]  }
0x9a: {  	[tilespmem:s17], [sflag:$0x3] =	stream.linear.gather [hbm4b:s14+s5], $0x50, $0x38;
	[tilespmem:$0x16F30] =	vst v63  }
0x9b: {  	s16 =	rddreg [dreg:$0x15]  }
0x9c: {  	[tilespmem:s18], [sflag:$0x4] =	stream.linear.gather [hbm4b:s16+s5], $0x50, $0x38;
	[tilespmem:$0x16F30] =	vst v63  }
0x9d: {  	s24 =	simm.s32 $0x3;
	s22 =	rddreg [dreg:$0x16]  }
0x9e: {  	[tilespmem:s20], [sflag:$0x4] =	stream.linear.gather [hbm4b:s22+s5], $0x50, $0x38;
	[tilespmem:$0x16F30] =	vst v63  }
0x9f: {  	_ =	swait.ge [sflag:s24], $0x50  }
.Ltmp3:
0xa0: {  	[sflag:s24] =	ssyncset.done $0x0;
	(pc) =	sbr.rel @p0 .LBB2_12-.Ltmp3, $4  }
0xa1: {  	[sflag:s24] =	ssyncadd.s32 $0xFFFFFFB0  }
0xa2: {  	_ =	swait.ge [sflag:s24], $0x50  }
0xa3: {  	[sflag:s24] =	ssyncset.done $0x0  }
0xa4: {  	s28 =	simm.s32 $0x0;
	[sflag:s24] =	ssyncadd.s32 $0xFFFFFFB0  }
0xa5: {  	s1 =	rddreg [dreg:$0x0];
	s8 =	simm.s32 $0x1E0  }
0xa6: {  	[tilespmem:s8], [sflag:$0x1] =	stream.indirect.gather [hbm4b:s1+s17], $0x40, s28, s17, $0xb8;
	[tilespmem:$0x16F30] =	vst v63  }
0xa7: {  	s16 =	simm.s32 $0x15E0;
	s22 =	sld [smem:$0x7FC]  }
0xa8: {  	[tilespmem:s16], [sflag:$0x1] =	stream.indirect.gather [hbm4b:s30+s17], $0x40, s17, s17, $0xb8;
	[tilespmem:$0x16F30] =	vst v63  }
0xa9: {  	s24 =	simm.s32 $0x40;
	s9 =	simm.s32 $0x80;
	s11 =	simm.s32 $0x29E0  }
0xaa: {  	[tilespmem:s11], [sflag:$0x1] =	stream.strided.gather [hbm4b:s22+s24], $0x1400, s9, s24, $0x38;
	[tilespmem:$0x16F30] =	vst v63  }
.LBB2_5:
0xab: {  	p1 =	seq.s32 s28, $0x0  }
0xac: {  	s1 =	simm.s32 @!p1 $0x5  }
0xad: {  	_ =	swait.ge @!p1 [sflag:s1], $0x1400  }
0xae: {  	[sflag:s1] =	ssyncset.done @!p1 $0x0  }
0xaf: {  	[sflag:s1] =	ssyncadd.s32 @!p1 $0xFFFFEC00;
	s1 =	simm.s32 @!p1 $0x7  }
0xb0: {  	_ =	swait.ge @!p1 [sflag:s1], $0x500  }
0xb1: {  	[sflag:s1] =	ssyncset.done @!p1 $0x0  }
0xb2: {  	[sflag:s1] =	ssyncadd.s32 @!p1 $0xFFFFFB00  }
0xb3: {  	_ =	swait.ge [sflag:s25], $0x1400  }
0xb4: {  	[sflag:s25] =	ssyncset.done $0x0  }
0xb5: {  	[sflag:s25] =	ssyncadd.s32 $0xFFFFEC00  }
0xb6: {  	_ =	swait.ge [sflag:s25], $0x1400  }
0xb7: {  	[sflag:s25] =	ssyncset.done $0x0  }
0xb8: {  	[sflag:s25] =	ssyncadd.s32 $0xFFFFEC00  }
0xb9: {  	_ =	swait.ge [sflag:s25], $0x1400  }
0xba: {  	[sflag:s25] =	ssyncset.done $0x0  }
0xbb: {  	[sflag:s25] =	ssyncadd.s32 $0xFFFFEC00  }
0xbc: {  	_ =	swait.ge [sflag:s26], $0x50  }
0xbd: {  	[sflag:s26] =	ssyncset.done $0x0  }
0xbe: {  	[sflag:s26] =	ssyncadd.s32 $0xFFFFFFB0  }
0xbf: {  	_ =	swait.ge [sflag:s26], $0x50  }
0xc0: {  	s9 =	smul.u32 $0xA0, s28;
	[sflag:s26] =	ssyncset.done $0x0  }
0xc1: {  	[sflag:s26] =	ssyncadd.s32 $0xFFFFFFB0  }
0xc2: {  	s8 =	simm.s32 $0x51E0;
	s22 =	sadd.s32 s9, s23;
	s14 =	rddreg [dreg:$0x0]  }
0xc3: {  	[tilespmem:s8], [sflag:$0x2] =	stream.indirect.gather [hbm4b:s14+s17], $0x40, s18, s17, $0xb8;
	[tilespmem:$0x16F30] =	vst v63  }
0xc4: {  	s16 =	simm.s32 $0x65E0;
	s24 =	simm.s32 $0x40;
	s1 =	sshll.u32 s22, $0x4  }
0xc5: {  	[tilespmem:s16], [sflag:$0x2] =	stream.indirect.gather [hbm4b:s30+s17], $0x40, s20, s17, $0xb8;
	[tilespmem:$0x16F30] =	vst v63  }
0xc6: {  	s11 =	simm.s32 $0x80;
	s1 =	sadd.s32 s0, s1;
	s14 =	simm.s32 $0x79E0  }
0xc7: {  	[tilespmem:s14], [sflag:$0x2] =	stream.strided.gather [hbm4b:s1+s24], $0x1400, s11, s24, $0x38;
	[tilespmem:$0x16F30] =	vst v63  }
0xc8: {  	s11 =	simm.s32 $0x0  }
0xc9: {  	v2 =	vld [tilespmem:s11+$0x210]  }
0xca: {  	v3 =	vld [tilespmem:s11+$0x1610]  }
0xcb: {  	v4 =	vld [tilespmem:s11+$0x1E0]  }
0xcc: {  	v5 =	vld [tilespmem:s11+$0x2A10]  }
0xcd: {  	v6 =	vld [tilespmem:s11+$0x15E0]  }
0xce: {  	v7 =	vld [tilespmem:s11+$0x1F0]  }
0xcf: {  	v8 =	vld [tilespmem:s11+$0x15F0]  }
0xd0: {  	v9 =	vld [tilespmem:s11+$0x200]  }
0xd1: {  	v10 =	vld [tilespmem:s11+$0x29E0];
	v2 =	vadd.f32 v3, v2  }
0xd2: {  	s8 =	simm.s32 $0x40;
	v11 =	vld [tilespmem:s11+$0x2A00]  }
0xd3: {  	v12 =	vld [tilespmem:s8+$0x210];
	v2 =	vadd.f32 v5, v2  }
0xd4: {  	v3 =	vld [tilespmem:s11+$0x1600]  }
0xd5: {  	v5 =	vld [tilespmem:s11+$0x29F0];
	v2 =	vsub.f32 $0.0e+00, v2  }
0xd6: {  	v13 =	vld [tilespmem:s8+$0x1610]  }
0xd7: {  	v14 =	vld [tilespmem:s8+$0x1E0];
	v4 =	vadd.f32 v6, v4;
	v2 =	vmul.f32 $1.442695020e+00, v2  }
0xd8: {  	v15 =	vld [tilespmem:s8+$0x2A10];
	v6 =	vadd.f32 v8, v7  }
0xd9: {  	v55 =	vld [tilespmem:s8+$0x29F0];
	v4 =	vadd.f32 v10, v4;
	(erf) = vpow2.f32 v2  }
0xda: {  	v7 =	vld [tilespmem:s8+$0x1F0];
	v3 =	vadd.f32 v3, v9;
	v5 =	vadd.f32 v5, v6  }
0xdb: {  	v8 =	vld [tilespmem:s8+$0x15F0];
	v4 =	vsub.f32 $0.0e+00, v4;
	v6 =	vadd.f32 v13, v12  }
0xdc: {  	v3 =	vadd.f32 v11, v3;
	v2 =	vld [tilespmem:s8+$0x15E0];
	v5 =	vsub.f32 $0.0e+00, v5  }
0xdd: {  	v10 =	vld [tilespmem:s8+$0x1600];
	v4 =	vmul.f32 $1.442695020e+00, v4  }
0xde: {  	v9 =	vld [tilespmem:s8+$0x200];
	v6 =	vadd.f32 v15, v6;
	v3 =	vsub.f32 $0.0e+00, v3;
	v5 =	vmul.f32 $1.442695020e+00, v5  }
0xdf: {  	v11 =	vld [tilespmem:s8+$0x29E0]  }
0xe0: {  	v56 =	vld [tilespmem:s8+$0x2A00];
	(erf) = vpow2.f32 v4;
	v6 =	vsub.f32 $0.0e+00, v6;
	v3 =	vmul.f32 $1.442695020e+00, v3  }
0xe1: {  	s16 =	simm.s32 $0x80;
	v2 =	vadd.f32 v2, v14;
	(erf) = vpow2.f32 v5  }
0xe2: {  	v57 =	vld [tilespmem:s16+$0x1610];
	v6 =	vmul.f32 $1.442695020e+00, v6;
	(erf) = vpow2.f32 v3;
	v3 =	vadd.f32 v8, v7;
	v5 =	vpop (erf)  }
0xe3: {  	v4 =	vld [tilespmem:s16+$0x210];
	v8 =	vadd.f32 v10, v9;
	v5 =	vadd.f32 $1.000000000e+00, v5  }
0xe4: {  	v59 =	vld [tilespmem:s16+$0x1600];
	v2 =	vadd.f32 v11, v2;
	(erf) = vpow2.f32 v6  }
0xe5: {  	v6 =	vld [tilespmem:s16+$0x2A10];
	v3 =	vadd.f32 v55, v3;
	v8 =	vadd.f32 v56, v8;
	(erf) = vrcp.f32 v5  }
0xe6: {  	v7 =	vld [tilespmem:s16+$0x1E0];
	v2 =	vsub.f32 $0.0e+00, v2  }
0xe7: {  	v9 =	vld [tilespmem:s16+$0x1F0];
	v3 =	vsub.f32 $0.0e+00, v3;
	v8 =	vsub.f32 $0.0e+00, v8  }
0xe8: {  	v4 =	vadd.f32 v57, v4;
	v2 =	vmul.f32 $1.442695020e+00, v2;
	v5 =	vld [tilespmem:s16+$0x15E0]  }
0xe9: {  	v10 =	vld [tilespmem:s16+$0x15F0];
	v58 =	vmul.f32 $1.442695020e+00, v3  }
0xea: {  	v11 =	vld [tilespmem:s16+$0x200];
	v60 =	vpop (erf);
	v4 =	vadd.f32 v6, v4;
	v6 =	vmul.f32 $1.442695020e+00, v8;
	(erf) = vpow2.f32 v2  }
0xeb: {  	v14 =	vadd.f32 $1.000000000e+00, v60;
	v3 =	vld [tilespmem:s16+$0x29E0];
	v8 =	vpop (erf);
	(erf) = vpow2.f32 v58  }
0xec: {  	v2 =	vld [tilespmem:s16+$0x29F0];
	v62 =	vsub.f32 $0.0e+00, v4;
	v8 =	vadd.f32 $1.000000000e+00, v8;
	v61 =	vpop (erf);
	(erf) = vpow2.f32 v6  }
0xed: {  	s24 =	simm.s32 $0xC0;
	v4 =	vld [tilespmem:s16+$0x2A00];
	v12 =	vadd.f32 $1.000000000e+00, v61;
	v16 =	vpop (erf);
	(erf) = vrcp.f32 v14;
	v6 =	vadd.f32 v5, v7  }
0xee: {  	v5 =	vld [tilespmem:s24+$0x210];
	v7 =	vadd.f32 v10, v9;
	v9 =	vmul.f32 $1.442695020e+00, v62;
	(erf) = vrcp.f32 v8;
	v63 =	vpop (erf)  }
0xef: {  	s22 =	sshll.u32 s28, $0x1;
	s1 =	simm.s32 $0x400;
	v8 =	vld [tilespmem:s24+$0x1610];
	v10 =	vadd.f32 v59, v11;
	v11 =	vadd.f32 $1.000000000e+00, v16;
	(erf) = vrcp.f32 v12;
	[tilespmem:s11+$0x3E10] =	vst v63  }
.LBB2_6:
0xf0: {  	p1 =	sne.s32 s1, $0x4F00;
	v12 =	vld [tilespmem:s24+$0x1E0];
	v3 =	vadd.f32 v3, v6;
	(erf) = vpow2.f32 v9  }
0xf1: {  	v6 =	vld [tilespmem:s24+$0x2A10];
	v2 =	vadd.f32 v2, v7;
	(erf) = vrcp.f32 v11  }
0xf2: {  	v7 =	vld [tilespmem:s24+$0x15E0];
	v3 =	vsub.f32 $0.0e+00, v3;
	v4 =	vadd.f32 v4, v10  }
0xf3: {  	v9 =	vld [tilespmem:s24+$0x1F0];
	v2 =	vsub.f32 $0.0e+00, v2;
	v10 =	vpop (erf)  }
0xf4: {  	v11 =	vld [tilespmem:s24+$0x15F0];
	v5 =	vadd.f32 v8, v5;
	v3 =	vmul.f32 $1.442695020e+00, v3;
	v4 =	vsub.f32 $0.0e+00, v4;
	v8 =	vpop (erf)  }
0xf5: {  	v10 =	vadd.f32 $1.000000000e+00, v10;
	v13 =	vld [tilespmem:s24+$0x200];
	v2 =	vmul.f32 $1.442695020e+00, v2;
	v8 =	vadd.f32 $1.000000000e+00, v8;
	v14 =	vpop (erf)  }
0xf6: {  	v15 =	vld [tilespmem:s24+$0x1600];
	v17 =	vadd.f32 v6, v5;
	v4 =	vmul.f32 $1.442695020e+00, v4;
	(erf) = vpow2.f32 v3;
	v16 =	vpop (erf)  }
.Ltmp4:
0xf7: {  	v6 =	vadd.f32 v7, v12;
	v3 =	vld [tilespmem:s24+$0x29E0];
	(erf) = vpow2.f32 v2;
	v12 =	vadd.f32 $1.000000000e+00, v14;
	[tilespmem:s11+$0x3DE0] =	vst v16;
	v7 =	vpop (erf);
	(pc) =	sbr.rel @p1 .LBB2_6-.Ltmp4, $4  }
0xf8: {  	v2 =	vld [tilespmem:s24+$0x29F0];
	v16 =	vsub.f32 $0.0e+00, v17;
	(erf) = vpow2.f32 v4;
	[tilespmem:s11+$0x3DF0] =	vst v7;
	v5 =	vpop (erf)  }
0xf9: {  	s14 =	sshra.s32 s1, $0x2;
	v7 =	vadd.f32 v11, v9;
	v4 =	vld [tilespmem:s24+$0x2A00];
	v11 =	vpop (erf);
	(erf) = vrcp.f32 v10;
	[tilespmem:s11+$0x3E00] =	vst v5;
	s11 =	smov.u32 s8;
	s8 =	smov.u32 s16  }
0xfa: {  	s16 =	smov.u32 s24;
	s24 =	smov.u32 s14;
	v5 =	vld [tilespmem:s14+$0x210];
	v9 =	vmul.f32 $1.442695020e+00, v16;
	(erf) = vrcp.f32 v8;
	v14 =	vpop (erf)  }
0xfb: {  	s1 =	sadd.s32 $0x100, s1;
	v11 =	vadd.f32 $1.000000000e+00, v11;
	v8 =	vld [tilespmem:s24+$0x1610];
	v10 =	vadd.f32 v15, v13;
	[tilespmem:s11+$0x3E10] =	vst v14;
	(erf) = vrcp.f32 v12  }
0xfc: {  	v12 =	vld [tilespmem:s24+$0x1E0]  }
0xfd: {  	v13 =	vld [tilespmem:s24+$0x2A10]  }
0xfe: {  	v14 =	vld [tilespmem:s24+$0x15E0];
	v3 =	vadd.f32 v3, v6  }
0xff: {  	v15 =	vld [tilespmem:s24+$0x1F0];
	v2 =	vadd.f32 v2, v7;
	v6 =	vpop (erf)  }
0x100: {  	v16 =	vld [tilespmem:s24+$0x15F0];
	v3 =	vsub.f32 $0.0e+00, v3;
	v17 =	vpop (erf)  }
0x101: {  	v18 =	vld [tilespmem:s24+$0x200];
	(erf) = vpow2.f32 v9;
	v2 =	vsub.f32 $0.0e+00, v2;
	v19 =	vpop (erf)  }
0x102: {  	v20 =	vld [tilespmem:s24+$0x1600];
	v4 =	vadd.f32 v4, v10;
	v5 =	vadd.f32 v8, v5;
	v3 =	vmul.f32 $1.442695020e+00, v3;
	v7 =	vpop (erf)  }
0x103: {  	v9 =	vld [tilespmem:s24+$0x29E0];
	(erf) = vrcp.f32 v11;
	v2 =	vmul.f32 $1.442695020e+00, v2;
	[tilespmem:s11+$0x3DE0] =	vst v7;
	v7 =	vpop (erf)  }
0x104: {  	v5 =	vadd.f32 v13, v5;
	(erf) = vpow2.f32 v3;
	v3 =	vsub.f32 $0.0e+00, v4;
	v8 =	vld [tilespmem:s24+$0x29F0];
	[tilespmem:s11+$0x3DF0] =	vst v7  }
0x105: {  	v4 =	vadd.f32 $1.000000000e+00, v6;
	v6 =	vadd.f32 v14, v12;
	(erf) = vpow2.f32 v2;
	v7 =	vld [tilespmem:s24+$0x2A00]  }
0x106: {  	v3 =	vmul.f32 $1.442695020e+00, v3;
	v2 =	vsub.f32 $0.0e+00, v5;
	v5 =	vadd.f32 v16, v15  }
0x107: {  	v10 =	vadd.f32 $1.000000000e+00, v17;
	v11 =	vadd.f32 $1.000000000e+00, v19  }
0x108: {  	v6 =	vadd.f32 v9, v6;
	(erf) = vpow2.f32 v3;
	v3 =	vadd.f32 v20, v18  }
0x109: {  	v9 =	vpop (erf);
	v2 =	vmul.f32 $1.442695020e+00, v2;
	(erf) = vrcp.f32 v4;
	v4 =	vadd.f32 v8, v5  }
0x10a: {  	v6 =	vsub.f32 $0.0e+00, v6;
	(erf) = vrcp.f32 v10;
	v5 =	vpop (erf);
	v3 =	vadd.f32 v7, v3  }
0x10b: {  	(erf) = vrcp.f32 v11;
	v5 =	vadd.f32 $1.000000000e+00, v5;
	v4 =	vsub.f32 $0.0e+00, v4  }
0x10c: {  	(erf) = vpow2.f32 v2;
	v2 =	vmul.f32 $1.442695020e+00, v6;
	v3 =	vsub.f32 $0.0e+00, v3  }
0x10d: {  	v4 =	vmul.f32 $1.442695020e+00, v4  }
0x10e: {  	v3 =	vmul.f32 $1.442695020e+00, v3  }
0x10f: {  	(erf) = vrcp.f32 v5;
	v5 =	vpop (erf)  }
0x110: {  	(erf) = vpow2.f32 v2;
	v2 =	vpop (erf)  }
0x111: {  	(erf) = vpow2.f32 v4;
	v4 =	vpop (erf)  }
0x112: {  	(erf) = vpow2.f32 v3;
	v3 =	vpop (erf)  }
0x113: {  	v6 =	vpop (erf)  }
0x114: {  	v2 =	vadd.f32 $1.000000000e+00, v2;
	v7 =	vpop (erf)  }
0x115: {  	v4 =	vadd.f32 $1.000000000e+00, v4;
	v8 =	vpop (erf)  }
0x116: {  	v3 =	vadd.f32 $1.000000000e+00, v3;
	(erf) = vrcp.f32 v2;
	v10 =	vpop (erf)  }
0x117: {  	(erf) = vrcp.f32 v4;
	v4 =	vadd.f32 $1.000000000e+00, v10  }
0x118: {  	v2 =	vpop (erf)  }
0x119: {  	v10 =	vpop (erf)  }
0x11a: {  	(erf) = vrcp.f32 v3;
	v3 =	vpop (erf);
	v10 =	vadd.f32 $1.000000000e+00, v10  }
0x11b: {  	(erf) = vrcp.f32 v4;
	v3 =	vadd.f32 $1.000000000e+00, v3;
	v4 =	vpop (erf)  }
0x11c: {  	[tilespmem:s11+$0x3E00] =	vst v9;
	(erf) = vrcp.f32 v10;
	v4 =	vadd.f32 $1.000000000e+00, v4  }
0x11d: {  	[tilespmem:s8+$0x3E10] =	vst v5;
	(erf) = vrcp.f32 v3  }
0x11e: {  	[tilespmem:s8+$0x3DE0] =	vst v6;
	(erf) = vrcp.f32 v4  }
0x11f: {  	[tilespmem:s8+$0x3DF0] =	vst v7  }
0x120: {  	[tilespmem:s8+$0x3E00] =	vst v8  }
0x121: {  	[tilespmem:s16+$0x3E10] =	vst v2;
	v2 =	vpop (erf)  }
0x122: {  	[tilespmem:s16+$0x3DE0] =	vst v2;
	v2 =	vpop (erf)  }
0x123: {  	[tilespmem:s16+$0x3DF0] =	vst v2;
	v2 =	vpop (erf)  }
0x124: {  	[tilespmem:s16+$0x3E00] =	vst v2;
	v2 =	vpop (erf)  }
0x125: {  	[tilespmem:s24+$0x3E10] =	vst v2;
	v2 =	vpop (erf)  }
0x126: {  	[tilespmem:s24+$0x3DE0] =	vst v2;
	v2 =	vpop (erf)  }
0x127: {  	[tilespmem:s24+$0x3DF0] =	vst v2;
	v2 =	vpop (erf)  }
0x128: {  	[tilespmem:s24+$0x3E00] =	vst v2  }
0x129: {  	v2 =	vld [tilespmem:$0x0]  }
0x12a: {  	v3 =	vld [tilespmem:$0x10]  }
0x12b: {  	v4 =	vld [tilespmem:$0x20]  }
0x12c: {  	v5 =	vld [tilespmem:$0x30]  }
0x12d: {  	v6 =	vld [tilespmem:$0x40]  }
0x12e: {  	[tilespmem:$0x140] =	vst v2  }
0x12f: {  	[tilespmem:$0x150] =	vst v3  }
0x130: {  	[tilespmem:$0x160] =	vst v4  }
0x131: {  	[tilespmem:$0x170] =	vst v5  }
0x132: {  	s1 =	simm.s32 $0x3DE0;
	[tilespmem:$0x180] =	vst v6  }
0x133: {  	[spmem:s2] =	stream.indirect.scatter.add.f32 [tilespmem:s1], [sflag:$0x5], $0x40, s12, s17, $0xb8;
	[tilespmem:$0x16F30] =	vst v63  }
0x134: {  	p1 =	seq.s32 s28, $0x7C;
	s1 =	sadd.s32 $0x2, s22  }
0x135: {  	s24 =	simm.s32 $0xA1E0;
	s22 =	rddreg [dreg:$0x3];
	s1 =	smul.u32 @!p1 $0x50, s1  }
0x136: {  	[spmem:s22] =	stream.indirect.scatter.add.f32 [tilespmem:s24], [sflag:$0x7], $0x10, s12, s17, $0xb8;
	[tilespmem:$0x16F30] =	vst v63  }
0x137: {  	s1 =	sadd.s32 @!p1 s19, s1  }
0x138: {  	s11 =	sshrl.u32 @!p1 s1, $0x3  }
0x139: {  	p2 =	seq.s32 @!p1 s28, $0x0;
	s8 =	simm.s32 @!p1 $0x0;
	s14 =	sadd.s32 @!p1 s6, s11  }
0x13a: {  	[tilespmem:s8], [sflag:$0x3] =	stream.linear.gather @!p1 [hbm4b:s14+s8], $0x50, $0x38;
	[tilespmem:$0x16F30] =	vst v63  }
0x13b: {  	p2 =	por p1, !p2;
	s14 =	sadd.s32 @!p1 s7, s11;
	s11 =	simm.s32 @!p1 $0x50  }
0x13c: {  	[tilespmem:s11], [sflag:$0x3] =	stream.linear.gather @!p1 [hbm4b:s14+s8], $0x50, $0x38;
	[tilespmem:$0x16F30] =	vst v63  }
0x13d: {  	_ =	swait.ge @p2 [sflag:s4], $0x1400  }
0x13e: {  	[sflag:s4] =	ssyncset.done @p2 $0x0  }
0x13f: {  	[sflag:s4] =	ssyncadd.s32 @p2 $0xFFFFEC00  }
0x140: {  	_ =	swait.ge [sflag:s10], $0x1400  }
0x141: {  	[sflag:s10] =	ssyncset.done $0x0  }
0x142: {  	[sflag:s10] =	ssyncadd.s32 $0xFFFFEC00  }
0x143: {  	_ =	swait.ge [sflag:s10], $0x1400  }
0x144: {  	[sflag:s10] =	ssyncset.done $0x0  }
0x145: {  	[sflag:s10] =	ssyncadd.s32 $0xFFFFEC00  }
0x146: {  	_ =	swait.ge [sflag:s10], $0x1400  }
0x147: {  	[sflag:s10] =	ssyncset.done $0x0  }
0x148: {  	s14 =	simm.s32 @!p1 $0x3;
	[sflag:s10] =	ssyncadd.s32 $0xFFFFEC00  }
0x149: {  	_ =	swait.ge @!p1 [sflag:s14], $0x50  }
0x14a: {  	[sflag:s14] =	ssyncset.done @!p1 $0x0  }
0x14b: {  	[sflag:s14] =	ssyncadd.s32 @!p1 $0xFFFFFFB0  }
0x14c: {  	_ =	swait.ge @!p1 [sflag:s14], $0x50  }
0x14d: {  	[sflag:s14] =	ssyncset.done @!p1 $0x0  }
0x14e: {  	[sflag:s14] =	ssyncadd.s32 @!p1 $0xFFFFFFB0  }
0x14f: {  	s1 =	sshll.u32 @!p1 s1, $0x4;
	s14 =	simm.s32 @!p1 $0x1E0;
	s16 =	rddreg [dreg:$0x0]  }
0x150: {  	[tilespmem:s14], [sflag:$0x1] =	stream.indirect.gather @!p1 [hbm4b:s16+s11], $0x40, s8, s11, $0xb8;
	[tilespmem:$0x16F30] =	vst v63  }
0x151: {  	s1 =	sadd.s32 @!p1 s0, s1;
	s8 =	simm.s32 @!p1 $0x15E0  }
0x152: {  	[tilespmem:s8], [sflag:$0x1] =	stream.indirect.gather @!p1 [hbm4b:s30+s11], $0x40, s11, s11, $0xb8;
	[tilespmem:$0x16F30] =	vst v63  }
0x153: {  	s14 =	simm.s32 @!p1 $0x29E0;
	s8 =	simm.s32 @!p1 $0x40;
	s11 =	simm.s32 @!p1 $0x80  }
0x154: {  	[tilespmem:s14], [sflag:$0x1] =	stream.strided.gather @!p1 [hbm4b:s1+s8], $0x1400, s11, s8, $0x38;
	[tilespmem:$0x16F30] =	vst v63  }
0x155: {  	s11 =	simm.s32 $0x0  }
0x156: {  	v2 =	vld [tilespmem:s11+$0x5210]  }
0x157: {  	v3 =	vld [tilespmem:s11+$0x6610]  }
0x158: {  	v4 =	vld [tilespmem:s11+$0x51E0]  }
0x159: {  	v5 =	vld [tilespmem:s11+$0x7A10]  }
0x15a: {  	v6 =	vld [tilespmem:s11+$0x65E0]  }
0x15b: {  	v7 =	vld [tilespmem:s11+$0x51F0]  }
0x15c: {  	v8 =	vld [tilespmem:s11+$0x65F0]  }
0x15d: {  	v9 =	vld [tilespmem:s11+$0x5200]  }
0x15e: {  	v10 =	vld [tilespmem:s11+$0x79E0];
	v2 =	vadd.f32 v3, v2  }
0x15f: {  	s8 =	simm.s32 $0x40;
	v11 =	vld [tilespmem:s11+$0x7A00]  }
0x160: {  	v50 =	vld [tilespmem:s8+$0x5210];
	v2 =	vadd.f32 v5, v2  }
0x161: {  	v3 =	vld [tilespmem:s11+$0x6600]  }
0x162: {  	v5 =	vld [tilespmem:s11+$0x79F0];
	v2 =	vsub.f32 $0.0e+00, v2  }
0x163: {  	v51 =	vld [tilespmem:s8+$0x6610]  }
0x164: {  	v52 =	vld [tilespmem:s8+$0x51E0];
	v4 =	vadd.f32 v6, v4;
	v2 =	vmul.f32 $1.442695020e+00, v2  }
0x165: {  	v53 =	vld [tilespmem:s8+$0x7A10];
	v6 =	vadd.f32 v8, v7  }
0x166: {  	v54 =	vld [tilespmem:s8+$0x79F0];
	v4 =	vadd.f32 v10, v4;
	(erf) = vpow2.f32 v2  }
0x167: {  	v7 =	vld [tilespmem:s8+$0x51F0];
	v3 =	vadd.f32 v3, v9;
	v5 =	vadd.f32 v5, v6  }
0x168: {  	v8 =	vld [tilespmem:s8+$0x65F0];
	v4 =	vsub.f32 $0.0e+00, v4;
	v6 =	vadd.f32 v51, v50  }
0x169: {  	v3 =	vadd.f32 v11, v3;
	v2 =	vld [tilespmem:s8+$0x65E0];
	v5 =	vsub.f32 $0.0e+00, v5  }
0x16a: {  	v10 =	vld [tilespmem:s8+$0x6600];
	v4 =	vmul.f32 $1.442695020e+00, v4  }
0x16b: {  	v9 =	vld [tilespmem:s8+$0x5200];
	v6 =	vadd.f32 v53, v6;
	v3 =	vsub.f32 $0.0e+00, v3;
	v5 =	vmul.f32 $1.442695020e+00, v5  }
0x16c: {  	v11 =	vld [tilespmem:s8+$0x79E0]  }
0x16d: {  	v55 =	vld [tilespmem:s8+$0x7A00];
	(erf) = vpow2.f32 v4;
	v6 =	vsub.f32 $0.0e+00, v6;
	v3 =	vmul.f32 $1.442695020e+00, v3  }
0x16e: {  	s16 =	simm.s32 $0x80;
	v2 =	vadd.f32 v2, v52;
	(erf) = vpow2.f32 v5  }
0x16f: {  	v56 =	vld [tilespmem:s16+$0x6610];
	v6 =	vmul.f32 $1.442695020e+00, v6;
	(erf) = vpow2.f32 v3;
	v3 =	vadd.f32 v8, v7;
	v5 =	vpop (erf)  }
0x170: {  	v4 =	vld [tilespmem:s16+$0x5210];
	v8 =	vadd.f32 v10, v9;
	v5 =	vadd.f32 $1.000000000e+00, v5  }
0x171: {  	v58 =	vld [tilespmem:s16+$0x6600];
	v2 =	vadd.f32 v11, v2;
	(erf) = vpow2.f32 v6  }
0x172: {  	v6 =	vld [tilespmem:s16+$0x7A10];
	v3 =	vadd.f32 v54, v3;
	v8 =	vadd.f32 v55, v8;
	(erf) = vrcp.f32 v5  }
0x173: {  	v7 =	vld [tilespmem:s16+$0x51E0];
	v2 =	vsub.f32 $0.0e+00, v2  }
0x174: {  	v9 =	vld [tilespmem:s16+$0x51F0];
	v3 =	vsub.f32 $0.0e+00, v3;
	v8 =	vsub.f32 $0.0e+00, v8  }
0x175: {  	v4 =	vadd.f32 v56, v4;
	v2 =	vmul.f32 $1.442695020e+00, v2;
	v5 =	vld [tilespmem:s16+$0x65E0]  }
0x176: {  	v10 =	vld [tilespmem:s16+$0x65F0];
	v57 =	vmul.f32 $1.442695020e+00, v3  }
0x177: {  	v11 =	vld [tilespmem:s16+$0x5200];
	v59 =	vpop (erf);
	v4 =	vadd.f32 v6, v4;
	v6 =	vmul.f32 $1.442695020e+00, v8;
	(erf) = vpow2.f32 v2  }
0x178: {  	v14 =	vadd.f32 $1.000000000e+00, v59;
	v3 =	vld [tilespmem:s16+$0x79E0];
	v8 =	vpop (erf);
	(erf) = vpow2.f32 v57  }
0x179: {  	v2 =	vld [tilespmem:s16+$0x79F0];
	v61 =	vsub.f32 $0.0e+00, v4;
	v8 =	vadd.f32 $1.000000000e+00, v8;
	v60 =	vpop (erf);
	(erf) = vpow2.f32 v6  }
0x17a: {  	s22 =	simm.s32 $0xC0;
	v4 =	vld [tilespmem:s16+$0x7A00];
	v12 =	vadd.f32 $1.000000000e+00, v60;
	v62 =	vpop (erf);
	(erf) = vrcp.f32 v14;
	v6 =	vadd.f32 v5, v7  }
0x17b: {  	v5 =	vld [tilespmem:s22+$0x5210];
	v7 =	vadd.f32 v10, v9;
	v9 =	vmul.f32 $1.442695020e+00, v61;
	(erf) = vrcp.f32 v8;
	v63 =	vpop (erf)  }
0x17c: {  	s1 =	simm.s32 $0x400;
	v8 =	vld [tilespmem:s22+$0x6610];
	v10 =	vadd.f32 v58, v11;
	v11 =	vadd.f32 $1.000000000e+00, v62;
	(erf) = vrcp.f32 v12;
	[tilespmem:s11+$0x8E10] =	vst v63  }
.LBB2_8:
0x17d: {  	p2 =	sne.s32 s1, $0x4F00;
	v12 =	vld [tilespmem:s22+$0x51E0];
	v3 =	vadd.f32 v3, v6;
	(erf) = vpow2.f32 v9  }
0x17e: {  	v6 =	vld [tilespmem:s22+$0x7A10];
	v2 =	vadd.f32 v2, v7;
	(erf) = vrcp.f32 v11  }
0x17f: {  	v7 =	vld [tilespmem:s22+$0x65E0];
	v3 =	vsub.f32 $0.0e+00, v3;
	v4 =	vadd.f32 v4, v10  }
0x180: {  	v9 =	vld [tilespmem:s22+$0x51F0];
	v2 =	vsub.f32 $0.0e+00, v2;
	v10 =	vpop (erf)  }
0x181: {  	v11 =	vld [tilespmem:s22+$0x65F0];
	v5 =	vadd.f32 v8, v5;
	v3 =	vmul.f32 $1.442695020e+00, v3;
	v4 =	vsub.f32 $0.0e+00, v4;
	v8 =	vpop (erf)  }
0x182: {  	v10 =	vadd.f32 $1.000000000e+00, v10;
	v13 =	vld [tilespmem:s22+$0x5200];
	v2 =	vmul.f32 $1.442695020e+00, v2;
	v8 =	vadd.f32 $1.000000000e+00, v8;
	v14 =	vpop (erf)  }
0x183: {  	v15 =	vld [tilespmem:s22+$0x6600];
	v17 =	vadd.f32 v6, v5;
	v4 =	vmul.f32 $1.442695020e+00, v4;
	(erf) = vpow2.f32 v3;
	v16 =	vpop (erf)  }
.Ltmp5:
0x184: {  	v6 =	vadd.f32 v7, v12;
	v3 =	vld [tilespmem:s22+$0x79E0];
	(erf) = vpow2.f32 v2;
	v12 =	vadd.f32 $1.000000000e+00, v14;
	[tilespmem:s11+$0x8DE0] =	vst v16;
	v7 =	vpop (erf);
	(pc) =	sbr.rel @p2 .LBB2_8-.Ltmp5, $4  }
0x185: {  	v2 =	vld [tilespmem:s22+$0x79F0];
	v16 =	vsub.f32 $0.0e+00, v17;
	(erf) = vpow2.f32 v4;
	[tilespmem:s11+$0x8DF0] =	vst v7;
	v5 =	vpop (erf)  }
0x186: {  	s14 =	sshra.s32 s1, $0x2;
	v7 =	vadd.f32 v11, v9;
	v4 =	vld [tilespmem:s22+$0x7A00];
	v11 =	vpop (erf);
	(erf) = vrcp.f32 v10;
	[tilespmem:s11+$0x8E00] =	vst v5;
	s11 =	smov.u32 s8;
	s8 =	smov.u32 s16  }
0x187: {  	s16 =	smov.u32 s22;
	s22 =	smov.u32 s14;
	v5 =	vld [tilespmem:s14+$0x5210];
	v9 =	vmul.f32 $1.442695020e+00, v16;
	(erf) = vrcp.f32 v8;
	v14 =	vpop (erf)  }
0x188: {  	s1 =	sadd.s32 $0x100, s1;
	v11 =	vadd.f32 $1.000000000e+00, v11;
	v8 =	vld [tilespmem:s22+$0x6610];
	v10 =	vadd.f32 v15, v13;
	[tilespmem:s11+$0x8E10] =	vst v14;
	(erf) = vrcp.f32 v12  }
0x189: {  	v12 =	vld [tilespmem:s22+$0x51E0]  }
0x18a: {  	v13 =	vld [tilespmem:s22+$0x7A10];
	v3 =	vadd.f32 v3, v6  }
0x18b: {  	v14 =	vld [tilespmem:s22+$0x65E0]  }
0x18c: {  	v15 =	vld [tilespmem:s22+$0x51F0];
	v3 =	vsub.f32 $0.0e+00, v3;
	v41 =	vpop (erf)  }
0x18d: {  	v16 =	vld [tilespmem:s22+$0x65F0];
	v2 =	vadd.f32 v2, v7;
	v17 =	vpop (erf)  }
0x18e: {  	v18 =	vld [tilespmem:s22+$0x5200];
	(erf) = vpow2.f32 v9;
	v4 =	vadd.f32 v4, v10;
	v3 =	vmul.f32 $1.442695020e+00, v3;
	v19 =	vpop (erf)  }
0x18f: {  	v43 =	vld [tilespmem:s22+$0x79E0];
	v2 =	vsub.f32 $0.0e+00, v2;
	(erf) = vrcp.f32 v11;
	v42 =	vpop (erf)  }
0x190: {  	v20 =	vld [tilespmem:s22+$0x6600];
	v5 =	vadd.f32 v8, v5;
	(erf) = vpow2.f32 v3;
	v3 =	vsub.f32 $0.0e+00, v4;
	[tilespmem:s11+$0x8DE0] =	vst v42;
	v44 =	vpop (erf)  }
0x191: {  	v46 =	vadd.f32 $1.000000000e+00, v41;
	v2 =	vmul.f32 $1.442695020e+00, v2;
	v45 =	vld [tilespmem:s22+$0x79F0];
	[tilespmem:s11+$0x8DF0] =	vst v44  }
0x192: {  	v47 =	vadd.f32 v14, v12;
	v5 =	vadd.f32 v13, v5;
	v3 =	vmul.f32 $1.442695020e+00, v3;
	v7 =	vld [tilespmem:s22+$0x7A00]  }
0x193: {  	v48 =	vadd.f32 $1.000000000e+00, v17;
	v50 =	vadd.f32 v16, v15;
	(erf) = vpow2.f32 v2  }
0x194: {  	v6 =	vadd.f32 v43, v47;
	v2 =	vsub.f32 $0.0e+00, v5;
	(erf) = vpow2.f32 v3  }
0x195: {  	v49 =	vadd.f32 $1.000000000e+00, v19;
	v51 =	vpop (erf);
	v3 =	vadd.f32 v20, v18;
	(erf) = vrcp.f32 v46  }
0x196: {  	v6 =	vsub.f32 $0.0e+00, v6;
	v2 =	vmul.f32 $1.442695020e+00, v2;
	(erf) = vrcp.f32 v48  }
0x197: {  	v53 =	vpop (erf);
	v52 =	vadd.f32 v45, v50;
	(erf) = vrcp.f32 v49;
	v3 =	vadd.f32 v7, v3  }
0x198: {  	v5 =	vadd.f32 $1.000000000e+00, v53;
	(erf) = vpow2.f32 v2  }
0x199: {  	v2 =	vmul.f32 $1.442695020e+00, v6;
	v4 =	vsub.f32 $0.0e+00, v52;
	v3 =	vsub.f32 $0.0e+00, v3  }
0x19a: {  	(erf) = vrcp.f32 v5  }
0x19b: {  	v4 =	vmul.f32 $1.442695020e+00, v4;
	v3 =	vmul.f32 $1.442695020e+00, v3  }
0x19c: {  	v54 =	vpop (erf);
	(erf) = vpow2.f32 v2  }
0x19d: {  	v2 =	vpop (erf);
	(erf) = vpow2.f32 v4  }
0x19e: {  	v55 =	vpop (erf);
	(erf) = vpow2.f32 v3  }
0x19f: {  	v3 =	vpop (erf)  }
0x1a0: {  	v2 =	vadd.f32 $1.000000000e+00, v2;
	v56 =	vpop (erf)  }
0x1a1: {  	v57 =	vpop (erf)  }
0x1a2: {  	v3 =	vadd.f32 $1.000000000e+00, v3;
	v58 =	vpop (erf)  }
0x1a3: {  	v4 =	vadd.f32 $1.000000000e+00, v55;
	v59 =	vpop (erf)  }
0x1a4: {  	(erf) = vrcp.f32 v2;
	v2 =	vpop (erf)  }
0x1a5: {  	(erf) = vrcp.f32 v4;
	v60 =	vadd.f32 $1.000000000e+00, v59;
	v61 =	vpop (erf)  }
0x1a6: {  	(erf) = vrcp.f32 v3;
	v3 =	vpop (erf);
	v10 =	vadd.f32 $1.000000000e+00, v61  }
0x1a7: {  	(erf) = vrcp.f32 v60;
	v3 =	vadd.f32 $1.000000000e+00, v3;
	v62 =	vpop (erf)  }
0x1a8: {  	[tilespmem:s11+$0x8E00] =	vst v51;
	v4 =	vadd.f32 $1.000000000e+00, v62;
	(erf) = vrcp.f32 v10  }
0x1a9: {  	[tilespmem:s8+$0x8E10] =	vst v54;
	(erf) = vrcp.f32 v3  }
0x1aa: {  	[tilespmem:s8+$0x8DE0] =	vst v56;
	(erf) = vrcp.f32 v4  }
0x1ab: {  	[tilespmem:s8+$0x8DF0] =	vst v57  }
0x1ac: {  	[tilespmem:s8+$0x8E00] =	vst v58  }
0x1ad: {  	[tilespmem:s16+$0x8E10] =	vst v2;
	v2 =	vpop (erf)  }
0x1ae: {  	[tilespmem:s16+$0x8DE0] =	vst v2;
	v2 =	vpop (erf)  }
0x1af: {  	[tilespmem:s16+$0x8DF0] =	vst v2;
	v2 =	vpop (erf)  }
0x1b0: {  	[tilespmem:s16+$0x8E00] =	vst v2;
	v2 =	vpop (erf)  }
0x1b1: {  	[tilespmem:s22+$0x8E10] =	vst v2;
	v2 =	vpop (erf)  }
0x1b2: {  	[tilespmem:s22+$0x8DE0] =	vst v2;
	v2 =	vpop (erf)  }
0x1b3: {  	[tilespmem:s22+$0x8DF0] =	vst v2;
	v2 =	vpop (erf)  }
0x1b4: {  	[tilespmem:s22+$0x8E00] =	vst v2  }
0x1b5: {  	v2 =	vld [tilespmem:$0xA0]  }
0x1b6: {  	v3 =	vld [tilespmem:$0xB0]  }
0x1b7: {  	v63 =	vld [tilespmem:$0xC0]  }
0x1b8: {  	v5 =	vld [tilespmem:$0xD0]  }
0x1b9: {  	v6 =	vld [tilespmem:$0xE0]  }
0x1ba: {  	[tilespmem:$0x190] =	vst v2  }
.Ltmp6:
0x1bb: {  	[tilespmem:$0x1A0] =	vst v3;
	(pc) =	sbr.rel @p1 .LBB2_10-.Ltmp6, $4  }
0x1bc: {  	[tilespmem:$0x1B0] =	vst v63  }
0x1bd: {  	[tilespmem:$0x1C0] =	vst v5  }
0x1be: {  	s1 =	simm.s32 $0x8DE0;
	[tilespmem:$0x1D0] =	vst v6  }
0x1bf: {  	[spmem:s2] =	stream.indirect.scatter.add.f32 [tilespmem:s1], [sflag:$0x6], $0x40, s21, s17, $0xb8;
	[tilespmem:$0x16F30] =	vst v63  }
0x1c0: {  	s1 =	sadd.s32 s9, s13  }
.Ltmp7:
0x1c1: {  	s1 =	sshrl.u32 s1, $0x3;
	(pc) =	sbr.rel .LBB2_5-.Ltmp7, $4  }
0x1c2: {  	s8 =	sadd.s32 s6, s1  }
0x1c3: {  	[tilespmem:s18], [sflag:$0x4] =	stream.linear.gather [hbm4b:s8+s5], $0x50, $0x38;
	[tilespmem:$0x16F30] =	vst v63  }
0x1c4: {  	s28 =	sadd.s32 $0x1, s28;
	s1 =	sadd.s32 s7, s1  }
0x1c5: {  	[tilespmem:s20], [sflag:$0x4] =	stream.linear.gather [hbm4b:s1+s5], $0x50, $0x38;
	[tilespmem:$0x16F30] =	vst v63  }
.LBB2_12:
0x1c6: {  	s1 =	simm.s32 $0x1E0  }
0x1c7: {  	[tilespmem:s1], [sflag:$0x1] =	stream.indirect.gather [hbm4b:s29+s17], $0x40, s28, s17, $0xb8;
	[tilespmem:$0x16F30] =	vst v63  }
0x1c8: {  	s22 =	simm.s32 $0x15E0;
	s24 =	rddreg [dreg:$0x1f]  }
0x1c9: {  	[tilespmem:s22], [sflag:$0x1] =	stream.indirect.gather [hbm4b:s31+s17], $0x40, s17, s17, $0xb8;
	[tilespmem:$0x16F30] =	vst v63  }
0x1ca: {  	s8 =	simm.s32 $0x40;
	s9 =	simm.s32 $0x80;
	s11 =	simm.s32 $0x29E0  }
0x1cb: {  	[tilespmem:s11], [sflag:$0x1] =	stream.strided.gather [hbm4b:s24+s8], $0x1400, s9, s8, $0x38;
	[tilespmem:$0x16F30] =	vst v63  }
.LBB2_13:
0x1cc: {  	p1 =	seq.s32 s28, $0x0  }
0x1cd: {  	s1 =	simm.s32 @!p1 $0x5  }
0x1ce: {  	_ =	swait.ge @!p1 [sflag:s1], $0x1400  }
0x1cf: {  	[sflag:s1] =	ssyncset.done @!p1 $0x0  }
0x1d0: {  	[sflag:s1] =	ssyncadd.s32 @!p1 $0xFFFFEC00  }
0x1d1: {  	_ =	swait.ge [sflag:s25], $0x1400  }
0x1d2: {  	[sflag:s25] =	ssyncset.done $0x0  }
0x1d3: {  	[sflag:s25] =	ssyncadd.s32 $0xFFFFEC00  }
0x1d4: {  	_ =	swait.ge [sflag:s25], $0x1400  }
0x1d5: {  	[sflag:s25] =	ssyncset.done $0x0  }
0x1d6: {  	[sflag:s25] =	ssyncadd.s32 $0xFFFFEC00  }
0x1d7: {  	_ =	swait.ge [sflag:s25], $0x1400  }
0x1d8: {  	[sflag:s25] =	ssyncset.done $0x0  }
0x1d9: {  	[sflag:s25] =	ssyncadd.s32 $0xFFFFEC00  }
0x1da: {  	_ =	swait.ge [sflag:s26], $0x50  }
0x1db: {  	[sflag:s26] =	ssyncset.done $0x0  }
0x1dc: {  	[sflag:s26] =	ssyncadd.s32 $0xFFFFFFB0  }
0x1dd: {  	s9 =	smul.u32 $0xA0, s28;
	_ =	swait.ge [sflag:s26], $0x50  }
0x1de: {  	[sflag:s26] =	ssyncset.done $0x0  }
0x1df: {  	s16 =	simm.s32 $0x51E0;
	s24 =	sadd.s32 s9, s23;
	[sflag:s26] =	ssyncadd.s32 $0xFFFFFFB0  }
0x1e0: {  	[tilespmem:s16], [sflag:$0x2] =	stream.indirect.gather [hbm4b:s29+s17], $0x40, s18, s17, $0xb8;
	[tilespmem:$0x16F30] =	vst v63  }
0x1e1: {  	s22 =	simm.s32 $0x65E0;
	s8 =	simm.s32 $0x40;
	s1 =	sshll.u32 s24, $0x4  }
0x1e2: {  	[tilespmem:s22], [sflag:$0x2] =	stream.indirect.gather [hbm4b:s31+s17], $0x40, s20, s17, $0xb8;
	[tilespmem:$0x16F30] =	vst v63  }
0x1e3: {  	s11 =	simm.s32 $0x80;
	s14 =	simm.s32 $0x79E0;
	s1 =	sadd.s32 s1, s3  }
0x1e4: {  	[tilespmem:s14], [sflag:$0x2] =	stream.strided.gather [hbm4b:s1+s8], $0x1400, s11, s8, $0x38;
	[tilespmem:$0x16F30] =	vst v63  }
0x1e5: {  	s11 =	simm.s32 $0x0  }
0x1e6: {  	v2 =	vld [tilespmem:s11+$0x210]  }
0x1e7: {  	v3 =	vld [tilespmem:s11+$0x1610]  }
0x1e8: {  	v4 =	vld [tilespmem:s11+$0x1E0]  }
0x1e9: {  	v5 =	vld [tilespmem:s11+$0x2A10]  }
0x1ea: {  	v6 =	vld [tilespmem:s11+$0x15E0]  }
0x1eb: {  	v7 =	vld [tilespmem:s11+$0x1F0]  }
0x1ec: {  	v8 =	vld [tilespmem:s11+$0x15F0]  }
0x1ed: {  	v9 =	vld [tilespmem:s11+$0x200]  }
0x1ee: {  	v10 =	vld [tilespmem:s11+$0x29E0];
	v2 =	vadd.f32 v3, v2  }
0x1ef: {  	s8 =	simm.s32 $0x40;
	v11 =	vld [tilespmem:s11+$0x2A00]  }
0x1f0: {  	v12 =	vld [tilespmem:s8+$0x210];
	v2 =	vadd.f32 v5, v2  }
0x1f1: {  	v3 =	vld [tilespmem:s11+$0x1600]  }
0x1f2: {  	v5 =	vld [tilespmem:s11+$0x29F0];
	v2 =	vsub.f32 $0.0e+00, v2  }
0x1f3: {  	v13 =	vld [tilespmem:s8+$0x1610]  }
0x1f4: {  	v14 =	vld [tilespmem:s8+$0x1E0];
	v4 =	vadd.f32 v6, v4;
	v2 =	vmul.f32 $1.442695020e+00, v2  }
0x1f5: {  	v15 =	vld [tilespmem:s8+$0x2A10];
	v6 =	vadd.f32 v8, v7  }
0x1f6: {  	v55 =	vld [tilespmem:s8+$0x29F0];
	v4 =	vadd.f32 v10, v4;
	(erf) = vpow2.f32 v2  }
0x1f7: {  	v7 =	vld [tilespmem:s8+$0x1F0];
	v3 =	vadd.f32 v3, v9;
	v5 =	vadd.f32 v5, v6  }
0x1f8: {  	v8 =	vld [tilespmem:s8+$0x15F0];
	v4 =	vsub.f32 $0.0e+00, v4;
	v6 =	vadd.f32 v13, v12  }
0x1f9: {  	v3 =	vadd.f32 v11, v3;
	v2 =	vld [tilespmem:s8+$0x15E0];
	v5 =	vsub.f32 $0.0e+00, v5  }
0x1fa: {  	v10 =	vld [tilespmem:s8+$0x1600];
	v4 =	vmul.f32 $1.442695020e+00, v4  }
0x1fb: {  	v9 =	vld [tilespmem:s8+$0x200];
	v6 =	vadd.f32 v15, v6;
	v3 =	vsub.f32 $0.0e+00, v3;
	v5 =	vmul.f32 $1.442695020e+00, v5  }
0x1fc: {  	v11 =	vld [tilespmem:s8+$0x29E0]  }
0x1fd: {  	v56 =	vld [tilespmem:s8+$0x2A00];
	(erf) = vpow2.f32 v4;
	v6 =	vsub.f32 $0.0e+00, v6;
	v3 =	vmul.f32 $1.442695020e+00, v3  }
0x1fe: {  	s16 =	simm.s32 $0x80;
	v2 =	vadd.f32 v2, v14;
	(erf) = vpow2.f32 v5  }
0x1ff: {  	v57 =	vld [tilespmem:s16+$0x1610];
	v6 =	vmul.f32 $1.442695020e+00, v6;
	(erf) = vpow2.f32 v3;
	v3 =	vadd.f32 v8, v7;
	v5 =	vpop (erf)  }
0x200: {  	v4 =	vld [tilespmem:s16+$0x210];
	v8 =	vadd.f32 v10, v9;
	v5 =	vadd.f32 $1.000000000e+00, v5  }
0x201: {  	v59 =	vld [tilespmem:s16+$0x1600];
	v2 =	vadd.f32 v11, v2;
	(erf) = vpow2.f32 v6  }
0x202: {  	v6 =	vld [tilespmem:s16+$0x2A10];
	v3 =	vadd.f32 v55, v3;
	v8 =	vadd.f32 v56, v8;
	(erf) = vrcp.f32 v5  }
0x203: {  	v7 =	vld [tilespmem:s16+$0x1E0];
	v2 =	vsub.f32 $0.0e+00, v2  }
0x204: {  	v9 =	vld [tilespmem:s16+$0x1F0];
	v3 =	vsub.f32 $0.0e+00, v3;
	v8 =	vsub.f32 $0.0e+00, v8  }
0x205: {  	v4 =	vadd.f32 v57, v4;
	v2 =	vmul.f32 $1.442695020e+00, v2;
	v5 =	vld [tilespmem:s16+$0x15E0]  }
0x206: {  	v10 =	vld [tilespmem:s16+$0x15F0];
	v58 =	vmul.f32 $1.442695020e+00, v3  }
0x207: {  	v11 =	vld [tilespmem:s16+$0x200];
	v60 =	vpop (erf);
	v4 =	vadd.f32 v6, v4;
	v6 =	vmul.f32 $1.442695020e+00, v8;
	(erf) = vpow2.f32 v2  }
0x208: {  	v14 =	vadd.f32 $1.000000000e+00, v60;
	v3 =	vld [tilespmem:s16+$0x29E0];
	v8 =	vpop (erf);
	(erf) = vpow2.f32 v58  }
0x209: {  	v2 =	vld [tilespmem:s16+$0x29F0];
	v62 =	vsub.f32 $0.0e+00, v4;
	v8 =	vadd.f32 $1.000000000e+00, v8;
	v61 =	vpop (erf);
	(erf) = vpow2.f32 v6  }
0x20a: {  	s22 =	simm.s32 $0xC0;
	v4 =	vld [tilespmem:s16+$0x2A00];
	v12 =	vadd.f32 $1.000000000e+00, v61;
	v16 =	vpop (erf);
	(erf) = vrcp.f32 v14;
	v6 =	vadd.f32 v5, v7  }
0x20b: {  	v5 =	vld [tilespmem:s22+$0x210];
	v7 =	vadd.f32 v10, v9;
	v9 =	vmul.f32 $1.442695020e+00, v62;
	(erf) = vrcp.f32 v8;
	v63 =	vpop (erf)  }
0x20c: {  	s24 =	sshll.u32 s28, $0x1;
	s1 =	simm.s32 $0x400;
	v8 =	vld [tilespmem:s22+$0x1610];
	v10 =	vadd.f32 v59, v11;
	v11 =	vadd.f32 $1.000000000e+00, v16;
	(erf) = vrcp.f32 v12;
	[tilespmem:s11+$0x3E10] =	vst v63  }
.LBB2_14:
0x20d: {  	p1 =	sne.s32 s1, $0x4F00;
	v12 =	vld [tilespmem:s22+$0x1E0];
	v3 =	vadd.f32 v3, v6;
	(erf) = vpow2.f32 v9  }
0x20e: {  	v6 =	vld [tilespmem:s22+$0x2A10];
	v2 =	vadd.f32 v2, v7;
	(erf) = vrcp.f32 v11  }
0x20f: {  	v7 =	vld [tilespmem:s22+$0x15E0];
	v3 =	vsub.f32 $0.0e+00, v3;
	v4 =	vadd.f32 v4, v10  }
0x210: {  	v9 =	vld [tilespmem:s22+$0x1F0];
	v2 =	vsub.f32 $0.0e+00, v2;
	v10 =	vpop (erf)  }
0x211: {  	v11 =	vld [tilespmem:s22+$0x15F0];
	v5 =	vadd.f32 v8, v5;
	v3 =	vmul.f32 $1.442695020e+00, v3;
	v4 =	vsub.f32 $0.0e+00, v4;
	v8 =	vpop (erf)  }
0x212: {  	v10 =	vadd.f32 $1.000000000e+00, v10;
	v13 =	vld [tilespmem:s22+$0x200];
	v2 =	vmul.f32 $1.442695020e+00, v2;
	v8 =	vadd.f32 $1.000000000e+00, v8;
	v14 =	vpop (erf)  }
0x213: {  	v15 =	vld [tilespmem:s22+$0x1600];
	v17 =	vadd.f32 v6, v5;
	v4 =	vmul.f32 $1.442695020e+00, v4;
	(erf) = vpow2.f32 v3;
	v16 =	vpop (erf)  }
.Ltmp8:
0x214: {  	v6 =	vadd.f32 v7, v12;
	v3 =	vld [tilespmem:s22+$0x29E0];
	(erf) = vpow2.f32 v2;
	v12 =	vadd.f32 $1.000000000e+00, v14;
	[tilespmem:s11+$0x3DE0] =	vst v16;
	v7 =	vpop (erf);
	(pc) =	sbr.rel @p1 .LBB2_14-.Ltmp8, $4  }
0x215: {  	v2 =	vld [tilespmem:s22+$0x29F0];
	v16 =	vsub.f32 $0.0e+00, v17;
	(erf) = vpow2.f32 v4;
	[tilespmem:s11+$0x3DF0] =	vst v7;
	v5 =	vpop (erf)  }
0x216: {  	s14 =	sshra.s32 s1, $0x2;
	v7 =	vadd.f32 v11, v9;
	v4 =	vld [tilespmem:s22+$0x2A00];
	v11 =	vpop (erf);
	(erf) = vrcp.f32 v10;
	[tilespmem:s11+$0x3E00] =	vst v5;
	s11 =	smov.u32 s8;
	s8 =	smov.u32 s16  }
0x217: {  	s16 =	smov.u32 s22;
	s22 =	smov.u32 s14;
	v5 =	vld [tilespmem:s14+$0x210];
	v9 =	vmul.f32 $1.442695020e+00, v16;
	(erf) = vrcp.f32 v8;
	v14 =	vpop (erf)  }
0x218: {  	s1 =	sadd.s32 $0x100, s1;
	v11 =	vadd.f32 $1.000000000e+00, v11;
	v8 =	vld [tilespmem:s22+$0x1610];
	v10 =	vadd.f32 v15, v13;
	[tilespmem:s11+$0x3E10] =	vst v14;
	(erf) = vrcp.f32 v12  }
0x219: {  	v12 =	vld [tilespmem:s22+$0x1E0]  }
0x21a: {  	v13 =	vld [tilespmem:s22+$0x2A10]  }
0x21b: {  	v14 =	vld [tilespmem:s22+$0x15E0];
	v3 =	vadd.f32 v3, v6  }
0x21c: {  	v15 =	vld [tilespmem:s22+$0x1F0];
	v2 =	vadd.f32 v2, v7;
	v6 =	vpop (erf)  }
0x21d: {  	v16 =	vld [tilespmem:s22+$0x15F0];
	v3 =	vsub.f32 $0.0e+00, v3;
	v17 =	vpop (erf)  }
0x21e: {  	v18 =	vld [tilespmem:s22+$0x200];
	(erf) = vpow2.f32 v9;
	v2 =	vsub.f32 $0.0e+00, v2;
	v19 =	vpop (erf)  }
0x21f: {  	v20 =	vld [tilespmem:s22+$0x1600];
	v4 =	vadd.f32 v4, v10;
	v5 =	vadd.f32 v8, v5;
	v3 =	vmul.f32 $1.442695020e+00, v3;
	v7 =	vpop (erf)  }
0x220: {  	v9 =	vld [tilespmem:s22+$0x29E0];
	(erf) = vrcp.f32 v11;
	v2 =	vmul.f32 $1.442695020e+00, v2;
	[tilespmem:s11+$0x3DE0] =	vst v7;
	v7 =	vpop (erf)  }
0x221: {  	v5 =	vadd.f32 v13, v5;
	(erf) = vpow2.f32 v3;
	v3 =	vsub.f32 $0.0e+00, v4;
	v8 =	vld [tilespmem:s22+$0x29F0];
	[tilespmem:s11+$0x3DF0] =	vst v7  }
0x222: {  	v4 =	vadd.f32 $1.000000000e+00, v6;
	v6 =	vadd.f32 v14, v12;
	(erf) = vpow2.f32 v2;
	v7 =	vld [tilespmem:s22+$0x2A00]  }
0x223: {  	v3 =	vmul.f32 $1.442695020e+00, v3;
	v2 =	vsub.f32 $0.0e+00, v5;
	v5 =	vadd.f32 v16, v15  }
0x224: {  	v10 =	vadd.f32 $1.000000000e+00, v17;
	v11 =	vadd.f32 $1.000000000e+00, v19  }
0x225: {  	v6 =	vadd.f32 v9, v6;
	(erf) = vpow2.f32 v3;
	v3 =	vadd.f32 v20, v18  }
0x226: {  	v9 =	vpop (erf);
	v2 =	vmul.f32 $1.442695020e+00, v2;
	(erf) = vrcp.f32 v4;
	v4 =	vadd.f32 v8, v5  }
0x227: {  	v6 =	vsub.f32 $0.0e+00, v6;
	(erf) = vrcp.f32 v10;
	v5 =	vpop (erf);
	v3 =	vadd.f32 v7, v3  }
0x228: {  	(erf) = vrcp.f32 v11;
	v5 =	vadd.f32 $1.000000000e+00, v5;
	v4 =	vsub.f32 $0.0e+00, v4  }
0x229: {  	(erf) = vpow2.f32 v2;
	v2 =	vmul.f32 $1.442695020e+00, v6;
	v3 =	vsub.f32 $0.0e+00, v3  }
0x22a: {  	v4 =	vmul.f32 $1.442695020e+00, v4  }
0x22b: {  	v3 =	vmul.f32 $1.442695020e+00, v3  }
0x22c: {  	(erf) = vrcp.f32 v5;
	v5 =	vpop (erf)  }
0x22d: {  	(erf) = vpow2.f32 v2;
	v2 =	vpop (erf)  }
0x22e: {  	(erf) = vpow2.f32 v4;
	v4 =	vpop (erf)  }
0x22f: {  	(erf) = vpow2.f32 v3;
	v3 =	vpop (erf)  }
0x230: {  	v6 =	vpop (erf)  }
0x231: {  	v2 =	vadd.f32 $1.000000000e+00, v2;
	v7 =	vpop (erf)  }
0x232: {  	v4 =	vadd.f32 $1.000000000e+00, v4;
	v8 =	vpop (erf)  }
0x233: {  	v3 =	vadd.f32 $1.000000000e+00, v3;
	(erf) = vrcp.f32 v2;
	v10 =	vpop (erf)  }
0x234: {  	(erf) = vrcp.f32 v4;
	v4 =	vadd.f32 $1.000000000e+00, v10  }
0x235: {  	v2 =	vpop (erf)  }
0x236: {  	v10 =	vpop (erf)  }
0x237: {  	(erf) = vrcp.f32 v3;
	v3 =	vpop (erf);
	v10 =	vadd.f32 $1.000000000e+00, v10  }
0x238: {  	(erf) = vrcp.f32 v4;
	v3 =	vadd.f32 $1.000000000e+00, v3;
	v4 =	vpop (erf)  }
0x239: {  	[tilespmem:s11+$0x3E00] =	vst v9;
	(erf) = vrcp.f32 v10;
	v4 =	vadd.f32 $1.000000000e+00, v4  }
0x23a: {  	[tilespmem:s8+$0x3E10] =	vst v5;
	(erf) = vrcp.f32 v3  }
0x23b: {  	[tilespmem:s8+$0x3DE0] =	vst v6;
	(erf) = vrcp.f32 v4  }
0x23c: {  	[tilespmem:s8+$0x3DF0] =	vst v7  }
0x23d: {  	[tilespmem:s8+$0x3E00] =	vst v8  }
0x23e: {  	[tilespmem:s16+$0x3E10] =	vst v2;
	v2 =	vpop (erf)  }
0x23f: {  	[tilespmem:s16+$0x3DE0] =	vst v2;
	v2 =	vpop (erf)  }
0x240: {  	[tilespmem:s16+$0x3DF0] =	vst v2;
	v2 =	vpop (erf)  }
0x241: {  	[tilespmem:s16+$0x3E00] =	vst v2;
	v2 =	vpop (erf)  }
0x242: {  	[tilespmem:s22+$0x3E10] =	vst v2;
	v2 =	vpop (erf)  }
0x243: {  	[tilespmem:s22+$0x3DE0] =	vst v2;
	v2 =	vpop (erf)  }
0x244: {  	[tilespmem:s22+$0x3DF0] =	vst v2;
	v2 =	vpop (erf)  }
0x245: {  	[tilespmem:s22+$0x3E00] =	vst v2  }
0x246: {  	v2 =	vld [tilespmem:$0x0]  }
0x247: {  	v3 =	vld [tilespmem:$0x10]  }
0x248: {  	v4 =	vld [tilespmem:$0x20]  }
0x249: {  	v5 =	vld [tilespmem:$0x30]  }
0x24a: {  	v6 =	vld [tilespmem:$0x40]  }
0x24b: {  	s1 =	sadd.s32 $0x2, s24;
	p1 =	seq.s32 s28, $0x7C;
	[tilespmem:$0x140] =	vst v2  }
0x24c: {  	s1 =	smul.u32 @!p1 $0x50, s1;
	[tilespmem:$0x150] =	vst v3  }
0x24d: {  	[tilespmem:$0x160] =	vst v4  }
0x24e: {  	s1 =	sadd.s32 @!p1 s19, s1;
	[tilespmem:$0x170] =	vst v5  }
0x24f: {  	s24 =	simm.s32 $0x3DE0;
	s11 =	sshrl.u32 @!p1 s1, $0x3;
	[tilespmem:$0x180] =	vst v6  }
0x250: {  	[spmem:s2] =	stream.indirect.scatter.add.f32 [tilespmem:s24], [sflag:$0x5], $0x40, s12, s17, $0xb8;
	[tilespmem:$0x16F30] =	vst v63  }
0x251: {  	p2 =	seq.s32 @!p1 s28, $0x0;
	s14 =	sadd.s32 @!p1 s6, s11;
	s8 =	simm.s32 @!p1 $0x0  }
0x252: {  	[tilespmem:s8], [sflag:$0x3] =	stream.linear.gather @!p1 [hbm4b:s14+s8], $0x50, $0x38;
	[tilespmem:$0x16F30] =	vst v63  }
0x253: {  	p2 =	por p1, !p2;
	s14 =	sadd.s32 @!p1 s7, s11;
	s11 =	simm.s32 @!p1 $0x50  }
0x254: {  	[tilespmem:s11], [sflag:$0x3] =	stream.linear.gather @!p1 [hbm4b:s14+s8], $0x50, $0x38;
	[tilespmem:$0x16F30] =	vst v63  }
0x255: {  	_ =	swait.ge @p2 [sflag:s4], $0x1400  }
0x256: {  	[sflag:s4] =	ssyncset.done @p2 $0x0  }
0x257: {  	s14 =	simm.s32 @p2 $0x7;
	[sflag:s4] =	ssyncadd.s32 @p2 $0xFFFFEC00  }
0x258: {  	_ =	swait.ge @p2 [sflag:s14], $0x500  }
0x259: {  	[sflag:s14] =	ssyncset.done @p2 $0x0  }
0x25a: {  	[sflag:s14] =	ssyncadd.s32 @p2 $0xFFFFFB00  }
0x25b: {  	_ =	swait.ge [sflag:s10], $0x1400  }
0x25c: {  	[sflag:s10] =	ssyncset.done $0x0  }
0x25d: {  	[sflag:s10] =	ssyncadd.s32 $0xFFFFEC00  }
0x25e: {  	_ =	swait.ge [sflag:s10], $0x1400  }
0x25f: {  	[sflag:s10] =	ssyncset.done $0x0  }
0x260: {  	[sflag:s10] =	ssyncadd.s32 $0xFFFFEC00  }
0x261: {  	_ =	swait.ge [sflag:s10], $0x1400  }
0x262: {  	[sflag:s10] =	ssyncset.done $0x0  }
0x263: {  	s14 =	simm.s32 @!p1 $0x3;
	[sflag:s10] =	ssyncadd.s32 $0xFFFFEC00  }
0x264: {  	_ =	swait.ge @!p1 [sflag:s14], $0x50  }
0x265: {  	[sflag:s14] =	ssyncset.done @!p1 $0x0  }
0x266: {  	[sflag:s14] =	ssyncadd.s32 @!p1 $0xFFFFFFB0  }
0x267: {  	_ =	swait.ge @!p1 [sflag:s14], $0x50  }
0x268: {  	[sflag:s14] =	ssyncset.done @!p1 $0x0  }
0x269: {  	s1 =	sshll.u32 @!p1 s1, $0x4;
	[sflag:s14] =	ssyncadd.s32 @!p1 $0xFFFFFFB0;
	s14 =	simm.s32 @!p1 $0x1E0  }
0x26a: {  	[tilespmem:s14], [sflag:$0x1] =	stream.indirect.gather @!p1 [hbm4b:s29+s11], $0x40, s8, s11, $0xb8;
	[tilespmem:$0x16F30] =	vst v63  }
0x26b: {  	s1 =	sadd.s32 @!p1 s1, s3;
	s8 =	simm.s32 @!p1 $0x15E0  }
0x26c: {  	[tilespmem:s8], [sflag:$0x1] =	stream.indirect.gather @!p1 [hbm4b:s31+s11], $0x40, s11, s11, $0xb8;
	[tilespmem:$0x16F30] =	vst v63  }
0x26d: {  	s14 =	simm.s32 @!p1 $0x29E0;
	s8 =	simm.s32 @!p1 $0x40;
	s11 =	simm.s32 @!p1 $0x80  }
0x26e: {  	[tilespmem:s14], [sflag:$0x1] =	stream.strided.gather @!p1 [hbm4b:s1+s8], $0x1400, s11, s8, $0x38;
	[tilespmem:$0x16F30] =	vst v63  }
0x26f: {  	s11 =	simm.s32 $0x0  }
0x270: {  	v2 =	vld [tilespmem:s11+$0x5210]  }
0x271: {  	v3 =	vld [tilespmem:s11+$0x6610]  }
0x272: {  	v4 =	vld [tilespmem:s11+$0x51E0]  }
0x273: {  	v5 =	vld [tilespmem:s11+$0x7A10]  }
0x274: {  	v6 =	vld [tilespmem:s11+$0x65E0]  }
0x275: {  	v7 =	vld [tilespmem:s11+$0x51F0]  }
0x276: {  	v8 =	vld [tilespmem:s11+$0x65F0]  }
0x277: {  	v9 =	vld [tilespmem:s11+$0x5200]  }
0x278: {  	v10 =	vld [tilespmem:s11+$0x79E0];
	v2 =	vadd.f32 v3, v2  }
0x279: {  	s8 =	simm.s32 $0x40;
	v11 =	vld [tilespmem:s11+$0x7A00]  }
0x27a: {  	v50 =	vld [tilespmem:s8+$0x5210];
	v2 =	vadd.f32 v5, v2  }
0x27b: {  	v3 =	vld [tilespmem:s11+$0x6600]  }
0x27c: {  	v5 =	vld [tilespmem:s11+$0x79F0];
	v2 =	vsub.f32 $0.0e+00, v2  }
0x27d: {  	v51 =	vld [tilespmem:s8+$0x6610]  }
0x27e: {  	v52 =	vld [tilespmem:s8+$0x51E0];
	v4 =	vadd.f32 v6, v4;
	v2 =	vmul.f32 $1.442695020e+00, v2  }
0x27f: {  	v53 =	vld [tilespmem:s8+$0x7A10];
	v6 =	vadd.f32 v8, v7  }
0x280: {  	v54 =	vld [tilespmem:s8+$0x79F0];
	v4 =	vadd.f32 v10, v4;
	(erf) = vpow2.f32 v2  }
0x281: {  	v7 =	vld [tilespmem:s8+$0x51F0];
	v3 =	vadd.f32 v3, v9;
	v5 =	vadd.f32 v5, v6  }
0x282: {  	v8 =	vld [tilespmem:s8+$0x65F0];
	v4 =	vsub.f32 $0.0e+00, v4;
	v6 =	vadd.f32 v51, v50  }
0x283: {  	v3 =	vadd.f32 v11, v3;
	v2 =	vld [tilespmem:s8+$0x65E0];
	v5 =	vsub.f32 $0.0e+00, v5  }
0x284: {  	v10 =	vld [tilespmem:s8+$0x6600];
	v4 =	vmul.f32 $1.442695020e+00, v4  }
0x285: {  	v9 =	vld [tilespmem:s8+$0x5200];
	v6 =	vadd.f32 v53, v6;
	v3 =	vsub.f32 $0.0e+00, v3;
	v5 =	vmul.f32 $1.442695020e+00, v5  }
0x286: {  	v11 =	vld [tilespmem:s8+$0x79E0]  }
0x287: {  	v55 =	vld [tilespmem:s8+$0x7A00];
	(erf) = vpow2.f32 v4;
	v6 =	vsub.f32 $0.0e+00, v6;
	v3 =	vmul.f32 $1.442695020e+00, v3  }
0x288: {  	s16 =	simm.s32 $0x80;
	v2 =	vadd.f32 v2, v52;
	(erf) = vpow2.f32 v5  }
0x289: {  	v56 =	vld [tilespmem:s16+$0x6610];
	v6 =	vmul.f32 $1.442695020e+00, v6;
	(erf) = vpow2.f32 v3;
	v3 =	vadd.f32 v8, v7;
	v5 =	vpop (erf)  }
0x28a: {  	v4 =	vld [tilespmem:s16+$0x5210];
	v8 =	vadd.f32 v10, v9;
	v5 =	vadd.f32 $1.000000000e+00, v5  }
0x28b: {  	v58 =	vld [tilespmem:s16+$0x6600];
	v2 =	vadd.f32 v11, v2;
	(erf) = vpow2.f32 v6  }
0x28c: {  	v6 =	vld [tilespmem:s16+$0x7A10];
	v3 =	vadd.f32 v54, v3;
	v8 =	vadd.f32 v55, v8;
	(erf) = vrcp.f32 v5  }
0x28d: {  	v7 =	vld [tilespmem:s16+$0x51E0];
	v2 =	vsub.f32 $0.0e+00, v2  }
0x28e: {  	v9 =	vld [tilespmem:s16+$0x51F0];
	v3 =	vsub.f32 $0.0e+00, v3;
	v8 =	vsub.f32 $0.0e+00, v8  }
0x28f: {  	v4 =	vadd.f32 v56, v4;
	v2 =	vmul.f32 $1.442695020e+00, v2;
	v5 =	vld [tilespmem:s16+$0x65E0]  }
0x290: {  	v10 =	vld [tilespmem:s16+$0x65F0];
	v57 =	vmul.f32 $1.442695020e+00, v3  }
0x291: {  	v11 =	vld [tilespmem:s16+$0x5200];
	v59 =	vpop (erf);
	v4 =	vadd.f32 v6, v4;
	v6 =	vmul.f32 $1.442695020e+00, v8;
	(erf) = vpow2.f32 v2  }
0x292: {  	v14 =	vadd.f32 $1.000000000e+00, v59;
	v3 =	vld [tilespmem:s16+$0x79E0];
	v8 =	vpop (erf);
	(erf) = vpow2.f32 v57  }
0x293: {  	v2 =	vld [tilespmem:s16+$0x79F0];
	v61 =	vsub.f32 $0.0e+00, v4;
	v8 =	vadd.f32 $1.000000000e+00, v8;
	v60 =	vpop (erf);
	(erf) = vpow2.f32 v6  }
0x294: {  	s22 =	simm.s32 $0xC0;
	v4 =	vld [tilespmem:s16+$0x7A00];
	v12 =	vadd.f32 $1.000000000e+00, v60;
	v62 =	vpop (erf);
	(erf) = vrcp.f32 v14;
	v6 =	vadd.f32 v5, v7  }
0x295: {  	v5 =	vld [tilespmem:s22+$0x5210];
	v7 =	vadd.f32 v10, v9;
	v9 =	vmul.f32 $1.442695020e+00, v61;
	(erf) = vrcp.f32 v8;
	v63 =	vpop (erf)  }
0x296: {  	s1 =	simm.s32 $0x400;
	v8 =	vld [tilespmem:s22+$0x6610];
	v10 =	vadd.f32 v58, v11;
	v11 =	vadd.f32 $1.000000000e+00, v62;
	(erf) = vrcp.f32 v12;
	[tilespmem:s11+$0x8E10] =	vst v63  }
.LBB2_16:
0x297: {  	p2 =	sne.s32 s1, $0x4F00;
	v12 =	vld [tilespmem:s22+$0x51E0];
	v3 =	vadd.f32 v3, v6;
	(erf) = vpow2.f32 v9  }
0x298: {  	v6 =	vld [tilespmem:s22+$0x7A10];
	v2 =	vadd.f32 v2, v7;
	(erf) = vrcp.f32 v11  }
0x299: {  	v7 =	vld [tilespmem:s22+$0x65E0];
	v3 =	vsub.f32 $0.0e+00, v3;
	v4 =	vadd.f32 v4, v10  }
0x29a: {  	v9 =	vld [tilespmem:s22+$0x51F0];
	v2 =	vsub.f32 $0.0e+00, v2;
	v10 =	vpop (erf)  }
0x29b: {  	v11 =	vld [tilespmem:s22+$0x65F0];
	v5 =	vadd.f32 v8, v5;
	v3 =	vmul.f32 $1.442695020e+00, v3;
	v4 =	vsub.f32 $0.0e+00, v4;
	v8 =	vpop (erf)  }
0x29c: {  	v10 =	vadd.f32 $1.000000000e+00, v10;
	v13 =	vld [tilespmem:s22+$0x5200];
	v2 =	vmul.f32 $1.442695020e+00, v2;
	v8 =	vadd.f32 $1.000000000e+00, v8;
	v14 =	vpop (erf)  }
0x29d: {  	v15 =	vld [tilespmem:s22+$0x6600];
	v17 =	vadd.f32 v6, v5;
	v4 =	vmul.f32 $1.442695020e+00, v4;
	(erf) = vpow2.f32 v3;
	v16 =	vpop (erf)  }
.Ltmp9:
0x29e: {  	v6 =	vadd.f32 v7, v12;
	v3 =	vld [tilespmem:s22+$0x79E0];
	(erf) = vpow2.f32 v2;
	v12 =	vadd.f32 $1.000000000e+00, v14;
	[tilespmem:s11+$0x8DE0] =	vst v16;
	v7 =	vpop (erf);
	(pc) =	sbr.rel @p2 .LBB2_16-.Ltmp9, $4  }
0x29f: {  	v2 =	vld [tilespmem:s22+$0x79F0];
	v16 =	vsub.f32 $0.0e+00, v17;
	(erf) = vpow2.f32 v4;
	[tilespmem:s11+$0x8DF0] =	vst v7;
	v5 =	vpop (erf)  }
0x2a0: {  	s14 =	sshra.s32 s1, $0x2;
	v7 =	vadd.f32 v11, v9;
	v4 =	vld [tilespmem:s22+$0x7A00];
	v11 =	vpop (erf);
	(erf) = vrcp.f32 v10;
	[tilespmem:s11+$0x8E00] =	vst v5;
	s11 =	smov.u32 s8;
	s8 =	smov.u32 s16  }
0x2a1: {  	s16 =	smov.u32 s22;
	s22 =	smov.u32 s14;
	v5 =	vld [tilespmem:s14+$0x5210];
	v9 =	vmul.f32 $1.442695020e+00, v16;
	(erf) = vrcp.f32 v8;
	v14 =	vpop (erf)  }
0x2a2: {  	s1 =	sadd.s32 $0x100, s1;
	v11 =	vadd.f32 $1.000000000e+00, v11;
	v8 =	vld [tilespmem:s22+$0x6610];
	v10 =	vadd.f32 v15, v13;
	[tilespmem:s11+$0x8E10] =	vst v14;
	(erf) = vrcp.f32 v12  }
0x2a3: {  	v12 =	vld [tilespmem:s22+$0x51E0]  }
0x2a4: {  	v13 =	vld [tilespmem:s22+$0x7A10];
	v3 =	vadd.f32 v3, v6  }
0x2a5: {  	v14 =	vld [tilespmem:s22+$0x65E0]  }
0x2a6: {  	v15 =	vld [tilespmem:s22+$0x51F0];
	v3 =	vsub.f32 $0.0e+00, v3;
	v41 =	vpop (erf)  }
0x2a7: {  	v16 =	vld [tilespmem:s22+$0x65F0];
	v2 =	vadd.f32 v2, v7;
	v17 =	vpop (erf)  }
0x2a8: {  	v18 =	vld [tilespmem:s22+$0x5200];
	(erf) = vpow2.f32 v9;
	v4 =	vadd.f32 v4, v10;
	v3 =	vmul.f32 $1.442695020e+00, v3;
	v19 =	vpop (erf)  }
0x2a9: {  	v43 =	vld [tilespmem:s22+$0x79E0];
	v2 =	vsub.f32 $0.0e+00, v2;
	(erf) = vrcp.f32 v11;
	v42 =	vpop (erf)  }
0x2aa: {  	v20 =	vld [tilespmem:s22+$0x6600];
	v5 =	vadd.f32 v8, v5;
	(erf) = vpow2.f32 v3;
	v3 =	vsub.f32 $0.0e+00, v4;
	[tilespmem:s11+$0x8DE0] =	vst v42;
	v44 =	vpop (erf)  }
0x2ab: {  	v46 =	vadd.f32 $1.000000000e+00, v41;
	v2 =	vmul.f32 $1.442695020e+00, v2;
	v45 =	vld [tilespmem:s22+$0x79F0];
	[tilespmem:s11+$0x8DF0] =	vst v44  }
0x2ac: {  	v47 =	vadd.f32 v14, v12;
	v5 =	vadd.f32 v13, v5;
	v3 =	vmul.f32 $1.442695020e+00, v3;
	v7 =	vld [tilespmem:s22+$0x7A00]  }
0x2ad: {  	v48 =	vadd.f32 $1.000000000e+00, v17;
	v50 =	vadd.f32 v16, v15;
	(erf) = vpow2.f32 v2  }
0x2ae: {  	v6 =	vadd.f32 v43, v47;
	v2 =	vsub.f32 $0.0e+00, v5;
	(erf) = vpow2.f32 v3  }
0x2af: {  	v49 =	vadd.f32 $1.000000000e+00, v19;
	v51 =	vpop (erf);
	v3 =	vadd.f32 v20, v18;
	(erf) = vrcp.f32 v46  }
0x2b0: {  	v6 =	vsub.f32 $0.0e+00, v6;
	v2 =	vmul.f32 $1.442695020e+00, v2;
	(erf) = vrcp.f32 v48  }
0x2b1: {  	v53 =	vpop (erf);
	v52 =	vadd.f32 v45, v50;
	(erf) = vrcp.f32 v49;
	v3 =	vadd.f32 v7, v3  }
0x2b2: {  	v5 =	vadd.f32 $1.000000000e+00, v53;
	(erf) = vpow2.f32 v2  }
0x2b3: {  	v2 =	vmul.f32 $1.442695020e+00, v6;
	v4 =	vsub.f32 $0.0e+00, v52;
	v3 =	vsub.f32 $0.0e+00, v3  }
0x2b4: {  	(erf) = vrcp.f32 v5  }
0x2b5: {  	v4 =	vmul.f32 $1.442695020e+00, v4;
	v3 =	vmul.f32 $1.442695020e+00, v3  }
0x2b6: {  	v54 =	vpop (erf);
	(erf) = vpow2.f32 v2  }
0x2b7: {  	v2 =	vpop (erf);
	(erf) = vpow2.f32 v4  }
0x2b8: {  	v55 =	vpop (erf);
	(erf) = vpow2.f32 v3  }
0x2b9: {  	v3 =	vpop (erf)  }
0x2ba: {  	v2 =	vadd.f32 $1.000000000e+00, v2;
	v56 =	vpop (erf)  }
0x2bb: {  	v57 =	vpop (erf)  }
0x2bc: {  	v3 =	vadd.f32 $1.000000000e+00, v3;
	v58 =	vpop (erf)  }
0x2bd: {  	v4 =	vadd.f32 $1.000000000e+00, v55;
	v59 =	vpop (erf)  }
0x2be: {  	(erf) = vrcp.f32 v2;
	v2 =	vpop (erf)  }
0x2bf: {  	(erf) = vrcp.f32 v4;
	v60 =	vadd.f32 $1.000000000e+00, v59;
	v61 =	vpop (erf)  }
0x2c0: {  	(erf) = vrcp.f32 v3;
	v3 =	vpop (erf);
	v10 =	vadd.f32 $1.000000000e+00, v61  }
0x2c1: {  	(erf) = vrcp.f32 v60;
	v3 =	vadd.f32 $1.000000000e+00, v3;
	v62 =	vpop (erf)  }
0x2c2: {  	[tilespmem:s11+$0x8E00] =	vst v51;
	v4 =	vadd.f32 $1.000000000e+00, v62;
	(erf) = vrcp.f32 v10  }
0x2c3: {  	[tilespmem:s8+$0x8E10] =	vst v54;
	(erf) = vrcp.f32 v3  }
0x2c4: {  	[tilespmem:s8+$0x8DE0] =	vst v56;
	(erf) = vrcp.f32 v4  }
0x2c5: {  	[tilespmem:s8+$0x8DF0] =	vst v57  }
0x2c6: {  	[tilespmem:s8+$0x8E00] =	vst v58  }
0x2c7: {  	[tilespmem:s16+$0x8E10] =	vst v2;
	v2 =	vpop (erf)  }
0x2c8: {  	[tilespmem:s16+$0x8DE0] =	vst v2;
	v2 =	vpop (erf)  }
0x2c9: {  	[tilespmem:s16+$0x8DF0] =	vst v2;
	v2 =	vpop (erf)  }
0x2ca: {  	[tilespmem:s16+$0x8E00] =	vst v2;
	v2 =	vpop (erf)  }
0x2cb: {  	[tilespmem:s22+$0x8E10] =	vst v2;
	v2 =	vpop (erf)  }
0x2cc: {  	[tilespmem:s22+$0x8DE0] =	vst v2;
	v2 =	vpop (erf)  }
0x2cd: {  	[tilespmem:s22+$0x8DF0] =	vst v2;
	v2 =	vpop (erf)  }
0x2ce: {  	[tilespmem:s22+$0x8E00] =	vst v2  }
0x2cf: {  	v2 =	vld [tilespmem:$0xA0]  }
0x2d0: {  	v3 =	vld [tilespmem:$0xB0]  }
0x2d1: {  	v63 =	vld [tilespmem:$0xC0]  }
0x2d2: {  	v5 =	vld [tilespmem:$0xD0]  }
0x2d3: {  	v6 =	vld [tilespmem:$0xE0]  }
0x2d4: {  	[tilespmem:$0x190] =	vst v2  }
0x2d5: {  	[tilespmem:$0x1A0] =	vst v3  }
0x2d6: {  	[tilespmem:$0x1B0] =	vst v63  }
.Ltmp10:
0x2d7: {  	[tilespmem:$0x1C0] =	vst v5;
	(pc) =	sbr.rel @p1 .LBB2_18-.Ltmp10, $4  }
0x2d8: {  	s1 =	simm.s32 $0x8DE0;
	[tilespmem:$0x1D0] =	vst v6  }
0x2d9: {  	[spmem:s2] =	stream.indirect.scatter.add.f32 [tilespmem:s1], [sflag:$0x6], $0x40, s21, s17, $0xb8;
	[tilespmem:$0x16F30] =	vst v63  }
0x2da: {  	s24 =	simm.s32 $0xA1E0;
	s22 =	rddreg [dreg:$0x3]  }
0x2db: {  	[spmem:s22] =	stream.indirect.scatter.add.f32 [tilespmem:s24], [sflag:$0x7], $0x10, s21, s17, $0xb8;
	[tilespmem:$0x16F30] =	vst v63  }
0x2dc: {  	s1 =	sadd.s32 s9, s13  }
.Ltmp11:
0x2dd: {  	s1 =	sshrl.u32 s1, $0x3;
	(pc) =	sbr.rel .LBB2_13-.Ltmp11, $4  }
0x2de: {  	s8 =	sadd.s32 s6, s1  }
0x2df: {  	[tilespmem:s18], [sflag:$0x4] =	stream.linear.gather [hbm4b:s8+s5], $0x50, $0x38;
	[tilespmem:$0x16F30] =	vst v63  }
0x2e0: {  	s28 =	sadd.s32 $0x1, s28;
	s1 =	sadd.s32 s7, s1  }
0x2e1: {  	[tilespmem:s20], [sflag:$0x4] =	stream.linear.gather [hbm4b:s1+s5], $0x50, $0x38;
	[tilespmem:$0x16F30] =	vst v63  }
.LBB2_10:
.Ltmp12:
0x2e2: {  	(pc) =	sbr.rel .LBB2_19-.Ltmp12, $4  }
0x2e3: {  	s8 =	rddreg [dreg:$0x17]  }
0x2e4: {  	s1 =	rddreg [dreg:$0x19]  }
0x2e5: {  	s14 =	rddreg [dreg:$0x1b]  }
0x2e6: {  	s22 =	sld [smem:$0x7FB]  }
.LBB2_20:
0x2e7: {  	_ =	sfence.sel $0x180000  }
0x2e8: {  	[bflag:$0x0] =	sbarrier.arrive $0xFFFF  }
0x2e9: {  	_ =	strace $0x90000047  }
0x2ea: {  	s0 =	stileid.u32;
	[bflag:$0x2] =	sbarrier.arrive $0xFFFF  }
0x2eb: {  	p0 =	sne.s32 s0, $0x0;
	s0 =	rddreg [dreg:$0x4]  }
0x2ec: {  	s0 =	sadd.s32 @!p0 $0x100000, s0  }
0x2ed: {  	[sflag:s0] =	ssyncadd.tile.s32 @!p0 $0x1;
	_ =	shalt  }
.Lfunc_end2:
_tile_overlayer_lowered:
.L_overlay_start_2:
0x2ee: {  	(tag) =	ssettag $0x2  }
0x2ef: {  	s0 =	rddreg [dreg:$0x0];
	s2 =	stileid.u32  }
0x2f0: {  	s1 =	rddreg [dreg:$0x1];
	p0 =	sne.s32 s2, $0x0  }
0x2f1: {  	s3 =	rddreg [dreg:$0x2];
	[bflag:$0x3] =	sbarrier.arrive $0xFFFF;
	s2 =	simm.s32 @!p0 $0x1C08  }
0x2f2: {  	[timem:s3], [sflag:s2] =	dma.local @!p0 [hbm:s0], s1  }
0x2f3: {  	s0 =	simm.s32 @!p0 $0x8  }
0x2f4: {  	_ =	swait.ge @!p0 [sflag:s0], s1  }
0x2f5: {  	s1 =	ssub.s32 @!p0 $0x0, s1;
	[sflag:s0] =	ssyncset.done @!p0 $0x0  }
0x2f6: {  	[sflag:s0] =	ssyncadd.s32 @!p0 s1  }
0x2f7: {  	[bflag:$0x3] =	sbarrier.arrive $0xFFFF  }
0x2f8: {  	_ =	shalt  }

</sc_bundles>
